<compile_context>
chip_gen: v7x
topology: tpu7x:2x2x1
jax: 0.10.2.dev20260603
libtpu: 0.0.44.dev20260713+nightly
codegen_flags: <defaults>
</compile_context>

<pallas_src>
import functools

import jax
import jax.numpy as jnp
from jax import lax
from jax.experimental import pallas as pl
from jax.experimental.pallas import tpu as pltpu
from jax.experimental.pallas import tpu_sc as plsc

N = 10000
D = 128
E = 320000
NC = 2
NS = 16
NW = NC * NS
CHUNK = 128
NCHUNKS = E // CHUNK
ACC_ROWS = N + 112
RPT = ACC_ROWS // NS


TMAIN = 78


def _tile_chunks(wid):
    return wid * TMAIN


def _mesh():
    return plsc.VectorSubcoreMesh(
        core_axis_name="c", subcore_axis_name="s", num_cores=NC, num_subcores=NS
    )


@functools.partial(
    pl.kernel,
    out_type=jax.ShapeDtypeStruct((NW * ACC_ROWS,), jnp.float32),
    mesh=_mesh(),
    scratch_types=[
        pltpu.VMEM((ACC_ROWS,), jnp.float32),
        pltpu.VMEM(((TMAIN + 1) * CHUNK,), jnp.int32),
        pltpu.SemaphoreType.DMA,
    ],
    compiler_params=pltpu.CompilerParams(needs_layout_passes=False),
)
def _sc_deg(row_hbm, out_hbm, deg_v, idx_v, sem):
    c = lax.axis_index("c")
    s = lax.axis_index("s")
    wid = s * NC + c
    zeros16 = jnp.zeros((16,), jnp.float32)
    ones16 = jnp.ones((16,), jnp.float32)
    cbase = _tile_chunks(wid)
    cnt = TMAIN + (wid < 4).astype(jnp.int32)

    idx_dma = pltpu.async_copy(
        row_hbm.at[pl.ds(cbase * CHUNK, TMAIN * CHUNK)],
        idx_v.at[pl.ds(0, TMAIN * CHUNK)],
        sem,
    )

    @pl.when(wid < 4)
    def _tail():
        pltpu.async_copy(
            row_hbm.at[pl.ds((NW * TMAIN + wid) * CHUNK, CHUNK)],
            idx_v.at[pl.ds(TMAIN * CHUNK, CHUNK)],
            sem,
        )

    @pl.loop(0, ACC_ROWS // 16)
    def _zero(i):
        deg_v[pl.ds(i * 16, 16)] = zeros16

    idx_dma.wait()

    @pl.when(wid < 4)
    def _tail_wait():
        pltpu.make_async_copy(
            row_hbm.at[pl.ds((NW * TMAIN + wid) * CHUNK, CHUNK)],
            idx_v.at[pl.ds(TMAIN * CHUNK, CHUNK)],
            sem,
        ).wait()

    @pl.loop(0, cnt * (CHUNK // 16))
    def _groups(i):
        idx16 = idx_v[pl.ds(i * 16, 16)]
        plsc.addupdate_scatter(deg_v, [idx16], ones16)

    pltpu.sync_copy(deg_v, out_hbm.at[pl.ds(wid * ACC_ROWS, ACC_ROWS)])


@functools.partial(
    pl.kernel,
    out_type=[
        jax.ShapeDtypeStruct((ACC_ROWS, D), jnp.float32),
        jax.ShapeDtypeStruct((ACC_ROWS, D), jnp.float32),
    ],
    mesh=_mesh(),
    scratch_types=[
        pltpu.VMEM_SHARED((ACC_ROWS, D), jnp.float32),
        [pltpu.VMEM((CHUNK, D), jnp.float32) for _ in range(3)],
        [pltpu.VMEM((CHUNK,), jnp.int32) for _ in range(3)],
        [pltpu.VMEM((CHUNK,), jnp.int32) for _ in range(3)],
        [pltpu.SemaphoreType.DMA for _ in range(3)],
        [pltpu.SemaphoreType.DMA for _ in range(3)],
        [pltpu.SemaphoreType.DMA for _ in range(3)],
        [pltpu.SemaphoreType.DMA for _ in range(3)],
    ],
    compiler_params=pltpu.CompilerParams(needs_layout_passes=False),
)
def _sc_gather_scatter(
    g_hbm, row_hbm, col_hbm, out0_hbm, out1_hbm, acc, bufs, cis, ris, gsems, ssems, csems, rsems
):
    c = lax.axis_index("c")
    s = lax.axis_index("s")
    wid = s * NC + c
    zeros16 = jnp.zeros((16,), jnp.float32)
    cbase = _tile_chunks(wid)
    T = TMAIN
    r0 = s * RPT

    with jax.named_scope("zero_acc"):
        @pl.loop(0, CHUNK)
        def _zb(i):
            for j in range(D // 16):
                bufs[0][i, pl.ds(j * 16, 16)] = zeros16

        off = 0
        while off < RPT:
            take = min(CHUNK, RPT - off)
            pltpu.sync_copy(
                bufs[0].at[pl.ds(0, take)], acc.at[pl.ds(r0 + off, take)]
            )
            off += take
        plsc.subcore_barrier()

    def issue_cidx(t, k):
        pltpu.async_copy(
            col_hbm.at[pl.ds((cbase + t) * CHUNK, CHUNK)], cis[k], csems[k]
        )

    def wait_cidx(t, k):
        pltpu.make_async_copy(
            col_hbm.at[pl.ds((cbase + t) * CHUNK, CHUNK)], cis[k], csems[k]
        ).wait()

    def issue_ridx(t, k):
        pltpu.async_copy(
            row_hbm.at[pl.ds((cbase + t) * CHUNK, CHUNK)], ris[k], rsems[k]
        )

    def wait_ridx(t, k):
        pltpu.make_async_copy(
            row_hbm.at[pl.ds((cbase + t) * CHUNK, CHUNK)], ris[k], rsems[k]
        ).wait()

    def issue_gather(k):
        pltpu.async_copy(g_hbm.at[cis[k]], bufs[k], gsems[k])

    def wait_gather(k):
        pltpu.make_async_copy(g_hbm.at[cis[k]], bufs[k], gsems[k]).wait()

    def issue_scatter(k):
        pltpu.async_copy(bufs[k], acc.at[ris[k]], ssems[k], add=True)

    def wait_scatter(k):
        pltpu.make_async_copy(bufs[k], acc.at[ris[k]], ssems[k]).wait()

    with jax.named_scope("edge_loop"):
        issue_cidx(0, 0)
        issue_cidx(1, 1)
        issue_ridx(0, 0)
        wait_cidx(0, 0)
        issue_gather(0)

        @pl.loop(0, T // 3)
        def _steps(q):
            t0 = 3 * q
            for k in range(3):
                t = t0 + k
                kp = (k + 2) % 3
                kn = (k + 1) % 3

                @pl.when(t >= 1)
                def _():
                    wait_ridx(t - 1, kp)
                    wait_gather(kp)
                    issue_scatter(kp)

                @pl.when(t + 2 < T)
                def _():
                    issue_cidx(t + 2, kp)

                @pl.when(t + 1 < T)
                def _():
                    @pl.when(t >= 2)
                    def _():
                        wait_scatter(kn)

                    issue_ridx(t + 1, kn)
                    wait_cidx(t + 1, kn)
                    issue_gather(kn)

        kl = (T - 1) % 3
        wait_ridx(T - 1, kl)
        wait_gather(kl)
        issue_scatter(kl)
        wait_scatter(0)
        wait_scatter(1)
        wait_scatter(2)

        @pl.when(wid < 4)
        def _leftover():
            tl = NW * TMAIN + wid - cbase
            issue_cidx(tl, 0)
            issue_ridx(tl, 0)
            wait_cidx(tl, 0)
            wait_ridx(tl, 0)
            issue_gather(0)
            wait_gather(0)
            issue_scatter(0)
            wait_scatter(0)

    with jax.named_scope("writeout"):
        plsc.subcore_barrier()

        @pl.when(c == 0)
        def _w0():
            pltpu.sync_copy(acc.at[pl.ds(r0, RPT)], out0_hbm.at[pl.ds(r0, RPT)])

        @pl.when(c == 1)
        def _w1():
            pltpu.sync_copy(acc.at[pl.ds(r0, RPT)], out1_hbm.at[pl.ds(r0, RPT)])


RB2 = ACC_ROWS // 16


def _tc1_body(deg_ref, x_ref, w_ref, dinv_ref, g1_ref, out0_ref):
    deg = jnp.sum(deg_ref[...], axis=0)
    dinv = jnp.where(deg > 0, lax.rsqrt(jnp.where(deg > 0, deg, 1.0)), 0.0)
    d = dinv[:, None]
    dinv_ref[...] = d
    xv = x_ref[...]
    g1_ref[...] = d * xv
    out0_ref[...] = jnp.dot(xv, w_ref[...], preferred_element_type=jnp.float32)


def _tc1(degp, xp, w0):
    return pl.pallas_call(
        _tc1_body,
        grid=(1,),
        in_specs=[
            pl.BlockSpec((NW, ACC_ROWS), lambda i: (0, 0)),
            pl.BlockSpec((ACC_ROWS, D), lambda i: (0, 0)),
            pl.BlockSpec((D, D), lambda i: (0, 0)),
        ],
        out_specs=[
            pl.BlockSpec((ACC_ROWS, 1), lambda i: (0, 0)),
            pl.BlockSpec((ACC_ROWS, D), lambda i: (0, 0)),
            pl.BlockSpec((ACC_ROWS, D), lambda i: (0, 0)),
        ],
        out_shape=[
            jax.ShapeDtypeStruct((ACC_ROWS, 1), jnp.float32),
            jax.ShapeDtypeStruct((ACC_ROWS, D), jnp.float32),
            jax.ShapeDtypeStruct((ACC_ROWS, D), jnp.float32),
        ],
    )(degp, xp, w0)


def _tc2_body(a_ref, b_ref, dinv_ref, out0_ref, w_ref, out1_ref, g2_ref):
    d = dinv_ref[...]
    t = -d * (a_ref[...] + b_ref[...])
    out1_ref[...] = out0_ref[...] + jnp.dot(
        t, w_ref[...], preferred_element_type=jnp.float32
    )
    g2_ref[...] = d * t


def _tc2(s1a, s1b, dinv, out0, w1):
    row = pl.BlockSpec((RB2, D), lambda i: (i, 0))
    return pl.pallas_call(
        _tc2_body,
        grid=(ACC_ROWS // RB2,),
        in_specs=[
            row,
            row,
            pl.BlockSpec((RB2, 1), lambda i: (i, 0)),
            row,
            pl.BlockSpec((D, D), lambda i: (0, 0)),
        ],
        out_specs=[row, row],
        out_shape=[
            jax.ShapeDtypeStruct((ACC_ROWS, D), jnp.float32),
            jax.ShapeDtypeStruct((ACC_ROWS, D), jnp.float32),
        ],
    )(s1a, s1b, dinv, out0, w1)


def _tc3_body(a_ref, b_ref, dinv_ref, x_ref, out1_ref, w_ref, bias_ref, y_ref):
    d = dinv_ref[...]
    xv = x_ref[...]
    tx2 = -2.0 * d * (a_ref[...] + b_ref[...]) - xv
    o = (
        out1_ref[...]
        + jnp.dot(tx2, w_ref[...], preferred_element_type=jnp.float32)
        + bias_ref[...]
    )
    y_ref[...] = jnp.maximum(o + xv, 0.0)


def _tc3(s2a, s2b, dinv, xp, out1, w2, bias):
    row = pl.BlockSpec((RB2, D), lambda i: (i, 0))
    return pl.pallas_call(
        _tc3_body,
        grid=(ACC_ROWS // RB2,),
        in_specs=[
            row,
            row,
            pl.BlockSpec((RB2, 1), lambda i: (i, 0)),
            row,
            row,
            pl.BlockSpec((D, D), lambda i: (0, 0)),
            pl.BlockSpec((1, D), lambda i: (0, 0)),
        ],
        out_specs=row,
        out_shape=jax.ShapeDtypeStruct((ACC_ROWS, D), jnp.float32),
    )(s2a, s2b, dinv, xp, out1, w2, bias)


def kernel(x, edge_index, W, b):
    x = x.astype(jnp.float32)
    row = edge_index[0].astype(jnp.int32)
    col = edge_index[1].astype(jnp.int32)
    xp = jnp.concatenate([x, jnp.zeros((ACC_ROWS - N, D), jnp.float32)])

    degp = _sc_deg(row).reshape(NW, ACC_ROWS)
    dinv, g1, out0 = _tc1(degp, xp, W[0])
    s1a, s1b = _sc_gather_scatter(g1, row, col)
    out1, g2 = _tc2(s1a, s1b, dinv, out0, W[1])
    s2a, s2b = _sc_gather_scatter(g2, row, col)
    yp = _tc3(s2a, s2b, dinv, xp, out1, W[2], b.reshape(1, D))
    return yp[:N]

# --- scband reference (transcript-rebuilt; emitter-appended) ---
"""Pipeline reference for scband-temporal-conv-15882789060657 (READ-ONLY COPY).

The authoritative reference and input builder live on the scoring server;
editing this copy changes nothing except your own understanding.
"""

import jax, jax.numpy as jnp
import numpy as np

N = 10000
E = 320000
D = 128
K = 3

def setup_inputs(seed: int = 0) -> dict:
    key = jax.random.key(seed)
    k1, k2, k3, k4 = jax.random.split(key, 4)
    x = jax.random.normal(k1, (N, D), dtype=jnp.float32)
    edge_index = jax.random.randint(k2, (2, E), 0, N)
    # ChebConv parameters: K weight matrices [K, in, out] and bias [out]
    W = jax.random.normal(k3, (K, D, D), dtype=jnp.float32) * 0.05
    b = jax.random.normal(k4, (D,), dtype=jnp.float32) * 0.01
    return {"x": x, "edge_index": edge_index, "W": W, "b": b}

def reference(x, edge_index, W, b):
    # TemporalConv with act='relu': relu(ChebConv(x) + x)
    # ChebConv (PyG semantics, sym normalization, lambda_max=2):
    #   L_hat = -D^{-1/2} A D^{-1/2}
    #   T_0 = x, T_1 = L_hat x, T_k = 2 L_hat T_{k-1} - T_{k-2}
    #   out = sum_k T_k @ W_k + b
    row = edge_index[0]
    col = edge_index[1]
    n = x.shape[0]
    deg = jnp.zeros((n,), dtype=x.dtype).at[row].add(1.0)
    dinv = jnp.where(deg > 0, jax.lax.rsqrt(jnp.where(deg > 0, deg, 1.0)), 0.0)
    norm = -dinv[row] * dinv[col]

    def prop(h):
        # scatter-add of norm-weighted gathered source features (SparseCore gather+scatter)
        return jnp.zeros_like(h).at[row].add(norm[:, None] * h[col])

    Tx0 = x
    out = Tx0 @ W[0]
    Tx1 = prop(Tx0)
    out = out + Tx1 @ W[1]
    for k in range(2, W.shape[0]):
        Tx2 = 2.0 * prop(Tx1) - Tx0
        out = out + Tx2 @ W[k]
        Tx0, Tx1 = Tx1, Tx2
    out = out + b
    return jax.nn.relu(out + x)

if __name__ == "__main__":
    import jax
    _d = setup_inputs()
    print(jax.jit(kernel)(*tuple(_d.values())))

</pallas_src>

<mosaic_0001>
#map = affine_map<(d0, d1) -> (0, 0)>
#map1 = affine_map<(d0, d1) -> (0)>
module attributes {stable_mosaic.version = 14 : i64} {
  func.func @_sc_gather_scatter(%arg0: i32, %arg1: i32, %arg2: memref<10112x128xf32, #tpu.memory_space<hbm>>, %arg3: memref<320000xi32, #tpu.memory_space<hbm>>, %arg4: memref<320000xi32, #tpu.memory_space<hbm>>, %arg5: memref<10112x128xf32, #tpu.memory_space<hbm>>, %arg6: memref<10112x128xf32, #tpu.memory_space<hbm>>, %arg7: memref<10112x128xf32, #tpu.memory_space<vmem_shared>>, %arg8: memref<128x128xf32, #tpu.memory_space<vmem>>, %arg9: memref<128x128xf32, #tpu.memory_space<vmem>>, %arg10: memref<128x128xf32, #tpu.memory_space<vmem>>, %arg11: memref<128xi32, #tpu.memory_space<vmem>>, %arg12: memref<128xi32, #tpu.memory_space<vmem>>, %arg13: memref<128xi32, #tpu.memory_space<vmem>>, %arg14: memref<128xi32, #tpu.memory_space<vmem>>, %arg15: memref<128xi32, #tpu.memory_space<vmem>>, %arg16: memref<128xi32, #tpu.memory_space<vmem>>, %arg17: memref<!tpu.dma_semaphore, #tpu.memory_space<semaphore_mem>>, %arg18: memref<!tpu.dma_semaphore, #tpu.memory_space<semaphore_mem>>, %arg19: memref<!tpu.dma_semaphore, #tpu.memory_space<semaphore_mem>>, %arg20: memref<!tpu.dma_semaphore, #tpu.memory_space<semaphore_mem>>, %arg21: memref<!tpu.dma_semaphore, #tpu.memory_space<semaphore_mem>>, %arg22: memref<!tpu.dma_semaphore, #tpu.memory_space<semaphore_mem>>, %arg23: memref<!tpu.dma_semaphore, #tpu.memory_space<semaphore_mem>>, %arg24: memref<!tpu.dma_semaphore, #tpu.memory_space<semaphore_mem>>, %arg25: memref<!tpu.dma_semaphore, #tpu.memory_space<semaphore_mem>>, %arg26: memref<!tpu.dma_semaphore, #tpu.memory_space<semaphore_mem>>, %arg27: memref<!tpu.dma_semaphore, #tpu.memory_space<semaphore_mem>>, %arg28: memref<!tpu.dma_semaphore, #tpu.memory_space<semaphore_mem>>) attributes {dimension_semantics = [#tpu.dimension_semantics<core_parallel>, #tpu.dimension_semantics<subcore_parallel>], iteration_bounds = array<i64: 2, 16>, scalar_prefetch = 0 : i64, scratch_operands = 22 : i64, tpu.core_type = #tpu.core_type<sc_vector_subcore>, window_params = [{transform_indices = #map}, {transform_indices = #map1}, {transform_indices = #map1}, {transform_indices = #map}, {transform_indices = #map}]} {
    %mul3A = arith.constant 2 : i32
    %mul3A_0 = arith.muli %arg1, %mul3A : i32
    %add3A = arith.addi %mul3A_0, %arg0 : i32
    %broadcast_in_dim3A = arith.constant 0.000000e+00 : f32
    %broadcast_in_dim3A_1 = vector.broadcast %broadcast_in_dim3A : f32 to vector<16xf32>
    %mul3A_2 = arith.constant 78 : i32
    %mul3A_3 = arith.muli %add3A, %mul3A_2 : i32
    %mul3A_4 = arith.constant 632 : i32
    %mul3A_5 = arith.muli %arg1, %mul3A_4 : i32
    "tpu.trace_start"() <{level = 10 : i32, message = "zero_acc"}> : () -> ()
    %scan3A = arith.constant 0 : i32
    %scan3A_6 = arith.constant 128 : i32
    %scan3A_7 = arith.addi %scan3A, %scan3A_6 : i32
    %scan3A_8 = arith.constant 1 : i32
    scf.for %scan3A_83 = %scan3A to %scan3A_7 step %scan3A_8  : i32 {
      %mul3A_84 = arith.constant 1 : i32
      %mul3A_85 = arith.muli %scan3A_83, %mul3A_84 : i32
      %add3A_86 = arith.constant 0 : i32
      %add3A_87 = arith.addi %add3A_86, %mul3A_85 : i32
      %swap3A = arith.index_cast %add3A_87 : i32 to index
      %swap3A_88 = arith.constant 0 : index
      %swap3A_89 = tpu.vector_load %arg8[%swap3A, %swap3A_88] {strides = array<i32>} : memref<128x128xf32, #tpu.memory_space<vmem>>, vector<16xf32>,
      tpu.vector_store %arg8[%swap3A, %swap3A_88], %broadcast_in_dim3A_1 {strides = array<i32>} : memref<128x128xf32, #tpu.memory_space<vmem>>, vector<16xf32>,
      %swap3A_90 = arith.index_cast %add3A_87 : i32 to index
      %swap3A_91 = arith.constant 16 : index
      %swap3A_92 = tpu.vector_load %arg8[%swap3A_90, %swap3A_91] {strides = array<i32>} : memref<128x128xf32, #tpu.memory_space<vmem>>, vector<16xf32>,
      tpu.vector_store %arg8[%swap3A_90, %swap3A_91], %broadcast_in_dim3A_1 {strides = array<i32>} : memref<128x128xf32, #tpu.memory_space<vmem>>, vector<16xf32>,
      %swap3A_93 = arith.index_cast %add3A_87 : i32 to index
      %swap3A_94 = arith.constant 32 : index
      %swap3A_95 = tpu.vector_load %arg8[%swap3A_93, %swap3A_94] {strides = array<i32>} : memref<128x128xf32, #tpu.memory_space<vmem>>, vector<16xf32>,
      tpu.vector_store %arg8[%swap3A_93, %swap3A_94], %broadcast_in_dim3A_1 {strides = array<i32>} : memref<128x128xf32, #tpu.memory_space<vmem>>, vector<16xf32>,
      %swap3A_96 = arith.index_cast %add3A_87 : i32 to index
      %swap3A_97 = arith.constant 48 : index
      %swap3A_98 = tpu.vector_load %arg8[%swap3A_96, %swap3A_97] {strides = array<i32>} : memref<128x128xf32, #tpu.memory_space<vmem>>, vector<16xf32>,
      tpu.vector_store %arg8[%swap3A_96, %swap3A_97], %broadcast_in_dim3A_1 {strides = array<i32>} : memref<128x128xf32, #tpu.memory_space<vmem>>, vector<16xf32>,
      %swap3A_99 = arith.index_cast %add3A_87 : i32 to index
      %swap3A_100 = arith.constant 64 : index
      %swap3A_101 = tpu.vector_load %arg8[%swap3A_99, %swap3A_100] {strides = array<i32>} : memref<128x128xf32, #tpu.memory_space<vmem>>, vector<16xf32>,
      tpu.vector_store %arg8[%swap3A_99, %swap3A_100], %broadcast_in_dim3A_1 {strides = array<i32>} : memref<128x128xf32, #tpu.memory_space<vmem>>, vector<16xf32>,
      %swap3A_102 = arith.index_cast %add3A_87 : i32 to index
      %swap3A_103 = arith.constant 80 : index
      %swap3A_104 = tpu.vector_load %arg8[%swap3A_102, %swap3A_103] {strides = array<i32>} : memref<128x128xf32, #tpu.memory_space<vmem>>, vector<16xf32>,
      tpu.vector_store %arg8[%swap3A_102, %swap3A_103], %broadcast_in_dim3A_1 {strides = array<i32>} : memref<128x128xf32, #tpu.memory_space<vmem>>, vector<16xf32>,
      %swap3A_105 = arith.index_cast %add3A_87 : i32 to index
      %swap3A_106 = arith.constant 96 : index
      %swap3A_107 = tpu.vector_load %arg8[%swap3A_105, %swap3A_106] {strides = array<i32>} : memref<128x128xf32, #tpu.memory_space<vmem>>, vector<16xf32>,
      tpu.vector_store %arg8[%swap3A_105, %swap3A_106], %broadcast_in_dim3A_1 {strides = array<i32>} : memref<128x128xf32, #tpu.memory_space<vmem>>, vector<16xf32>,
      %swap3A_108 = arith.index_cast %add3A_87 : i32 to index
      %swap3A_109 = arith.constant 112 : index
      %swap3A_110 = tpu.vector_load %arg8[%swap3A_108, %swap3A_109] {strides = array<i32>} : memref<128x128xf32, #tpu.memory_space<vmem>>, vector<16xf32>,
      tpu.vector_store %arg8[%swap3A_108, %swap3A_109], %broadcast_in_dim3A_1 {strides = array<i32>} : memref<128x128xf32, #tpu.memory_space<vmem>>, vector<16xf32>,
    }
    %scan3A_9 = arith.constant 128 : i32
    %add3A_10 = arith.constant 0 : i32
    %add3A_11 = arith.addi %mul3A_5, %add3A_10 : i32
    "tpu.region"() ({
      %run_scoped3A = tpu.sem_alloc : memref<!tpu.dma_semaphore, #tpu.memory_space<semaphore_mem>>
      %dma_start3A_83 = arith.constant 0 : i32
      %dma_start3A_84 = arith.constant 0 : i32
      %dma_start3A_85 = tpu.memref_slice %arg8[%dma_start3A_83, %dma_start3A_84] : memref<128x128xf32, #tpu.memory_space<vmem>> -> memref<128x128xf32, #tpu.memory_space<vmem>>
      %dma_start3A_86 = arith.constant 0 : i32
      %dma_start3A_87 = tpu.memref_slice %arg7[%add3A_11, %dma_start3A_86] : memref<10112x128xf32, #tpu.memory_space<vmem_shared>> -> memref<128x128xf32, #tpu.memory_space<vmem_shared>>
      %dma_start3A_88 = arith.constant 0 : i32
      %dma_start3A_89 = tpu.memref_slice %arg7[%add3A_11, %dma_start3A_88] : memref<10112x128xf32, #tpu.memory_space<vmem_shared>> -> memref<128x128xf32, #tpu.memory_space<vmem_shared>>
      %dma_start3A_90 = arith.constant 0 : i32
      %dma_start3A_91 = arith.constant 0 : i32
      %dma_start3A_92 = tpu.memref_slice %arg8[%dma_start3A_90, %dma_start3A_91] : memref<128x128xf32, #tpu.memory_space<vmem>> -> memref<128x128xf32, #tpu.memory_space<vmem>>
      tpu.enqueue_dma source(%dma_start3A_92 : memref<128x128xf32, #tpu.memory_space<vmem>>) target(%dma_start3A_89 : memref<128x128xf32, #tpu.memory_space<vmem_shared>>) target_semaphore(%run_scoped3A : memref<!tpu.dma_semaphore, #tpu.memory_space<semaphore_mem>>)
      %dma_wait3A_93 = arith.constant 0 : i32
      %dma_wait3A_94 = arith.constant 0 : i32
      %dma_wait3A_95 = tpu.memref_slice %arg8[%dma_wait3A_93, %dma_wait3A_94] : memref<128x128xf32, #tpu.memory_space<vmem>> -> memref<128x128xf32, #tpu.memory_space<vmem>>
      %dma_wait3A_96 = arith.constant 0 : i32
      %dma_wait3A_97 = tpu.memref_slice %arg7[%add3A_11, %dma_wait3A_96] : memref<10112x128xf32, #tpu.memory_space<vmem_shared>> -> memref<128x128xf32, #tpu.memory_space<vmem_shared>>
      %dma_wait3A_98 = arith.constant 0 : i32
      %dma_wait3A_99 = tpu.memref_slice %arg7[%add3A_11, %dma_wait3A_98] : memref<10112x128xf32, #tpu.memory_space<vmem_shared>> -> memref<128x128xf32, #tpu.memory_space<vmem_shared>>
      %dma_wait3A_100 = arith.constant 0 : i32
      %dma_wait3A_101 = arith.constant 0 : i32
      %dma_wait3A_102 = tpu.memref_slice %arg8[%dma_wait3A_100, %dma_wait3A_101] : memref<128x128xf32, #tpu.memory_space<vmem>> -> memref<128x128xf32, #tpu.memory_space<vmem>>
      tpu.wait_dma2 semaphore(%run_scoped3A : memref<!tpu.dma_semaphore, #tpu.memory_space<semaphore_mem>>) src(%dma_wait3A_102 : memref<128x128xf32, #tpu.memory_space<vmem>>) dst(%dma_wait3A_99 : memref<128x128xf32, #tpu.memory_space<vmem_shared>>)
      tpu.yield
    }) : () -> ()
    %add3A_12 = arith.constant 128 : i32
    %add3A_13 = arith.addi %mul3A_5, %add3A_12 : i32
    "tpu.region"() ({
      %run_scoped3A = tpu.sem_alloc : memref<!tpu.dma_semaphore, #tpu.memory_space<semaphore_mem>>
      %dma_start3A_83 = arith.constant 0 : i32
      %dma_start3A_84 = arith.constant 0 : i32
      %dma_start3A_85 = tpu.memref_slice %arg8[%dma_start3A_83, %dma_start3A_84] : memref<128x128xf32, #tpu.memory_space<vmem>> -> memref<128x128xf32, #tpu.memory_space<vmem>>
      %dma_start3A_86 = arith.constant 0 : i32
      %dma_start3A_87 = tpu.memref_slice %arg7[%add3A_13, %dma_start3A_86] : memref<10112x128xf32, #tpu.memory_space<vmem_shared>> -> memref<128x128xf32, #tpu.memory_space<vmem_shared>>
      %dma_start3A_88 = arith.constant 0 : i32
      %dma_start3A_89 = tpu.memref_slice %arg7[%add3A_13, %dma_start3A_88] : memref<10112x128xf32, #tpu.memory_space<vmem_shared>> -> memref<128x128xf32, #tpu.memory_space<vmem_shared>>
      %dma_start3A_90 = arith.constant 0 : i32
      %dma_start3A_91 = arith.constant 0 : i32
      %dma_start3A_92 = tpu.memref_slice %arg8[%dma_start3A_90, %dma_start3A_91] : memref<128x128xf32, #tpu.memory_space<vmem>> -> memref<128x128xf32, #tpu.memory_space<vmem>>
      tpu.enqueue_dma source(%dma_start3A_92 : memref<128x128xf32, #tpu.memory_space<vmem>>) target(%dma_start3A_89 : memref<128x128xf32, #tpu.memory_space<vmem_shared>>) target_semaphore(%run_scoped3A : memref<!tpu.dma_semaphore, #tpu.memory_space<semaphore_mem>>)
      %dma_wait3A_93 = arith.constant 0 : i32
      %dma_wait3A_94 = arith.constant 0 : i32
      %dma_wait3A_95 = tpu.memref_slice %arg8[%dma_wait3A_93, %dma_wait3A_94] : memref<128x128xf32, #tpu.memory_space<vmem>> -> memref<128x128xf32, #tpu.memory_space<vmem>>
      %dma_wait3A_96 = arith.constant 0 : i32
      %dma_wait3A_97 = tpu.memref_slice %arg7[%add3A_13, %dma_wait3A_96] : memref<10112x128xf32, #tpu.memory_space<vmem_shared>> -> memref<128x128xf32, #tpu.memory_space<vmem_shared>>
      %dma_wait3A_98 = arith.constant 0 : i32
      %dma_wait3A_99 = tpu.memref_slice %arg7[%add3A_13, %dma_wait3A_98] : memref<10112x128xf32, #tpu.memory_space<vmem_shared>> -> memref<128x128xf32, #tpu.memory_space<vmem_shared>>
      %dma_wait3A_100 = arith.constant 0 : i32
      %dma_wait3A_101 = arith.constant 0 : i32
      %dma_wait3A_102 = tpu.memref_slice %arg8[%dma_wait3A_100, %dma_wait3A_101] : memref<128x128xf32, #tpu.memory_space<vmem>> -> memref<128x128xf32, #tpu.memory_space<vmem>>
      tpu.wait_dma2 semaphore(%run_scoped3A : memref<!tpu.dma_semaphore, #tpu.memory_space<semaphore_mem>>) src(%dma_wait3A_102 : memref<128x128xf32, #tpu.memory_space<vmem>>) dst(%dma_wait3A_99 : memref<128x128xf32, #tpu.memory_space<vmem_shared>>)
      tpu.yield
    }) : () -> ()
    %add3A_14 = arith.constant 256 : i32
    %add3A_15 = arith.addi %mul3A_5, %add3A_14 : i32
    "tpu.region"() ({
      %run_scoped3A = tpu.sem_alloc : memref<!tpu.dma_semaphore, #tpu.memory_space<semaphore_mem>>
      %dma_start3A_83 = arith.constant 0 : i32
      %dma_start3A_84 = arith.constant 0 : i32
      %dma_start3A_85 = tpu.memref_slice %arg8[%dma_start3A_83, %dma_start3A_84] : memref<128x128xf32, #tpu.memory_space<vmem>> -> memref<128x128xf32, #tpu.memory_space<vmem>>
      %dma_start3A_86 = arith.constant 0 : i32
      %dma_start3A_87 = tpu.memref_slice %arg7[%add3A_15, %dma_start3A_86] : memref<10112x128xf32, #tpu.memory_space<vmem_shared>> -> memref<128x128xf32, #tpu.memory_space<vmem_shared>>
      %dma_start3A_88 = arith.constant 0 : i32
      %dma_start3A_89 = tpu.memref_slice %arg7[%add3A_15, %dma_start3A_88] : memref<10112x128xf32, #tpu.memory_space<vmem_shared>> -> memref<128x128xf32, #tpu.memory_space<vmem_shared>>
      %dma_start3A_90 = arith.constant 0 : i32
      %dma_start3A_91 = arith.constant 0 : i32
      %dma_start3A_92 = tpu.memref_slice %arg8[%dma_start3A_90, %dma_start3A_91] : memref<128x128xf32, #tpu.memory_space<vmem>> -> memref<128x128xf32, #tpu.memory_space<vmem>>
      tpu.enqueue_dma source(%dma_start3A_92 : memref<128x128xf32, #tpu.memory_space<vmem>>) target(%dma_start3A_89 : memref<128x128xf32, #tpu.memory_space<vmem_shared>>) target_semaphore(%run_scoped3A : memref<!tpu.dma_semaphore, #tpu.memory_space<semaphore_mem>>)
      %dma_wait3A_93 = arith.constant 0 : i32
      %dma_wait3A_94 = arith.constant 0 : i32
      %dma_wait3A_95 = tpu.memref_slice %arg8[%dma_wait3A_93, %dma_wait3A_94] : memref<128x128xf32, #tpu.memory_space<vmem>> -> memref<128x128xf32, #tpu.memory_space<vmem>>
      %dma_wait3A_96 = arith.constant 0 : i32
      %dma_wait3A_97 = tpu.memref_slice %arg7[%add3A_15, %dma_wait3A_96] : memref<10112x128xf32, #tpu.memory_space<vmem_shared>> -> memref<128x128xf32, #tpu.memory_space<vmem_shared>>
      %dma_wait3A_98 = arith.constant 0 : i32
      %dma_wait3A_99 = tpu.memref_slice %arg7[%add3A_15, %dma_wait3A_98] : memref<10112x128xf32, #tpu.memory_space<vmem_shared>> -> memref<128x128xf32, #tpu.memory_space<vmem_shared>>
      %dma_wait3A_100 = arith.constant 0 : i32
      %dma_wait3A_101 = arith.constant 0 : i32
      %dma_wait3A_102 = tpu.memref_slice %arg8[%dma_wait3A_100, %dma_wait3A_101] : memref<128x128xf32, #tpu.memory_space<vmem>> -> memref<128x128xf32, #tpu.memory_space<vmem>>
      tpu.wait_dma2 semaphore(%run_scoped3A : memref<!tpu.dma_semaphore, #tpu.memory_space<semaphore_mem>>) src(%dma_wait3A_102 : memref<128x128xf32, #tpu.memory_space<vmem>>) dst(%dma_wait3A_99 : memref<128x128xf32, #tpu.memory_space<vmem_shared>>)
      tpu.yield
    }) : () -> ()
    %add3A_16 = arith.constant 384 : i32
    %add3A_17 = arith.addi %mul3A_5, %add3A_16 : i32
    "tpu.region"() ({
      %run_scoped3A = tpu.sem_alloc : memref<!tpu.dma_semaphore, #tpu.memory_space<semaphore_mem>>
      %dma_start3A_83 = arith.constant 0 : i32
      %dma_start3A_84 = arith.constant 0 : i32
      %dma_start3A_85 = tpu.memref_slice %arg8[%dma_start3A_83, %dma_start3A_84] : memref<128x128xf32, #tpu.memory_space<vmem>> -> memref<128x128xf32, #tpu.memory_space<vmem>>
      %dma_start3A_86 = arith.constant 0 : i32
      %dma_start3A_87 = tpu.memref_slice %arg7[%add3A_17, %dma_start3A_86] : memref<10112x128xf32, #tpu.memory_space<vmem_shared>> -> memref<128x128xf32, #tpu.memory_space<vmem_shared>>
      %dma_start3A_88 = arith.constant 0 : i32
      %dma_start3A_89 = tpu.memref_slice %arg7[%add3A_17, %dma_start3A_88] : memref<10112x128xf32, #tpu.memory_space<vmem_shared>> -> memref<128x128xf32, #tpu.memory_space<vmem_shared>>
      %dma_start3A_90 = arith.constant 0 : i32
      %dma_start3A_91 = arith.constant 0 : i32
      %dma_start3A_92 = tpu.memref_slice %arg8[%dma_start3A_90, %dma_start3A_91] : memref<128x128xf32, #tpu.memory_space<vmem>> -> memref<128x128xf32, #tpu.memory_space<vmem>>
      tpu.enqueue_dma source(%dma_start3A_92 : memref<128x128xf32, #tpu.memory_space<vmem>>) target(%dma_start3A_89 : memref<128x128xf32, #tpu.memory_space<vmem_shared>>) target_semaphore(%run_scoped3A : memref<!tpu.dma_semaphore, #tpu.memory_space<semaphore_mem>>)
      %dma_wait3A_93 = arith.constant 0 : i32
      %dma_wait3A_94 = arith.constant 0 : i32
      %dma_wait3A_95 = tpu.memref_slice %arg8[%dma_wait3A_93, %dma_wait3A_94] : memref<128x128xf32, #tpu.memory_space<vmem>> -> memref<128x128xf32, #tpu.memory_space<vmem>>
      %dma_wait3A_96 = arith.constant 0 : i32
      %dma_wait3A_97 = tpu.memref_slice %arg7[%add3A_17, %dma_wait3A_96] : memref<10112x128xf32, #tpu.memory_space<vmem_shared>> -> memref<128x128xf32, #tpu.memory_space<vmem_shared>>
      %dma_wait3A_98 = arith.constant 0 : i32
      %dma_wait3A_99 = tpu.memref_slice %arg7[%add3A_17, %dma_wait3A_98] : memref<10112x128xf32, #tpu.memory_space<vmem_shared>> -> memref<128x128xf32, #tpu.memory_space<vmem_shared>>
      %dma_wait3A_100 = arith.constant 0 : i32
      %dma_wait3A_101 = arith.constant 0 : i32
      %dma_wait3A_102 = tpu.memref_slice %arg8[%dma_wait3A_100, %dma_wait3A_101] : memref<128x128xf32, #tpu.memory_space<vmem>> -> memref<128x128xf32, #tpu.memory_space<vmem>>
      tpu.wait_dma2 semaphore(%run_scoped3A : memref<!tpu.dma_semaphore, #tpu.memory_space<semaphore_mem>>) src(%dma_wait3A_102 : memref<128x128xf32, #tpu.memory_space<vmem>>) dst(%dma_wait3A_99 : memref<128x128xf32, #tpu.memory_space<vmem_shared>>)
      tpu.yield
    }) : () -> ()
    %add3A_18 = arith.constant 512 : i32
    %add3A_19 = arith.addi %mul3A_5, %add3A_18 : i32
    "tpu.region"() ({
      %run_scoped3A = tpu.sem_alloc : memref<!tpu.dma_semaphore, #tpu.memory_space<semaphore_mem>>
      %dma_start3A_83 = arith.constant 0 : i32
      %dma_start3A_84 = arith.constant 0 : i32
      %dma_start3A_85 = tpu.memref_slice %arg8[%dma_start3A_83, %dma_start3A_84] : memref<128x128xf32, #tpu.memory_space<vmem>> -> memref<120x128xf32, #tpu.memory_space<vmem>>
      %dma_start3A_86 = arith.constant 0 : i32
      %dma_start3A_87 = tpu.memref_slice %arg7[%add3A_19, %dma_start3A_86] : memref<10112x128xf32, #tpu.memory_space<vmem_shared>> -> memref<120x128xf32, #tpu.memory_space<vmem_shared>>
      %dma_start3A_88 = arith.constant 0 : i32
      %dma_start3A_89 = tpu.memref_slice %arg7[%add3A_19, %dma_start3A_88] : memref<10112x128xf32, #tpu.memory_space<vmem_shared>> -> memref<120x128xf32, #tpu.memory_space<vmem_shared>>
      %dma_start3A_90 = arith.constant 0 : i32
      %dma_start3A_91 = arith.constant 0 : i32
      %dma_start3A_92 = tpu.memref_slice %arg8[%dma_start3A_90, %dma_start3A_91] : memref<128x128xf32, #tpu.memory_space<vmem>> -> memref<120x128xf32, #tpu.memory_space<vmem>>
      tpu.enqueue_dma source(%dma_start3A_92 : memref<120x128xf32, #tpu.memory_space<vmem>>) target(%dma_start3A_89 : memref<120x128xf32, #tpu.memory_space<vmem_shared>>) target_semaphore(%run_scoped3A : memref<!tpu.dma_semaphore, #tpu.memory_space<semaphore_mem>>)
      %dma_wait3A_93 = arith.constant 0 : i32
      %dma_wait3A_94 = arith.constant 0 : i32
      %dma_wait3A_95 = tpu.memref_slice %arg8[%dma_wait3A_93, %dma_wait3A_94] : memref<128x128xf32, #tpu.memory_space<vmem>> -> memref<120x128xf32, #tpu.memory_space<vmem>>
      %dma_wait3A_96 = arith.constant 0 : i32
      %dma_wait3A_97 = tpu.memref_slice %arg7[%add3A_19, %dma_wait3A_96] : memref<10112x128xf32, #tpu.memory_space<vmem_shared>> -> memref<120x128xf32, #tpu.memory_space<vmem_shared>>
      %dma_wait3A_98 = arith.constant 0 : i32
      %dma_wait3A_99 = tpu.memref_slice %arg7[%add3A_19, %dma_wait3A_98] : memref<10112x128xf32, #tpu.memory_space<vmem_shared>> -> memref<120x128xf32, #tpu.memory_space<vmem_shared>>
      %dma_wait3A_100 = arith.constant 0 : i32
      %dma_wait3A_101 = arith.constant 0 : i32
      %dma_wait3A_102 = tpu.memref_slice %arg8[%dma_wait3A_100, %dma_wait3A_101] : memref<128x128xf32, #tpu.memory_space<vmem>> -> memref<120x128xf32, #tpu.memory_space<vmem>>
      tpu.wait_dma2 semaphore(%run_scoped3A : memref<!tpu.dma_semaphore, #tpu.memory_space<semaphore_mem>>) src(%dma_wait3A_102 : memref<120x128xf32, #tpu.memory_space<vmem>>) dst(%dma_wait3A_99 : memref<120x128xf32, #tpu.memory_space<vmem_shared>>)
      tpu.yield
    }) : () -> ()
    %barrier3A = arith.constant 0 : index
    tpu.barrier barrier_id(%barrier3A)
    "tpu.trace_stop"() : () -> ()
    "tpu.trace_start"() <{level = 10 : i32, message = "edge_loop"}> : () -> ()
    %add3A_20 = arith.constant 0 : i32
    %add3A_21 = arith.addi %mul3A_3, %add3A_20 : i32
    %mul3A_22 = arith.constant 128 : i32
    %mul3A_23 = arith.muli %add3A_21, %mul3A_22 : i32
    %dma_start3A = tpu.memref_slice %arg4[%mul3A_23] : memref<320000xi32, #tpu.memory_space<hbm>> -> memref<128xi32, #tpu.memory_space<hbm>>
    %dma_start3A_24 = tpu.memref_slice %arg4[%mul3A_23] : memref<320000xi32, #tpu.memory_space<hbm>> -> memref<128xi32, #tpu.memory_space<hbm>>
    tpu.enqueue_dma source(%dma_start3A_24 : memref<128xi32, #tpu.memory_space<hbm>>) target(%arg11 : memref<128xi32, #tpu.memory_space<vmem>>) target_semaphore(%arg23 : memref<!tpu.dma_semaphore, #tpu.memory_space<semaphore_mem>>)
    %add3A_25 = arith.constant 1 : i32
    %add3A_26 = arith.addi %mul3A_3, %add3A_25 : i32
    %mul3A_27 = arith.constant 128 : i32
    %mul3A_28 = arith.muli %add3A_26, %mul3A_27 : i32
    %dma_start3A_29 = tpu.memref_slice %arg4[%mul3A_28] : memref<320000xi32, #tpu.memory_space<hbm>> -> memref<128xi32, #tpu.memory_space<hbm>>
    %dma_start3A_30 = tpu.memref_slice %arg4[%mul3A_28] : memref<320000xi32, #tpu.memory_space<hbm>> -> memref<128xi32, #tpu.memory_space<hbm>>
    tpu.enqueue_dma source(%dma_start3A_30 : memref<128xi32, #tpu.memory_space<hbm>>) target(%arg12 : memref<128xi32, #tpu.memory_space<vmem>>) target_semaphore(%arg24 : memref<!tpu.dma_semaphore, #tpu.memory_space<semaphore_mem>>)
    %add3A_31 = arith.constant 0 : i32
    %add3A_32 = arith.addi %mul3A_3, %add3A_31 : i32
    %mul3A_33 = arith.constant 128 : i32
    %mul3A_34 = arith.muli %add3A_32, %mul3A_33 : i32
    %dma_start3A_35 = tpu.memref_slice %arg3[%mul3A_34] : memref<320000xi32, #tpu.memory_space<hbm>> -> memref<128xi32, #tpu.memory_space<hbm>>
    %dma_start3A_36 = tpu.memref_slice %arg3[%mul3A_34] : memref<320000xi32, #tpu.memory_space<hbm>> -> memref<128xi32, #tpu.memory_space<hbm>>
    tpu.enqueue_dma source(%dma_start3A_36 : memref<128xi32, #tpu.memory_space<hbm>>) target(%arg14 : memref<128xi32, #tpu.memory_space<vmem>>) target_semaphore(%arg26 : memref<!tpu.dma_semaphore, #tpu.memory_space<semaphore_mem>>)
    %add3A_37 = arith.constant 0 : i32
    %add3A_38 = arith.addi %mul3A_3, %add3A_37 : i32
    %mul3A_39 = arith.constant 128 : i32
    %mul3A_40 = arith.muli %add3A_38, %mul3A_39 : i32
    %dma_wait3A = tpu.memref_slice %arg4[%mul3A_40] : memref<320000xi32, #tpu.memory_space<hbm>> -> memref<128xi32, #tpu.memory_space<hbm>>
    %dma_wait3A_41 = tpu.memref_slice %arg4[%mul3A_40] : memref<320000xi32, #tpu.memory_space<hbm>> -> memref<128xi32, #tpu.memory_space<hbm>>
    tpu.wait_dma2 semaphore(%arg23 : memref<!tpu.dma_semaphore, #tpu.memory_space<semaphore_mem>>) src(%dma_wait3A_41 : memref<128xi32, #tpu.memory_space<hbm>>) dst(%arg11 : memref<128xi32, #tpu.memory_space<vmem>>)
    %dma_start3A_42 = arith.constant 0 : i32
    %dma_start3A_43 = arith.constant 0 : i32
    %dma_start3A_44 = tpu.memref_slice %arg2[%dma_start3A_42, %dma_start3A_43] : memref<10112x128xf32, #tpu.memory_space<hbm>> -> memref<10112x128xf32, #tpu.memory_space<hbm>>
    tpu.enqueue_indirect_dma source(%dma_start3A_44 : memref<10112x128xf32, #tpu.memory_space<hbm>>) target(%arg8 : memref<128x128xf32, #tpu.memory_space<vmem>>) offsets(%arg11 : memref<128xi32, #tpu.memory_space<vmem>>) semaphore(%arg17 : memref<!tpu.dma_semaphore, #tpu.memory_space<semaphore_mem>>)
    %scan3A_45 = arith.constant 0 : i32
    %scan3A_46 = arith.constant 26 : i32
    %scan3A_47 = arith.addi %scan3A_45, %scan3A_46 : i32
    %scan3A_48 = arith.constant 1 : i32
    scf.for %scan3A_83 = %scan3A_45 to %scan3A_47 step %scan3A_48  : i32 {
      %mul3A_84 = arith.constant 1 : i32
      %mul3A_85 = arith.muli %scan3A_83, %mul3A_84 : i32
      %add3A_86 = arith.constant 0 : i32
      %add3A_87 = arith.addi %add3A_86, %mul3A_85 : i32
      %mul3A_88 = arith.constant 3 : i32
      %mul3A_89 = arith.muli %mul3A_88, %add3A_87 : i32
      %add3A_90 = arith.constant 0 : i32
      %add3A_91 = arith.addi %mul3A_89, %add3A_90 : i32
      %ge3A = arith.constant 1 : i32
      %ge3A_92 = arith.cmpi sge, %add3A_91, %ge3A : i32
      %convert_element_type3A_93 = arith.extui %ge3A_92 : i1 to i32
      %cond3A_94 = arith.constant 0 : i32
      %cond3A_95 = arith.cmpi ne, %convert_element_type3A_93, %cond3A_94 : i32
      scf.if %cond3A_95 {
        %sub3A = arith.constant 1 : i32
        %sub3A_152 = arith.subi %add3A_91, %sub3A : i32
        %add3A_153 = arith.addi %mul3A_3, %sub3A_152 : i32
        %mul3A_154 = arith.constant 128 : i32
        %mul3A_155 = arith.muli %add3A_153, %mul3A_154 : i32
        %dma_wait3A_156 = tpu.memref_slice %arg3[%mul3A_155] : memref<320000xi32, #tpu.memory_space<hbm>> -> memref<128xi32, #tpu.memory_space<hbm>>
        %dma_wait3A_157 = tpu.memref_slice %arg3[%mul3A_155] : memref<320000xi32, #tpu.memory_space<hbm>> -> memref<128xi32, #tpu.memory_space<hbm>>
        tpu.wait_dma2 semaphore(%arg28 : memref<!tpu.dma_semaphore, #tpu.memory_space<semaphore_mem>>) src(%dma_wait3A_157 : memref<128xi32, #tpu.memory_space<hbm>>) dst(%arg16 : memref<128xi32, #tpu.memory_space<vmem>>)
        %dma_wait3A_158 = arith.constant 0 : i32
        %dma_wait3A_159 = arith.constant 0 : i32
        %dma_wait3A_160 = tpu.memref_slice %arg2[%dma_wait3A_158, %dma_wait3A_159] : memref<10112x128xf32, #tpu.memory_space<hbm>> -> memref<10112x128xf32, #tpu.memory_space<hbm>>
        tpu.wait_indirect_dma semaphore(%arg19 : memref<!tpu.dma_semaphore, #tpu.memory_space<semaphore_mem>>) src(%dma_wait3A_160 : memref<10112x128xf32, #tpu.memory_space<hbm>>) dst(%arg10 : memref<128x128xf32, #tpu.memory_space<vmem>>)
        %dma_start3A_161 = arith.constant 0 : i32
        %dma_start3A_162 = arith.constant 0 : i32
        %dma_start3A_163 = tpu.memref_slice %arg7[%dma_start3A_161, %dma_start3A_162] : memref<10112x128xf32, #tpu.memory_space<vmem_shared>> -> memref<10112x128xf32, #tpu.memory_space<vmem_shared>>
        tpu.enqueue_indirect_dma source(%arg10 : memref<128x128xf32, #tpu.memory_space<vmem>>) target(%dma_start3A_163 : memref<10112x128xf32, #tpu.memory_space<vmem_shared>>) offsets(%arg16 : memref<128xi32, #tpu.memory_space<vmem>>) semaphore(%arg22 : memref<!tpu.dma_semaphore, #tpu.memory_space<semaphore_mem>>) {add = true}
      } else {
      }
      %add3A_96 = arith.constant 2 : i32
      %add3A_97 = arith.addi %add3A_91, %add3A_96 : i32
      %lt3A_98 = arith.constant 78 : i32
      %lt3A_99 = arith.cmpi slt, %add3A_97, %lt3A_98 : i32
      %convert_element_type3A_100 = arith.extui %lt3A_99 : i1 to i32
      %cond3A_101 = arith.constant 0 : i32
      %cond3A_102 = arith.cmpi ne, %convert_element_type3A_100, %cond3A_101 : i32
      scf.if %cond3A_102 {
        %add3A_152 = arith.constant 2 : i32
        %add3A_153 = arith.addi %add3A_91, %add3A_152 : i32
        %add3A_154 = arith.addi %mul3A_3, %add3A_153 : i32
        %mul3A_155 = arith.constant 128 : i32
        %mul3A_156 = arith.muli %add3A_154, %mul3A_155 : i32
        %dma_start3A_157 = tpu.memref_slice %arg4[%mul3A_156] : memref<320000xi32, #tpu.memory_space<hbm>> -> memref<128xi32, #tpu.memory_space<hbm>>
        %dma_start3A_158 = tpu.memref_slice %arg4[%mul3A_156] : memref<320000xi32, #tpu.memory_space<hbm>> -> memref<128xi32, #tpu.memory_space<hbm>>
        tpu.enqueue_dma source(%dma_start3A_158 : memref<128xi32, #tpu.memory_space<hbm>>) target(%arg13 : memref<128xi32, #tpu.memory_space<vmem>>) target_semaphore(%arg25 : memref<!tpu.dma_semaphore, #tpu.memory_space<semaphore_mem>>)
      } else {
      }
      %add3A_103 = arith.constant 1 : i32
      %add3A_104 = arith.addi %add3A_91, %add3A_103 : i32
      %lt3A_105 = arith.constant 78 : i32
      %lt3A_106 = arith.cmpi slt, %add3A_104, %lt3A_105 : i32
      %convert_element_type3A_107 = arith.extui %lt3A_106 : i1 to i32
      %cond3A_108 = arith.constant 0 : i32
      %cond3A_109 = arith.cmpi ne, %convert_element_type3A_107, %cond3A_108 : i32
      scf.if %cond3A_109 {
        %ge3A_152 = arith.constant 2 : i32
        %ge3A_153 = arith.cmpi sge, %add3A_91, %ge3A_152 : i32
        %convert_element_type3A_154 = arith.extui %ge3A_153 : i1 to i32
        %cond3A_155 = arith.constant 0 : i32
        %cond3A_156 = arith.cmpi ne, %convert_element_type3A_154, %cond3A_155 : i32
        scf.if %cond3A_156 {
          %dma_wait3A_174 = arith.constant 0 : i32
          %dma_wait3A_175 = arith.constant 0 : i32
          %dma_wait3A_176 = tpu.memref_slice %arg7[%dma_wait3A_174, %dma_wait3A_175] : memref<10112x128xf32, #tpu.memory_space<vmem_shared>> -> memref<10112x128xf32, #tpu.memory_space<vmem_shared>>
          tpu.wait_indirect_dma semaphore(%arg21 : memref<!tpu.dma_semaphore, #tpu.memory_space<semaphore_mem>>) src(%arg9 : memref<128x128xf32, #tpu.memory_space<vmem>>) dst(%dma_wait3A_176 : memref<10112x128xf32, #tpu.memory_space<vmem_shared>>)
        } else {
        }
        %add3A_157 = arith.constant 1 : i32
        %add3A_158 = arith.addi %add3A_91, %add3A_157 : i32
        %add3A_159 = arith.addi %mul3A_3, %add3A_158 : i32
        %mul3A_160 = arith.constant 128 : i32
        %mul3A_161 = arith.muli %add3A_159, %mul3A_160 : i32
        %dma_start3A_162 = tpu.memref_slice %arg3[%mul3A_161] : memref<320000xi32, #tpu.memory_space<hbm>> -> memref<128xi32, #tpu.memory_space<hbm>>
        %dma_start3A_163 = tpu.memref_slice %arg3[%mul3A_161] : memref<320000xi32, #tpu.memory_space<hbm>> -> memref<128xi32, #tpu.memory_space<hbm>>
        tpu.enqueue_dma source(%dma_start3A_163 : memref<128xi32, #tpu.memory_space<hbm>>) target(%arg15 : memref<128xi32, #tpu.memory_space<vmem>>) target_semaphore(%arg27 : memref<!tpu.dma_semaphore, #tpu.memory_space<semaphore_mem>>)
        %add3A_164 = arith.constant 1 : i32
        %add3A_165 = arith.addi %add3A_91, %add3A_164 : i32
        %add3A_166 = arith.addi %mul3A_3, %add3A_165 : i32
        %mul3A_167 = arith.constant 128 : i32
        %mul3A_168 = arith.muli %add3A_166, %mul3A_167 : i32
        %dma_wait3A_169 = tpu.memref_slice %arg4[%mul3A_168] : memref<320000xi32, #tpu.memory_space<hbm>> -> memref<128xi32, #tpu.memory_space<hbm>>
        %dma_wait3A_170 = tpu.memref_slice %arg4[%mul3A_168] : memref<320000xi32, #tpu.memory_space<hbm>> -> memref<128xi32, #tpu.memory_space<hbm>>
        tpu.wait_dma2 semaphore(%arg24 : memref<!tpu.dma_semaphore, #tpu.memory_space<semaphore_mem>>) src(%dma_wait3A_170 : memref<128xi32, #tpu.memory_space<hbm>>) dst(%arg12 : memref<128xi32, #tpu.memory_space<vmem>>)
        %dma_start3A_171 = arith.constant 0 : i32
        %dma_start3A_172 = arith.constant 0 : i32
        %dma_start3A_173 = tpu.memref_slice %arg2[%dma_start3A_171, %dma_start3A_172] : memref<10112x128xf32, #tpu.memory_space<hbm>> -> memref<10112x128xf32, #tpu.memory_space<hbm>>
        tpu.enqueue_indirect_dma source(%dma_start3A_173 : memref<10112x128xf32, #tpu.memory_space<hbm>>) target(%arg9 : memref<128x128xf32, #tpu.memory_space<vmem>>) offsets(%arg12 : memref<128xi32, #tpu.memory_space<vmem>>) semaphore(%arg18 : memref<!tpu.dma_semaphore, #tpu.memory_space<semaphore_mem>>)
      } else {
      }
      %add3A_110 = arith.constant 1 : i32
      %add3A_111 = arith.addi %mul3A_89, %add3A_110 : i32
      %ge3A_112 = arith.constant 1 : i32
      %ge3A_113 = arith.cmpi sge, %add3A_111, %ge3A_112 : i32
      %convert_element_type3A_114 = arith.extui %ge3A_113 : i1 to i32
      %cond3A_115 = arith.constant 0 : i32
      %cond3A_116 = arith.cmpi ne, %convert_element_type3A_114, %cond3A_115 : i32
      scf.if %cond3A_116 {
        %sub3A = arith.constant 1 : i32
        %sub3A_152 = arith.subi %add3A_111, %sub3A : i32
        %add3A_153 = arith.addi %mul3A_3, %sub3A_152 : i32
        %mul3A_154 = arith.constant 128 : i32
        %mul3A_155 = arith.muli %add3A_153, %mul3A_154 : i32
        %dma_wait3A_156 = tpu.memref_slice %arg3[%mul3A_155] : memref<320000xi32, #tpu.memory_space<hbm>> -> memref<128xi32, #tpu.memory_space<hbm>>
        %dma_wait3A_157 = tpu.memref_slice %arg3[%mul3A_155] : memref<320000xi32, #tpu.memory_space<hbm>> -> memref<128xi32, #tpu.memory_space<hbm>>
        tpu.wait_dma2 semaphore(%arg26 : memref<!tpu.dma_semaphore, #tpu.memory_space<semaphore_mem>>) src(%dma_wait3A_157 : memref<128xi32, #tpu.memory_space<hbm>>) dst(%arg14 : memref<128xi32, #tpu.memory_space<vmem>>)
        %dma_wait3A_158 = arith.constant 0 : i32
        %dma_wait3A_159 = arith.constant 0 : i32
        %dma_wait3A_160 = tpu.memref_slice %arg2[%dma_wait3A_158, %dma_wait3A_159] : memref<10112x128xf32, #tpu.memory_space<hbm>> -> memref<10112x128xf32, #tpu.memory_space<hbm>>
        tpu.wait_indirect_dma semaphore(%arg17 : memref<!tpu.dma_semaphore, #tpu.memory_space<semaphore_mem>>) src(%dma_wait3A_160 : memref<10112x128xf32, #tpu.memory_space<hbm>>) dst(%arg8 : memref<128x128xf32, #tpu.memory_space<vmem>>)
        %dma_start3A_161 = arith.constant 0 : i32
        %dma_start3A_162 = arith.constant 0 : i32
        %dma_start3A_163 = tpu.memref_slice %arg7[%dma_start3A_161, %dma_start3A_162] : memref<10112x128xf32, #tpu.memory_space<vmem_shared>> -> memref<10112x128xf32, #tpu.memory_space<vmem_shared>>
        tpu.enqueue_indirect_dma source(%arg8 : memref<128x128xf32, #tpu.memory_space<vmem>>) target(%dma_start3A_163 : memref<10112x128xf32, #tpu.memory_space<vmem_shared>>) offsets(%arg14 : memref<128xi32, #tpu.memory_space<vmem>>) semaphore(%arg20 : memref<!tpu.dma_semaphore, #tpu.memory_space<semaphore_mem>>) {add = true}
      } else {
      }
      %add3A_117 = arith.constant 2 : i32
      %add3A_118 = arith.addi %add3A_111, %add3A_117 : i32
      %lt3A_119 = arith.constant 78 : i32
      %lt3A_120 = arith.cmpi slt, %add3A_118, %lt3A_119 : i32
      %convert_element_type3A_121 = arith.extui %lt3A_120 : i1 to i32
      %cond3A_122 = arith.constant 0 : i32
      %cond3A_123 = arith.cmpi ne, %convert_element_type3A_121, %cond3A_122 : i32
      scf.if %cond3A_123 {
        %add3A_152 = arith.constant 2 : i32
        %add3A_153 = arith.addi %add3A_111, %add3A_152 : i32
        %add3A_154 = arith.addi %mul3A_3, %add3A_153 : i32
        %mul3A_155 = arith.constant 128 : i32
        %mul3A_156 = arith.muli %add3A_154, %mul3A_155 : i32
        %dma_start3A_157 = tpu.memref_slice %arg4[%mul3A_156] : memref<320000xi32, #tpu.memory_space<hbm>> -> memref<128xi32, #tpu.memory_space<hbm>>
        %dma_start3A_158 = tpu.memref_slice %arg4[%mul3A_156] : memref<320000xi32, #tpu.memory_space<hbm>> -> memref<128xi32, #tpu.memory_space<hbm>>
        tpu.enqueue_dma source(%dma_start3A_158 : memref<128xi32, #tpu.memory_space<hbm>>) target(%arg11 : memref<128xi32, #tpu.memory_space<vmem>>) target_semaphore(%arg23 : memref<!tpu.dma_semaphore, #tpu.memory_space<semaphore_mem>>)
      } else {
      }
      %add3A_124 = arith.constant 1 : i32
      %add3A_125 = arith.addi %add3A_111, %add3A_124 : i32
      %lt3A_126 = arith.constant 78 : i32
      %lt3A_127 = arith.cmpi slt, %add3A_125, %lt3A_126 : i32
      %convert_element_type3A_128 = arith.extui %lt3A_127 : i1 to i32
      %cond3A_129 = arith.constant 0 : i32
      %cond3A_130 = arith.cmpi ne, %convert_element_type3A_128, %cond3A_129 : i32
      scf.if %cond3A_130 {
        %ge3A_152 = arith.constant 2 : i32
        %ge3A_153 = arith.cmpi sge, %add3A_111, %ge3A_152 : i32
        %convert_element_type3A_154 = arith.extui %ge3A_153 : i1 to i32
        %cond3A_155 = arith.constant 0 : i32
        %cond3A_156 = arith.cmpi ne, %convert_element_type3A_154, %cond3A_155 : i32
        scf.if %cond3A_156 {
          %dma_wait3A_174 = arith.constant 0 : i32
          %dma_wait3A_175 = arith.constant 0 : i32
          %dma_wait3A_176 = tpu.memref_slice %arg7[%dma_wait3A_174, %dma_wait3A_175] : memref<10112x128xf32, #tpu.memory_space<vmem_shared>> -> memref<10112x128xf32, #tpu.memory_space<vmem_shared>>
          tpu.wait_indirect_dma semaphore(%arg22 : memref<!tpu.dma_semaphore, #tpu.memory_space<semaphore_mem>>) src(%arg10 : memref<128x128xf32, #tpu.memory_space<vmem>>) dst(%dma_wait3A_176 : memref<10112x128xf32, #tpu.memory_space<vmem_shared>>)
        } else {
        }
        %add3A_157 = arith.constant 1 : i32
        %add3A_158 = arith.addi %add3A_111, %add3A_157 : i32
        %add3A_159 = arith.addi %mul3A_3, %add3A_158 : i32
        %mul3A_160 = arith.constant 128 : i32
        %mul3A_161 = arith.muli %add3A_159, %mul3A_160 : i32
        %dma_start3A_162 = tpu.memref_slice %arg3[%mul3A_161] : memref<320000xi32, #tpu.memory_space<hbm>> -> memref<128xi32, #tpu.memory_space<hbm>>
        %dma_start3A_163 = tpu.memref_slice %arg3[%mul3A_161] : memref<320000xi32, #tpu.memory_space<hbm>> -> memref<128xi32, #tpu.memory_space<hbm>>
        tpu.enqueue_dma source(%dma_start3A_163 : memref<128xi32, #tpu.memory_space<hbm>>) target(%arg16 : memref<128xi32, #tpu.memory_space<vmem>>) target_semaphore(%arg28 : memref<!tpu.dma_semaphore, #tpu.memory_space<semaphore_mem>>)
        %add3A_164 = arith.constant 1 : i32
        %add3A_165 = arith.addi %add3A_111, %add3A_164 : i32
        %add3A_166 = arith.addi %mul3A_3, %add3A_165 : i32
        %mul3A_167 = arith.constant 128 : i32
        %mul3A_168 = arith.muli %add3A_166, %mul3A_167 : i32
        %dma_wait3A_169 = tpu.memref_slice %arg4[%mul3A_168] : memref<320000xi32, #tpu.memory_space<hbm>> -> memref<128xi32, #tpu.memory_space<hbm>>
        %dma_wait3A_170 = tpu.memref_slice %arg4[%mul3A_168] : memref<320000xi32, #tpu.memory_space<hbm>> -> memref<128xi32, #tpu.memory_space<hbm>>
        tpu.wait_dma2 semaphore(%arg25 : memref<!tpu.dma_semaphore, #tpu.memory_space<semaphore_mem>>) src(%dma_wait3A_170 : memref<128xi32, #tpu.memory_space<hbm>>) dst(%arg13 : memref<128xi32, #tpu.memory_space<vmem>>)
        %dma_start3A_171 = arith.constant 0 : i32
        %dma_start3A_172 = arith.constant 0 : i32
        %dma_start3A_173 = tpu.memref_slice %arg2[%dma_start3A_171, %dma_start3A_172] : memref<10112x128xf32, #tpu.memory_space<hbm>> -> memref<10112x128xf32, #tpu.memory_space<hbm>>
        tpu.enqueue_indirect_dma source(%dma_start3A_173 : memref<10112x128xf32, #tpu.memory_space<hbm>>) target(%arg10 : memref<128x128xf32, #tpu.memory_space<vmem>>) offsets(%arg13 : memref<128xi32, #tpu.memory_space<vmem>>) semaphore(%arg19 : memref<!tpu.dma_semaphore, #tpu.memory_space<semaphore_mem>>)
      } else {
      }
      %add3A_131 = arith.constant 2 : i32
      %add3A_132 = arith.addi %mul3A_89, %add3A_131 : i32
      %ge3A_133 = arith.constant 1 : i32
      %ge3A_134 = arith.cmpi sge, %add3A_132, %ge3A_133 : i32
      %convert_element_type3A_135 = arith.extui %ge3A_134 : i1 to i32
      %cond3A_136 = arith.constant 0 : i32
      %cond3A_137 = arith.cmpi ne, %convert_element_type3A_135, %cond3A_136 : i32
      scf.if %cond3A_137 {
        %sub3A = arith.constant 1 : i32
        %sub3A_152 = arith.subi %add3A_132, %sub3A : i32
        %add3A_153 = arith.addi %mul3A_3, %sub3A_152 : i32
        %mul3A_154 = arith.constant 128 : i32
        %mul3A_155 = arith.muli %add3A_153, %mul3A_154 : i32
        %dma_wait3A_156 = tpu.memref_slice %arg3[%mul3A_155] : memref<320000xi32, #tpu.memory_space<hbm>> -> memref<128xi32, #tpu.memory_space<hbm>>
        %dma_wait3A_157 = tpu.memref_slice %arg3[%mul3A_155] : memref<320000xi32, #tpu.memory_space<hbm>> -> memref<128xi32, #tpu.memory_space<hbm>>
        tpu.wait_dma2 semaphore(%arg27 : memref<!tpu.dma_semaphore, #tpu.memory_space<semaphore_mem>>) src(%dma_wait3A_157 : memref<128xi32, #tpu.memory_space<hbm>>) dst(%arg15 : memref<128xi32, #tpu.memory_space<vmem>>)
        %dma_wait3A_158 = arith.constant 0 : i32
        %dma_wait3A_159 = arith.constant 0 : i32
        %dma_wait3A_160 = tpu.memref_slice %arg2[%dma_wait3A_158, %dma_wait3A_159] : memref<10112x128xf32, #tpu.memory_space<hbm>> -> memref<10112x128xf32, #tpu.memory_space<hbm>>
        tpu.wait_indirect_dma semaphore(%arg18 : memref<!tpu.dma_semaphore, #tpu.memory_space<semaphore_mem>>) src(%dma_wait3A_160 : memref<10112x128xf32, #tpu.memory_space<hbm>>) dst(%arg9 : memref<128x128xf32, #tpu.memory_space<vmem>>)
        %dma_start3A_161 = arith.constant 0 : i32
        %dma_start3A_162 = arith.constant 0 : i32
        %dma_start3A_163 = tpu.memref_slice %arg7[%dma_start3A_161, %dma_start3A_162] : memref<10112x128xf32, #tpu.memory_space<vmem_shared>> -> memref<10112x128xf32, #tpu.memory_space<vmem_shared>>
        tpu.enqueue_indirect_dma source(%arg9 : memref<128x128xf32, #tpu.memory_space<vmem>>) target(%dma_start3A_163 : memref<10112x128xf32, #tpu.memory_space<vmem_shared>>) offsets(%arg15 : memref<128xi32, #tpu.memory_space<vmem>>) semaphore(%arg21 : memref<!tpu.dma_semaphore, #tpu.memory_space<semaphore_mem>>) {add = true}
      } else {
      }
      %add3A_138 = arith.constant 2 : i32
      %add3A_139 = arith.addi %add3A_132, %add3A_138 : i32
      %lt3A_140 = arith.constant 78 : i32
      %lt3A_141 = arith.cmpi slt, %add3A_139, %lt3A_140 : i32
      %convert_element_type3A_142 = arith.extui %lt3A_141 : i1 to i32
      %cond3A_143 = arith.constant 0 : i32
      %cond3A_144 = arith.cmpi ne, %convert_element_type3A_142, %cond3A_143 : i32
      scf.if %cond3A_144 {
        %add3A_152 = arith.constant 2 : i32
        %add3A_153 = arith.addi %add3A_132, %add3A_152 : i32
        %add3A_154 = arith.addi %mul3A_3, %add3A_153 : i32
        %mul3A_155 = arith.constant 128 : i32
        %mul3A_156 = arith.muli %add3A_154, %mul3A_155 : i32
        %dma_start3A_157 = tpu.memref_slice %arg4[%mul3A_156] : memref<320000xi32, #tpu.memory_space<hbm>> -> memref<128xi32, #tpu.memory_space<hbm>>
        %dma_start3A_158 = tpu.memref_slice %arg4[%mul3A_156] : memref<320000xi32, #tpu.memory_space<hbm>> -> memref<128xi32, #tpu.memory_space<hbm>>
        tpu.enqueue_dma source(%dma_start3A_158 : memref<128xi32, #tpu.memory_space<hbm>>) target(%arg12 : memref<128xi32, #tpu.memory_space<vmem>>) target_semaphore(%arg24 : memref<!tpu.dma_semaphore, #tpu.memory_space<semaphore_mem>>)
      } else {
      }
      %add3A_145 = arith.constant 1 : i32
      %add3A_146 = arith.addi %add3A_132, %add3A_145 : i32
      %lt3A_147 = arith.constant 78 : i32
      %lt3A_148 = arith.cmpi slt, %add3A_146, %lt3A_147 : i32
      %convert_element_type3A_149 = arith.extui %lt3A_148 : i1 to i32
      %cond3A_150 = arith.constant 0 : i32
      %cond3A_151 = arith.cmpi ne, %convert_element_type3A_149, %cond3A_150 : i32
      scf.if %cond3A_151 {
        %ge3A_152 = arith.constant 2 : i32
        %ge3A_153 = arith.cmpi sge, %add3A_132, %ge3A_152 : i32
        %convert_element_type3A_154 = arith.extui %ge3A_153 : i1 to i32
        %cond3A_155 = arith.constant 0 : i32
        %cond3A_156 = arith.cmpi ne, %convert_element_type3A_154, %cond3A_155 : i32
        scf.if %cond3A_156 {
          %dma_wait3A_174 = arith.constant 0 : i32
          %dma_wait3A_175 = arith.constant 0 : i32
          %dma_wait3A_176 = tpu.memref_slice %arg7[%dma_wait3A_174, %dma_wait3A_175] : memref<10112x128xf32, #tpu.memory_space<vmem_shared>> -> memref<10112x128xf32, #tpu.memory_space<vmem_shared>>
          tpu.wait_indirect_dma semaphore(%arg20 : memref<!tpu.dma_semaphore, #tpu.memory_space<semaphore_mem>>) src(%arg8 : memref<128x128xf32, #tpu.memory_space<vmem>>) dst(%dma_wait3A_176 : memref<10112x128xf32, #tpu.memory_space<vmem_shared>>)
        } else {
        }
        %add3A_157 = arith.constant 1 : i32
        %add3A_158 = arith.addi %add3A_132, %add3A_157 : i32
        %add3A_159 = arith.addi %mul3A_3, %add3A_158 : i32
        %mul3A_160 = arith.constant 128 : i32
        %mul3A_161 = arith.muli %add3A_159, %mul3A_160 : i32
        %dma_start3A_162 = tpu.memref_slice %arg3[%mul3A_161] : memref<320000xi32, #tpu.memory_space<hbm>> -> memref<128xi32, #tpu.memory_space<hbm>>
        %dma_start3A_163 = tpu.memref_slice %arg3[%mul3A_161] : memref<320000xi32, #tpu.memory_space<hbm>> -> memref<128xi32, #tpu.memory_space<hbm>>
        tpu.enqueue_dma source(%dma_start3A_163 : memref<128xi32, #tpu.memory_space<hbm>>) target(%arg14 : memref<128xi32, #tpu.memory_space<vmem>>) target_semaphore(%arg26 : memref<!tpu.dma_semaphore, #tpu.memory_space<semaphore_mem>>)
        %add3A_164 = arith.constant 1 : i32
        %add3A_165 = arith.addi %add3A_132, %add3A_164 : i32
        %add3A_166 = arith.addi %mul3A_3, %add3A_165 : i32
        %mul3A_167 = arith.constant 128 : i32
        %mul3A_168 = arith.muli %add3A_166, %mul3A_167 : i32
        %dma_wait3A_169 = tpu.memref_slice %arg4[%mul3A_168] : memref<320000xi32, #tpu.memory_space<hbm>> -> memref<128xi32, #tpu.memory_space<hbm>>
        %dma_wait3A_170 = tpu.memref_slice %arg4[%mul3A_168] : memref<320000xi32, #tpu.memory_space<hbm>> -> memref<128xi32, #tpu.memory_space<hbm>>
        tpu.wait_dma2 semaphore(%arg23 : memref<!tpu.dma_semaphore, #tpu.memory_space<semaphore_mem>>) src(%dma_wait3A_170 : memref<128xi32, #tpu.memory_space<hbm>>) dst(%arg11 : memref<128xi32, #tpu.memory_space<vmem>>)
        %dma_start3A_171 = arith.constant 0 : i32
        %dma_start3A_172 = arith.constant 0 : i32
        %dma_start3A_173 = tpu.memref_slice %arg2[%dma_start3A_171, %dma_start3A_172] : memref<10112x128xf32, #tpu.memory_space<hbm>> -> memref<10112x128xf32, #tpu.memory_space<hbm>>
        tpu.enqueue_indirect_dma source(%dma_start3A_173 : memref<10112x128xf32, #tpu.memory_space<hbm>>) target(%arg8 : memref<128x128xf32, #tpu.memory_space<vmem>>) offsets(%arg11 : memref<128xi32, #tpu.memory_space<vmem>>) semaphore(%arg17 : memref<!tpu.dma_semaphore, #tpu.memory_space<semaphore_mem>>)
      } else {
      }
    }
    %scan3A_49 = arith.constant 26 : i32
    %add3A_50 = arith.constant 77 : i32
    %add3A_51 = arith.addi %mul3A_3, %add3A_50 : i32
    %mul3A_52 = arith.constant 128 : i32
    %mul3A_53 = arith.muli %add3A_51, %mul3A_52 : i32
    %dma_wait3A_54 = tpu.memref_slice %arg3[%mul3A_53] : memref<320000xi32, #tpu.memory_space<hbm>> -> memref<128xi32, #tpu.memory_space<hbm>>
    %dma_wait3A_55 = tpu.memref_slice %arg3[%mul3A_53] : memref<320000xi32, #tpu.memory_space<hbm>> -> memref<128xi32, #tpu.memory_space<hbm>>
    tpu.wait_dma2 semaphore(%arg28 : memref<!tpu.dma_semaphore, #tpu.memory_space<semaphore_mem>>) src(%dma_wait3A_55 : memref<128xi32, #tpu.memory_space<hbm>>) dst(%arg16 : memref<128xi32, #tpu.memory_space<vmem>>)
    %dma_wait3A_56 = arith.constant 0 : i32
    %dma_wait3A_57 = arith.constant 0 : i32
    %dma_wait3A_58 = tpu.memref_slice %arg2[%dma_wait3A_56, %dma_wait3A_57] : memref<10112x128xf32, #tpu.memory_space<hbm>> -> memref<10112x128xf32, #tpu.memory_space<hbm>>
    tpu.wait_indirect_dma semaphore(%arg19 : memref<!tpu.dma_semaphore, #tpu.memory_space<semaphore_mem>>) src(%dma_wait3A_58 : memref<10112x128xf32, #tpu.memory_space<hbm>>) dst(%arg10 : memref<128x128xf32, #tpu.memory_space<vmem>>)
    %dma_start3A_59 = arith.constant 0 : i32
    %dma_start3A_60 = arith.constant 0 : i32
    %dma_start3A_61 = tpu.memref_slice %arg7[%dma_start3A_59, %dma_start3A_60] : memref<10112x128xf32, #tpu.memory_space<vmem_shared>> -> memref<10112x128xf32, #tpu.memory_space<vmem_shared>>
    tpu.enqueue_indirect_dma source(%arg10 : memref<128x128xf32, #tpu.memory_space<vmem>>) target(%dma_start3A_61 : memref<10112x128xf32, #tpu.memory_space<vmem_shared>>) offsets(%arg16 : memref<128xi32, #tpu.memory_space<vmem>>) semaphore(%arg22 : memref<!tpu.dma_semaphore, #tpu.memory_space<semaphore_mem>>) {add = true}
    %dma_wait3A_62 = arith.constant 0 : i32
    %dma_wait3A_63 = arith.constant 0 : i32
    %dma_wait3A_64 = tpu.memref_slice %arg7[%dma_wait3A_62, %dma_wait3A_63] : memref<10112x128xf32, #tpu.memory_space<vmem_shared>> -> memref<10112x128xf32, #tpu.memory_space<vmem_shared>>
    tpu.wait_indirect_dma semaphore(%arg20 : memref<!tpu.dma_semaphore, #tpu.memory_space<semaphore_mem>>) src(%arg8 : memref<128x128xf32, #tpu.memory_space<vmem>>) dst(%dma_wait3A_64 : memref<10112x128xf32, #tpu.memory_space<vmem_shared>>)
    %dma_wait3A_65 = arith.constant 0 : i32
    %dma_wait3A_66 = arith.constant 0 : i32
    %dma_wait3A_67 = tpu.memref_slice %arg7[%dma_wait3A_65, %dma_wait3A_66] : memref<10112x128xf32, #tpu.memory_space<vmem_shared>> -> memref<10112x128xf32, #tpu.memory_space<vmem_shared>>
    tpu.wait_indirect_dma semaphore(%arg21 : memref<!tpu.dma_semaphore, #tpu.memory_space<semaphore_mem>>) src(%arg9 : memref<128x128xf32, #tpu.memory_space<vmem>>) dst(%dma_wait3A_67 : memref<10112x128xf32, #tpu.memory_space<vmem_shared>>)
    %dma_wait3A_68 = arith.constant 0 : i32
    %dma_wait3A_69 = arith.constant 0 : i32
    %dma_wait3A_70 = tpu.memref_slice %arg7[%dma_wait3A_68, %dma_wait3A_69] : memref<10112x128xf32, #tpu.memory_space<vmem_shared>> -> memref<10112x128xf32, #tpu.memory_space<vmem_shared>>
    tpu.wait_indirect_dma semaphore(%arg22 : memref<!tpu.dma_semaphore, #tpu.memory_space<semaphore_mem>>) src(%arg10 : memref<128x128xf32, #tpu.memory_space<vmem>>) dst(%dma_wait3A_70 : memref<10112x128xf32, #tpu.memory_space<vmem_shared>>)
    %lt3A = arith.constant 4 : i32
    %lt3A_71 = arith.cmpi slt, %add3A, %lt3A : i32
    %convert_element_type3A = arith.extui %lt3A_71 : i1 to i32
    %cond3A = arith.constant 0 : i32
    %cond3A_72 = arith.cmpi ne, %convert_element_type3A, %cond3A : i32
    scf.if %cond3A_72 {
      %add3A_83 = arith.constant 2496 : i32
      %add3A_84 = arith.addi %add3A_83, %add3A : i32
      %sub3A = arith.subi %add3A_84, %mul3A_3 : i32
      %add3A_85 = arith.addi %mul3A_3, %sub3A : i32
      %mul3A_86 = arith.constant 128 : i32
      %mul3A_87 = arith.muli %add3A_85, %mul3A_86 : i32
      %dma_start3A_88 = tpu.memref_slice %arg4[%mul3A_87] : memref<320000xi32, #tpu.memory_space<hbm>> -> memref<128xi32, #tpu.memory_space<hbm>>
      %dma_start3A_89 = tpu.memref_slice %arg4[%mul3A_87] : memref<320000xi32, #tpu.memory_space<hbm>> -> memref<128xi32, #tpu.memory_space<hbm>>
      tpu.enqueue_dma source(%dma_start3A_89 : memref<128xi32, #tpu.memory_space<hbm>>) target(%arg11 : memref<128xi32, #tpu.memory_space<vmem>>) target_semaphore(%arg23 : memref<!tpu.dma_semaphore, #tpu.memory_space<semaphore_mem>>)
      %add3A_90 = arith.addi %mul3A_3, %sub3A : i32
      %mul3A_91 = arith.constant 128 : i32
      %mul3A_92 = arith.muli %add3A_90, %mul3A_91 : i32
      %dma_start3A_93 = tpu.memref_slice %arg3[%mul3A_92] : memref<320000xi32, #tpu.memory_space<hbm>> -> memref<128xi32, #tpu.memory_space<hbm>>
      %dma_start3A_94 = tpu.memref_slice %arg3[%mul3A_92] : memref<320000xi32, #tpu.memory_space<hbm>> -> memref<128xi32, #tpu.memory_space<hbm>>
      tpu.enqueue_dma source(%dma_start3A_94 : memref<128xi32, #tpu.memory_space<hbm>>) target(%arg14 : memref<128xi32, #tpu.memory_space<vmem>>) target_semaphore(%arg26 : memref<!tpu.dma_semaphore, #tpu.memory_space<semaphore_mem>>)
      %add3A_95 = arith.addi %mul3A_3, %sub3A : i32
      %mul3A_96 = arith.constant 128 : i32
      %mul3A_97 = arith.muli %add3A_95, %mul3A_96 : i32
      %dma_wait3A_98 = tpu.memref_slice %arg4[%mul3A_97] : memref<320000xi32, #tpu.memory_space<hbm>> -> memref<128xi32, #tpu.memory_space<hbm>>
      %dma_wait3A_99 = tpu.memref_slice %arg4[%mul3A_97] : memref<320000xi32, #tpu.memory_space<hbm>> -> memref<128xi32, #tpu.memory_space<hbm>>
      tpu.wait_dma2 semaphore(%arg23 : memref<!tpu.dma_semaphore, #tpu.memory_space<semaphore_mem>>) src(%dma_wait3A_99 : memref<128xi32, #tpu.memory_space<hbm>>) dst(%arg11 : memref<128xi32, #tpu.memory_space<vmem>>)
      %add3A_100 = arith.addi %mul3A_3, %sub3A : i32
      %mul3A_101 = arith.constant 128 : i32
      %mul3A_102 = arith.muli %add3A_100, %mul3A_101 : i32
      %dma_wait3A_103 = tpu.memref_slice %arg3[%mul3A_102] : memref<320000xi32, #tpu.memory_space<hbm>> -> memref<128xi32, #tpu.memory_space<hbm>>
      %dma_wait3A_104 = tpu.memref_slice %arg3[%mul3A_102] : memref<320000xi32, #tpu.memory_space<hbm>> -> memref<128xi32, #tpu.memory_space<hbm>>
      tpu.wait_dma2 semaphore(%arg26 : memref<!tpu.dma_semaphore, #tpu.memory_space<semaphore_mem>>) src(%dma_wait3A_104 : memref<128xi32, #tpu.memory_space<hbm>>) dst(%arg14 : memref<128xi32, #tpu.memory_space<vmem>>)
      %dma_start3A_105 = arith.constant 0 : i32
      %dma_start3A_106 = arith.constant 0 : i32
      %dma_start3A_107 = tpu.memref_slice %arg2[%dma_start3A_105, %dma_start3A_106] : memref<10112x128xf32, #tpu.memory_space<hbm>> -> memref<10112x128xf32, #tpu.memory_space<hbm>>
      tpu.enqueue_indirect_dma source(%dma_start3A_107 : memref<10112x128xf32, #tpu.memory_space<hbm>>) target(%arg8 : memref<128x128xf32, #tpu.memory_space<vmem>>) offsets(%arg11 : memref<128xi32, #tpu.memory_space<vmem>>) semaphore(%arg17 : memref<!tpu.dma_semaphore, #tpu.memory_space<semaphore_mem>>)
      %dma_wait3A_108 = arith.constant 0 : i32
      %dma_wait3A_109 = arith.constant 0 : i32
      %dma_wait3A_110 = tpu.memref_slice %arg2[%dma_wait3A_108, %dma_wait3A_109] : memref<10112x128xf32, #tpu.memory_space<hbm>> -> memref<10112x128xf32, #tpu.memory_space<hbm>>
      tpu.wait_indirect_dma semaphore(%arg17 : memref<!tpu.dma_semaphore, #tpu.memory_space<semaphore_mem>>) src(%dma_wait3A_110 : memref<10112x128xf32, #tpu.memory_space<hbm>>) dst(%arg8 : memref<128x128xf32, #tpu.memory_space<vmem>>)
      %dma_start3A_111 = arith.constant 0 : i32
      %dma_start3A_112 = arith.constant 0 : i32
      %dma_start3A_113 = tpu.memref_slice %arg7[%dma_start3A_111, %dma_start3A_112] : memref<10112x128xf32, #tpu.memory_space<vmem_shared>> -> memref<10112x128xf32, #tpu.memory_space<vmem_shared>>
      tpu.enqueue_indirect_dma source(%arg8 : memref<128x128xf32, #tpu.memory_space<vmem>>) target(%dma_start3A_113 : memref<10112x128xf32, #tpu.memory_space<vmem_shared>>) offsets(%arg14 : memref<128xi32, #tpu.memory_space<vmem>>) semaphore(%arg20 : memref<!tpu.dma_semaphore, #tpu.memory_space<semaphore_mem>>) {add = true}
      %dma_wait3A_114 = arith.constant 0 : i32
      %dma_wait3A_115 = arith.constant 0 : i32
      %dma_wait3A_116 = tpu.memref_slice %arg7[%dma_wait3A_114, %dma_wait3A_115] : memref<10112x128xf32, #tpu.memory_space<vmem_shared>> -> memref<10112x128xf32, #tpu.memory_space<vmem_shared>>
      tpu.wait_indirect_dma semaphore(%arg20 : memref<!tpu.dma_semaphore, #tpu.memory_space<semaphore_mem>>) src(%arg8 : memref<128x128xf32, #tpu.memory_space<vmem>>) dst(%dma_wait3A_116 : memref<10112x128xf32, #tpu.memory_space<vmem_shared>>)
    } else {
    }
    "tpu.trace_stop"() : () -> ()
    "tpu.trace_start"() <{level = 10 : i32, message = "writeout"}> : () -> ()
    %barrier3A_73 = arith.constant 0 : index
    tpu.barrier barrier_id(%barrier3A_73)
    %eq3A = arith.constant 0 : i32
    %eq3A_74 = arith.cmpi eq, %arg0, %eq3A : i32
    %convert_element_type3A_75 = arith.extui %eq3A_74 : i1 to i32
    %cond3A_76 = arith.constant 0 : i32
    %cond3A_77 = arith.cmpi ne, %convert_element_type3A_75, %cond3A_76 : i32
    scf.if %cond3A_77 {
      "tpu.region"() ({
        %run_scoped3A = tpu.sem_alloc : memref<!tpu.dma_semaphore, #tpu.memory_space<semaphore_mem>>
        %dma_start3A_83 = arith.constant 0 : i32
        %dma_start3A_84 = tpu.memref_slice %arg5[%mul3A_5, %dma_start3A_83] : memref<10112x128xf32, #tpu.memory_space<hbm>> -> memref<632x128xf32, #tpu.memory_space<hbm>>
        %dma_start3A_85 = arith.constant 0 : i32
        %dma_start3A_86 = tpu.memref_slice %arg7[%mul3A_5, %dma_start3A_85] : memref<10112x128xf32, #tpu.memory_space<vmem_shared>> -> memref<632x128xf32, #tpu.memory_space<vmem_shared>>
        tpu.enqueue_dma source(%dma_start3A_86 : memref<632x128xf32, #tpu.memory_space<vmem_shared>>) target(%dma_start3A_84 : memref<632x128xf32, #tpu.memory_space<hbm>>) target_semaphore(%run_scoped3A : memref<!tpu.dma_semaphore, #tpu.memory_space<semaphore_mem>>)
        %dma_wait3A_87 = arith.constant 0 : i32
        %dma_wait3A_88 = tpu.memref_slice %arg5[%mul3A_5, %dma_wait3A_87] : memref<10112x128xf32, #tpu.memory_space<hbm>> -> memref<632x128xf32, #tpu.memory_space<hbm>>
        %dma_wait3A_89 = arith.constant 0 : i32
        %dma_wait3A_90 = tpu.memref_slice %arg7[%mul3A_5, %dma_wait3A_89] : memref<10112x128xf32, #tpu.memory_space<vmem_shared>> -> memref<632x128xf32, #tpu.memory_space<vmem_shared>>
        tpu.wait_dma2 semaphore(%run_scoped3A : memref<!tpu.dma_semaphore, #tpu.memory_space<semaphore_mem>>) src(%dma_wait3A_90 : memref<632x128xf32, #tpu.memory_space<vmem_shared>>) dst(%dma_wait3A_88 : memref<632x128xf32, #tpu.memory_space<hbm>>)
        tpu.yield
      }) : () -> ()
    } else {
    }
    %eq3A_78 = arith.constant 1 : i32
    %eq3A_79 = arith.cmpi eq, %arg0, %eq3A_78 : i32
    %convert_element_type3A_80 = arith.extui %eq3A_79 : i1 to i32
    %cond3A_81 = arith.constant 0 : i32
    %cond3A_82 = arith.cmpi ne, %convert_element_type3A_80, %cond3A_81 : i32
    scf.if %cond3A_82 {
      "tpu.region"() ({
        %run_scoped3A = tpu.sem_alloc : memref<!tpu.dma_semaphore, #tpu.memory_space<semaphore_mem>>
        %dma_start3A_83 = arith.constant 0 : i32
        %dma_start3A_84 = tpu.memref_slice %arg6[%mul3A_5, %dma_start3A_83] : memref<10112x128xf32, #tpu.memory_space<hbm>> -> memref<632x128xf32, #tpu.memory_space<hbm>>
        %dma_start3A_85 = arith.constant 0 : i32
        %dma_start3A_86 = tpu.memref_slice %arg7[%mul3A_5, %dma_start3A_85] : memref<10112x128xf32, #tpu.memory_space<vmem_shared>> -> memref<632x128xf32, #tpu.memory_space<vmem_shared>>
        tpu.enqueue_dma source(%dma_start3A_86 : memref<632x128xf32, #tpu.memory_space<vmem_shared>>) target(%dma_start3A_84 : memref<632x128xf32, #tpu.memory_space<hbm>>) target_semaphore(%run_scoped3A : memref<!tpu.dma_semaphore, #tpu.memory_space<semaphore_mem>>)
        %dma_wait3A_87 = arith.constant 0 : i32
        %dma_wait3A_88 = tpu.memref_slice %arg6[%mul3A_5, %dma_wait3A_87] : memref<10112x128xf32, #tpu.memory_space<hbm>> -> memref<632x128xf32, #tpu.memory_space<hbm>>
        %dma_wait3A_89 = arith.constant 0 : i32
        %dma_wait3A_90 = tpu.memref_slice %arg7[%mul3A_5, %dma_wait3A_89] : memref<10112x128xf32, #tpu.memory_space<vmem_shared>> -> memref<632x128xf32, #tpu.memory_space<vmem_shared>>
        tpu.wait_dma2 semaphore(%run_scoped3A : memref<!tpu.dma_semaphore, #tpu.memory_space<semaphore_mem>>) src(%dma_wait3A_90 : memref<632x128xf32, #tpu.memory_space<vmem_shared>>) dst(%dma_wait3A_88 : memref<632x128xf32, #tpu.memory_space<hbm>>)
        tpu.yield
      }) : () -> ()
    } else {
    }
    "tpu.trace_stop"() : () -> ()
    return
  }
}

#map = affine_map<(d0, d1) -> (0)>
module attributes {stable_mosaic.version = 14 : i64} {
  func.func @_sc_deg(%arg0: i32, %arg1: i32, %arg2: memref<320000xi32, #tpu.memory_space<hbm>>, %arg3: memref<323584xf32, #tpu.memory_space<hbm>>, %arg4: memref<10112xf32, #tpu.memory_space<vmem>>, %arg5: memref<10112xi32, #tpu.memory_space<vmem>>, %arg6: memref<!tpu.dma_semaphore, #tpu.memory_space<semaphore_mem>>) attributes {dimension_semantics = [#tpu.dimension_semantics<core_parallel>, #tpu.dimension_semantics<subcore_parallel>], iteration_bounds = array<i64: 2, 16>, scalar_prefetch = 0 : i64, scratch_operands = 3 : i64, tpu.core_type = #tpu.core_type<sc_vector_subcore>, window_params = [{transform_indices = #map}, {transform_indices = #map}]} {
    %mul3A = arith.constant 2 : i32
    %mul3A_0 = arith.muli %arg1, %mul3A : i32
    %add3A = arith.addi %mul3A_0, %arg0 : i32
    %broadcast_in_dim3A = arith.constant 0.000000e+00 : f32
    %broadcast_in_dim3A_1 = vector.broadcast %broadcast_in_dim3A : f32 to vector<16xf32>
    %broadcast_in_dim3A_2 = arith.constant 1.000000e+00 : f32
    %broadcast_in_dim3A_3 = vector.broadcast %broadcast_in_dim3A_2 : f32 to vector<16xf32>
    %mul3A_4 = arith.constant 78 : i32
    %mul3A_5 = arith.muli %add3A, %mul3A_4 : i32
    %lt3A = arith.constant 4 : i32
    %lt3A_6 = arith.cmpi slt, %add3A, %lt3A : i32
    %convert_element_type3A = arith.extui %lt3A_6 : i1 to i32
    %add3A_7 = arith.constant 78 : i32
    %add3A_8 = arith.addi %add3A_7, %convert_element_type3A : i32
    %mul3A_9 = arith.constant 128 : i32
    %mul3A_10 = arith.muli %mul3A_5, %mul3A_9 : i32
    %dma_start3A = arith.constant 0 : i32
    %dma_start3A_11 = tpu.memref_slice %arg5[%dma_start3A] : memref<10112xi32, #tpu.memory_space<vmem>> -> memref<9984xi32, #tpu.memory_space<vmem>>
    %dma_start3A_12 = tpu.memref_slice %arg2[%mul3A_10] : memref<320000xi32, #tpu.memory_space<hbm>> -> memref<9984xi32, #tpu.memory_space<hbm>>
    %dma_start3A_13 = arith.constant 0 : i32
    %dma_start3A_14 = tpu.memref_slice %arg5[%dma_start3A_13] : memref<10112xi32, #tpu.memory_space<vmem>> -> memref<9984xi32, #tpu.memory_space<vmem>>
    %dma_start3A_15 = tpu.memref_slice %arg2[%mul3A_10] : memref<320000xi32, #tpu.memory_space<hbm>> -> memref<9984xi32, #tpu.memory_space<hbm>>
    tpu.enqueue_dma source(%dma_start3A_15 : memref<9984xi32, #tpu.memory_space<hbm>>) target(%dma_start3A_14 : memref<9984xi32, #tpu.memory_space<vmem>>) target_semaphore(%arg6 : memref<!tpu.dma_semaphore, #tpu.memory_space<semaphore_mem>>)
    %lt3A_16 = arith.constant 4 : i32
    %lt3A_17 = arith.cmpi slt, %add3A, %lt3A_16 : i32
    %convert_element_type3A_18 = arith.extui %lt3A_17 : i1 to i32
    %cond3A = arith.constant 0 : i32
    %cond3A_19 = arith.cmpi ne, %convert_element_type3A_18, %cond3A : i32
    scf.if %cond3A_19 {
      %add3A_54 = arith.constant 2496 : i32
      %add3A_55 = arith.addi %add3A_54, %add3A : i32
      %mul3A_56 = arith.constant 128 : i32
      %mul3A_57 = arith.muli %add3A_55, %mul3A_56 : i32
      %dma_start3A_58 = arith.constant 9984 : i32
      %dma_start3A_59 = tpu.memref_slice %arg5[%dma_start3A_58] : memref<10112xi32, #tpu.memory_space<vmem>> -> memref<128xi32, #tpu.memory_space<vmem>>
      %dma_start3A_60 = tpu.memref_slice %arg2[%mul3A_57] : memref<320000xi32, #tpu.memory_space<hbm>> -> memref<128xi32, #tpu.memory_space<hbm>>
      %dma_start3A_61 = arith.constant 9984 : i32
      %dma_start3A_62 = tpu.memref_slice %arg5[%dma_start3A_61] : memref<10112xi32, #tpu.memory_space<vmem>> -> memref<128xi32, #tpu.memory_space<vmem>>
      %dma_start3A_63 = tpu.memref_slice %arg2[%mul3A_57] : memref<320000xi32, #tpu.memory_space<hbm>> -> memref<128xi32, #tpu.memory_space<hbm>>
      tpu.enqueue_dma source(%dma_start3A_63 : memref<128xi32, #tpu.memory_space<hbm>>) target(%dma_start3A_62 : memref<128xi32, #tpu.memory_space<vmem>>) target_semaphore(%arg6 : memref<!tpu.dma_semaphore, #tpu.memory_space<semaphore_mem>>)
    } else {
    }
    %scan3A = arith.constant 0 : i32
    %scan3A_20 = arith.constant 632 : i32
    %scan3A_21 = arith.addi %scan3A, %scan3A_20 : i32
    %scan3A_22 = arith.constant 1 : i32
    scf.for %scan3A_54 = %scan3A to %scan3A_21 step %scan3A_22  : i32 {
      %mul3A_55 = arith.constant 1 : i32
      %mul3A_56 = arith.muli %scan3A_54, %mul3A_55 : i32
      %add3A_57 = arith.constant 0 : i32
      %add3A_58 = arith.addi %add3A_57, %mul3A_56 : i32
      %mul3A_59 = arith.constant 16 : i32
      %mul3A_60 = arith.muli %add3A_58, %mul3A_59 : i32
      %swap3A = arith.index_cast %mul3A_60 : i32 to index
      %swap3A_61 = tpu.vector_load %arg4[%swap3A] {strides = array<i32>} : memref<10112xf32, #tpu.memory_space<vmem>>, vector<16xf32>,
      tpu.vector_store %arg4[%swap3A], %broadcast_in_dim3A_1 {strides = array<i32>} : memref<10112xf32, #tpu.memory_space<vmem>>, vector<16xf32>,
    }
    %scan3A_23 = arith.constant 632 : i32
    %dma_wait3A = arith.constant 0 : i32
    %dma_wait3A_24 = tpu.memref_slice %arg5[%dma_wait3A] : memref<10112xi32, #tpu.memory_space<vmem>> -> memref<9984xi32, #tpu.memory_space<vmem>>
    %dma_wait3A_25 = tpu.memref_slice %arg2[%mul3A_10] : memref<320000xi32, #tpu.memory_space<hbm>> -> memref<9984xi32, #tpu.memory_space<hbm>>
    %dma_wait3A_26 = arith.constant 0 : i32
    %dma_wait3A_27 = tpu.memref_slice %arg5[%dma_wait3A_26] : memref<10112xi32, #tpu.memory_space<vmem>> -> memref<9984xi32, #tpu.memory_space<vmem>>
    %dma_wait3A_28 = tpu.memref_slice %arg2[%mul3A_10] : memref<320000xi32, #tpu.memory_space<hbm>> -> memref<9984xi32, #tpu.memory_space<hbm>>
    tpu.wait_dma2 semaphore(%arg6 : memref<!tpu.dma_semaphore, #tpu.memory_space<semaphore_mem>>) src(%dma_wait3A_28 : memref<9984xi32, #tpu.memory_space<hbm>>) dst(%dma_wait3A_27 : memref<9984xi32, #tpu.memory_space<vmem>>)
    %lt3A_29 = arith.constant 4 : i32
    %lt3A_30 = arith.cmpi slt, %add3A, %lt3A_29 : i32
    %convert_element_type3A_31 = arith.extui %lt3A_30 : i1 to i32
    %cond3A_32 = arith.constant 0 : i32
    %cond3A_33 = arith.cmpi ne, %convert_element_type3A_31, %cond3A_32 : i32
    scf.if %cond3A_33 {
      %add3A_54 = arith.constant 2496 : i32
      %add3A_55 = arith.addi %add3A_54, %add3A : i32
      %mul3A_56 = arith.constant 128 : i32
      %mul3A_57 = arith.muli %add3A_55, %mul3A_56 : i32
      %dma_wait3A_58 = arith.constant 9984 : i32
      %dma_wait3A_59 = tpu.memref_slice %arg5[%dma_wait3A_58] : memref<10112xi32, #tpu.memory_space<vmem>> -> memref<128xi32, #tpu.memory_space<vmem>>
      %dma_wait3A_60 = tpu.memref_slice %arg2[%mul3A_57] : memref<320000xi32, #tpu.memory_space<hbm>> -> memref<128xi32, #tpu.memory_space<hbm>>
      %dma_wait3A_61 = arith.constant 9984 : i32
      %dma_wait3A_62 = tpu.memref_slice %arg5[%dma_wait3A_61] : memref<10112xi32, #tpu.memory_space<vmem>> -> memref<128xi32, #tpu.memory_space<vmem>>
      %dma_wait3A_63 = tpu.memref_slice %arg2[%mul3A_57] : memref<320000xi32, #tpu.memory_space<hbm>> -> memref<128xi32, #tpu.memory_space<hbm>>
      tpu.wait_dma2 semaphore(%arg6 : memref<!tpu.dma_semaphore, #tpu.memory_space<semaphore_mem>>) src(%dma_wait3A_63 : memref<128xi32, #tpu.memory_space<hbm>>) dst(%dma_wait3A_62 : memref<128xi32, #tpu.memory_space<vmem>>)
    } else {
    }
    %mul3A_34 = arith.constant 8 : i32
    %mul3A_35 = arith.muli %add3A_8, %mul3A_34 : i32
    %sub3A = arith.constant 0 : i32
    %sub3A_36 = arith.subi %mul3A_35, %sub3A : i32
    %sub3A_37 = arith.constant 1 : i32
    %sub3A_38 = arith.constant 1 : i32
    %sub3A_39 = arith.subi %sub3A_37, %sub3A_38 : i32
    %add3A_40 = arith.addi %sub3A_36, %sub3A_39 : i32
    %div3A = arith.constant 1 : i32
    %div3A_41 = arith.divsi %add3A_40, %div3A : i32
    %while3A = arith.constant 1 : i32
    %while3A_42 = arith.constant 0 : i32
    %while3A_43 = arith.constant 0 : i32
    %while3A_44 = arith.subi %div3A_41, %while3A_43 : i32
    %while3A_45 = arith.addi %while3A_43, %while3A_44 : i32
    %while3A_46 = arith.constant 1 : i32
    %while3A_47 = arith.divsi %while3A_44, %while3A_46 : i32
    %while3A_48 = arith.muli %while3A_47, %while3A_46 : i32
    %while3A_49 = arith.addi %while3A_43, %while3A_48 : i32
    %while3A_50 = arith.constant 1 : i32
    scf.for %while3A_54 = %while3A_43 to %while3A_49 step %while3A_50  : i32 {
      %mul3A_55 = arith.muli %while3A_54, %while3A : i32
      %add3A_56 = arith.addi %while3A_42, %mul3A_55 : i32
      %mul3A_57 = arith.constant 16 : i32
      %mul3A_58 = arith.muli %add3A_56, %mul3A_57 : i32
      %get3A = arith.index_cast %mul3A_58 : i32 to index
      %get3A_59 = tpu.vector_load %arg5[%get3A] {strides = array<i32>} : memref<10112xi32, #tpu.memory_space<vmem>>, vector<16xi32>,
      tpu.vector_store_idx %arg4[%get3A_59], %broadcast_in_dim3A_3 {add = true} : memref<10112xf32, #tpu.memory_space<vmem>>[vector<16xi32>], vector<16xf32>,
    }
    %while3A_51 = arith.constant 1 : i32
    scf.for %while3A_54 = %while3A_49 to %while3A_45 step %while3A_51  : i32 {
      %mul3A_55 = arith.muli %while3A_54, %while3A : i32
      %add3A_56 = arith.addi %while3A_42, %mul3A_55 : i32
      %mul3A_57 = arith.constant 16 : i32
      %mul3A_58 = arith.muli %add3A_56, %mul3A_57 : i32
      %get3A = arith.index_cast %mul3A_58 : i32 to index
      %get3A_59 = tpu.vector_load %arg5[%get3A] {strides = array<i32>} : memref<10112xi32, #tpu.memory_space<vmem>>, vector<16xi32>,
      tpu.vector_store_idx %arg4[%get3A_59], %broadcast_in_dim3A_3 {add = true} : memref<10112xf32, #tpu.memory_space<vmem>>[vector<16xi32>], vector<16xf32>,
    }
    %mul3A_52 = arith.constant 10112 : i32
    %mul3A_53 = arith.muli %add3A, %mul3A_52 : i32
    "tpu.region"() ({
      %run_scoped3A = tpu.sem_alloc : memref<!tpu.dma_semaphore, #tpu.memory_space<semaphore_mem>>
      %dma_start3A_54 = tpu.memref_slice %arg3[%mul3A_53] : memref<323584xf32, #tpu.memory_space<hbm>> -> memref<10112xf32, #tpu.memory_space<hbm>>
      %dma_start3A_55 = tpu.memref_slice %arg3[%mul3A_53] : memref<323584xf32, #tpu.memory_space<hbm>> -> memref<10112xf32, #tpu.memory_space<hbm>>
      tpu.enqueue_dma source(%arg4 : memref<10112xf32, #tpu.memory_space<vmem>>) target(%dma_start3A_55 : memref<10112xf32, #tpu.memory_space<hbm>>) target_semaphore(%run_scoped3A : memref<!tpu.dma_semaphore, #tpu.memory_space<semaphore_mem>>)
      %dma_wait3A_56 = tpu.memref_slice %arg3[%mul3A_53] : memref<323584xf32, #tpu.memory_space<hbm>> -> memref<10112xf32, #tpu.memory_space<hbm>>
      %dma_wait3A_57 = tpu.memref_slice %arg3[%mul3A_53] : memref<323584xf32, #tpu.memory_space<hbm>> -> memref<10112xf32, #tpu.memory_space<hbm>>
      tpu.wait_dma2 semaphore(%run_scoped3A : memref<!tpu.dma_semaphore, #tpu.memory_space<semaphore_mem>>) src(%arg4 : memref<10112xf32, #tpu.memory_space<vmem>>) dst(%dma_wait3A_57 : memref<10112xf32, #tpu.memory_space<hbm>>)
      tpu.yield
    }) : () -> ()
    return
  }
}

#map = affine_map<(d0, d1) -> (0, 0)>
#map1 = affine_map<(d0, d1) -> (0)>
module attributes {stable_mosaic.version = 14 : i64} {
  func.func @_sc_gather_scatter(%arg0: i32, %arg1: i32, %arg2: memref<10112x128xf32, #tpu.memory_space<hbm>>, %arg3: memref<320000xi32, #tpu.memory_space<hbm>>, %arg4: memref<320000xi32, #tpu.memory_space<hbm>>, %arg5: memref<10112x128xf32, #tpu.memory_space<hbm>>, %arg6: memref<10112x128xf32, #tpu.memory_space<hbm>>, %arg7: memref<10112x128xf32, #tpu.memory_space<vmem_shared>>, %arg8: memref<128x128xf32, #tpu.memory_space<vmem>>, %arg9: memref<128x128xf32, #tpu.memory_space<vmem>>, %arg10: memref<128x128xf32, #tpu.memory_space<vmem>>, %arg11: memref<128xi32, #tpu.memory_space<vmem>>, %arg12: memref<128xi32, #tpu.memory_space<vmem>>, %arg13: memref<128xi32, #tpu.memory_space<vmem>>, %arg14: memref<128xi32, #tpu.memory_space<vmem>>, %arg15: memref<128xi32, #tpu.memory_space<vmem>>, %arg16: memref<128xi32, #tpu.memory_space<vmem>>, %arg17: memref<!tpu.dma_semaphore, #tpu.memory_space<semaphore_mem>>, %arg18: memref<!tpu.dma_semaphore, #tpu.memory_space<semaphore_mem>>, %arg19: memref<!tpu.dma_semaphore, #tpu.memory_space<semaphore_mem>>, %arg20: memref<!tpu.dma_semaphore, #tpu.memory_space<semaphore_mem>>, %arg21: memref<!tpu.dma_semaphore, #tpu.memory_space<semaphore_mem>>, %arg22: memref<!tpu.dma_semaphore, #tpu.memory_space<semaphore_mem>>, %arg23: memref<!tpu.dma_semaphore, #tpu.memory_space<semaphore_mem>>, %arg24: memref<!tpu.dma_semaphore, #tpu.memory_space<semaphore_mem>>, %arg25: memref<!tpu.dma_semaphore, #tpu.memory_space<semaphore_mem>>, %arg26: memref<!tpu.dma_semaphore, #tpu.memory_space<semaphore_mem>>, %arg27: memref<!tpu.dma_semaphore, #tpu.memory_space<semaphore_mem>>, %arg28: memref<!tpu.dma_semaphore, #tpu.memory_space<semaphore_mem>>) attributes {dimension_semantics = [#tpu.dimension_semantics<core_parallel>, #tpu.dimension_semantics<subcore_parallel>], iteration_bounds = array<i64: 2, 16>, scalar_prefetch = 0 : i64, scratch_operands = 22 : i64, tpu.core_type = #tpu.core_type<sc_vector_subcore>, window_params = [{transform_indices = #map}, {transform_indices = #map1}, {transform_indices = #map1}, {transform_indices = #map}, {transform_indices = #map}]} {
    %mul3A = arith.constant 2 : i32
    %mul3A_0 = arith.muli %arg1, %mul3A : i32
    %add3A = arith.addi %mul3A_0, %arg0 : i32
    %broadcast_in_dim3A = arith.constant 0.000000e+00 : f32
    %broadcast_in_dim3A_1 = vector.broadcast %broadcast_in_dim3A : f32 to vector<16xf32>
    %mul3A_2 = arith.constant 78 : i32
    %mul3A_3 = arith.muli %add3A, %mul3A_2 : i32
    %mul3A_4 = arith.constant 632 : i32
    %mul3A_5 = arith.muli %arg1, %mul3A_4 : i32
    "tpu.trace_start"() <{level = 10 : i32, message = "zero_acc"}> : () -> ()
    %scan3A = arith.constant 0 : i32
    %scan3A_6 = arith.constant 128 : i32
    %scan3A_7 = arith.addi %scan3A, %scan3A_6 : i32
    %scan3A_8 = arith.constant 1 : i32
    scf.for %scan3A_83 = %scan3A to %scan3A_7 step %scan3A_8  : i32 {
      %mul3A_84 = arith.constant 1 : i32
      %mul3A_85 = arith.muli %scan3A_83, %mul3A_84 : i32
      %add3A_86 = arith.constant 0 : i32
      %add3A_87 = arith.addi %add3A_86, %mul3A_85 : i32
      %swap3A = arith.index_cast %add3A_87 : i32 to index
      %swap3A_88 = arith.constant 0 : index
      %swap3A_89 = tpu.vector_load %arg8[%swap3A, %swap3A_88] {strides = array<i32>} : memref<128x128xf32, #tpu.memory_space<vmem>>, vector<16xf32>,
      tpu.vector_store %arg8[%swap3A, %swap3A_88], %broadcast_in_dim3A_1 {strides = array<i32>} : memref<128x128xf32, #tpu.memory_space<vmem>>, vector<16xf32>,
      %swap3A_90 = arith.index_cast %add3A_87 : i32 to index
      %swap3A_91 = arith.constant 16 : index
      %swap3A_92 = tpu.vector_load %arg8[%swap3A_90, %swap3A_91] {strides = array<i32>} : memref<128x128xf32, #tpu.memory_space<vmem>>, vector<16xf32>,
      tpu.vector_store %arg8[%swap3A_90, %swap3A_91], %broadcast_in_dim3A_1 {strides = array<i32>} : memref<128x128xf32, #tpu.memory_space<vmem>>, vector<16xf32>,
      %swap3A_93 = arith.index_cast %add3A_87 : i32 to index
      %swap3A_94 = arith.constant 32 : index
      %swap3A_95 = tpu.vector_load %arg8[%swap3A_93, %swap3A_94] {strides = array<i32>} : memref<128x128xf32, #tpu.memory_space<vmem>>, vector<16xf32>,
      tpu.vector_store %arg8[%swap3A_93, %swap3A_94], %broadcast_in_dim3A_1 {strides = array<i32>} : memref<128x128xf32, #tpu.memory_space<vmem>>, vector<16xf32>,
      %swap3A_96 = arith.index_cast %add3A_87 : i32 to index
      %swap3A_97 = arith.constant 48 : index
      %swap3A_98 = tpu.vector_load %arg8[%swap3A_96, %swap3A_97] {strides = array<i32>} : memref<128x128xf32, #tpu.memory_space<vmem>>, vector<16xf32>,
      tpu.vector_store %arg8[%swap3A_96, %swap3A_97], %broadcast_in_dim3A_1 {strides = array<i32>} : memref<128x128xf32, #tpu.memory_space<vmem>>, vector<16xf32>,
      %swap3A_99 = arith.index_cast %add3A_87 : i32 to index
      %swap3A_100 = arith.constant 64 : index
      %swap3A_101 = tpu.vector_load %arg8[%swap3A_99, %swap3A_100] {strides = array<i32>} : memref<128x128xf32, #tpu.memory_space<vmem>>, vector<16xf32>,
      tpu.vector_store %arg8[%swap3A_99, %swap3A_100], %broadcast_in_dim3A_1 {strides = array<i32>} : memref<128x128xf32, #tpu.memory_space<vmem>>, vector<16xf32>,
      %swap3A_102 = arith.index_cast %add3A_87 : i32 to index
      %swap3A_103 = arith.constant 80 : index
      %swap3A_104 = tpu.vector_load %arg8[%swap3A_102, %swap3A_103] {strides = array<i32>} : memref<128x128xf32, #tpu.memory_space<vmem>>, vector<16xf32>,
      tpu.vector_store %arg8[%swap3A_102, %swap3A_103], %broadcast_in_dim3A_1 {strides = array<i32>} : memref<128x128xf32, #tpu.memory_space<vmem>>, vector<16xf32>,
      %swap3A_105 = arith.index_cast %add3A_87 : i32 to index
      %swap3A_106 = arith.constant 96 : index
      %swap3A_107 = tpu.vector_load %arg8[%swap3A_105, %swap3A_106] {strides = array<i32>} : memref<128x128xf32, #tpu.memory_space<vmem>>, vector<16xf32>,
      tpu.vector_store %arg8[%swap3A_105, %swap3A_106], %broadcast_in_dim3A_1 {strides = array<i32>} : memref<128x128xf32, #tpu.memory_space<vmem>>, vector<16xf32>,
      %swap3A_108 = arith.index_cast %add3A_87 : i32 to index
      %swap3A_109 = arith.constant 112 : index
      %swap3A_110 = tpu.vector_load %arg8[%swap3A_108, %swap3A_109] {strides = array<i32>} : memref<128x128xf32, #tpu.memory_space<vmem>>, vector<16xf32>,
      tpu.vector_store %arg8[%swap3A_108, %swap3A_109], %broadcast_in_dim3A_1 {strides = array<i32>} : memref<128x128xf32, #tpu.memory_space<vmem>>, vector<16xf32>,
    }
    %scan3A_9 = arith.constant 128 : i32
    %add3A_10 = arith.constant 0 : i32
    %add3A_11 = arith.addi %mul3A_5, %add3A_10 : i32
    "tpu.region"() ({
      %run_scoped3A = tpu.sem_alloc : memref<!tpu.dma_semaphore, #tpu.memory_space<semaphore_mem>>
      %dma_start3A_83 = arith.constant 0 : i32
      %dma_start3A_84 = arith.constant 0 : i32
      %dma_start3A_85 = tpu.memref_slice %arg8[%dma_start3A_83, %dma_start3A_84] : memref<128x128xf32, #tpu.memory_space<vmem>> -> memref<128x128xf32, #tpu.memory_space<vmem>>
      %dma_start3A_86 = arith.constant 0 : i32
      %dma_start3A_87 = tpu.memref_slice %arg7[%add3A_11, %dma_start3A_86] : memref<10112x128xf32, #tpu.memory_space<vmem_shared>> -> memref<128x128xf32, #tpu.memory_space<vmem_shared>>
      %dma_start3A_88 = arith.constant 0 : i32
      %dma_start3A_89 = tpu.memref_slice %arg7[%add3A_11, %dma_start3A_88] : memref<10112x128xf32, #tpu.memory_space<vmem_shared>> -> memref<128x128xf32, #tpu.memory_space<vmem_shared>>
      %dma_start3A_90 = arith.constant 0 : i32
      %dma_start3A_91 = arith.constant 0 : i32
      %dma_start3A_92 = tpu.memref_slice %arg8[%dma_start3A_90, %dma_start3A_91] : memref<128x128xf32, #tpu.memory_space<vmem>> -> memref<128x128xf32, #tpu.memory_space<vmem>>
      tpu.enqueue_dma source(%dma_start3A_92 : memref<128x128xf32, #tpu.memory_space<vmem>>) target(%dma_start3A_89 : memref<128x128xf32, #tpu.memory_space<vmem_shared>>) target_semaphore(%run_scoped3A : memref<!tpu.dma_semaphore, #tpu.memory_space<semaphore_mem>>)
      %dma_wait3A_93 = arith.constant 0 : i32
      %dma_wait3A_94 = arith.constant 0 : i32
      %dma_wait3A_95 = tpu.memref_slice %arg8[%dma_wait3A_93, %dma_wait3A_94] : memref<128x128xf32, #tpu.memory_space<vmem>> -> memref<128x128xf32, #tpu.memory_space<vmem>>
      %dma_wait3A_96 = arith.constant 0 : i32
      %dma_wait3A_97 = tpu.memref_slice %arg7[%add3A_11, %dma_wait3A_96] : memref<10112x128xf32, #tpu.memory_space<vmem_shared>> -> memref<128x128xf32, #tpu.memory_space<vmem_shared>>
      %dma_wait3A_98 = arith.constant 0 : i32
      %dma_wait3A_99 = tpu.memref_slice %arg7[%add3A_11, %dma_wait3A_98] : memref<10112x128xf32, #tpu.memory_space<vmem_shared>> -> memref<128x128xf32, #tpu.memory_space<vmem_shared>>
      %dma_wait3A_100 = arith.constant 0 : i32
      %dma_wait3A_101 = arith.constant 0 : i32
      %dma_wait3A_102 = tpu.memref_slice %arg8[%dma_wait3A_100, %dma_wait3A_101] : memref<128x128xf32, #tpu.memory_space<vmem>> -> memref<128x128xf32, #tpu.memory_space<vmem>>
      tpu.wait_dma2 semaphore(%run_scoped3A : memref<!tpu.dma_semaphore, #tpu.memory_space<semaphore_mem>>) src(%dma_wait3A_102 : memref<128x128xf32, #tpu.memory_space<vmem>>) dst(%dma_wait3A_99 : memref<128x128xf32, #tpu.memory_space<vmem_shared>>)
      tpu.yield
    }) : () -> ()
    %add3A_12 = arith.constant 128 : i32
    %add3A_13 = arith.addi %mul3A_5, %add3A_12 : i32
    "tpu.region"() ({
      %run_scoped3A = tpu.sem_alloc : memref<!tpu.dma_semaphore, #tpu.memory_space<semaphore_mem>>
      %dma_start3A_83 = arith.constant 0 : i32
      %dma_start3A_84 = arith.constant 0 : i32
      %dma_start3A_85 = tpu.memref_slice %arg8[%dma_start3A_83, %dma_start3A_84] : memref<128x128xf32, #tpu.memory_space<vmem>> -> memref<128x128xf32, #tpu.memory_space<vmem>>
      %dma_start3A_86 = arith.constant 0 : i32
      %dma_start3A_87 = tpu.memref_slice %arg7[%add3A_13, %dma_start3A_86] : memref<10112x128xf32, #tpu.memory_space<vmem_shared>> -> memref<128x128xf32, #tpu.memory_space<vmem_shared>>
      %dma_start3A_88 = arith.constant 0 : i32
      %dma_start3A_89 = tpu.memref_slice %arg7[%add3A_13, %dma_start3A_88] : memref<10112x128xf32, #tpu.memory_space<vmem_shared>> -> memref<128x128xf32, #tpu.memory_space<vmem_shared>>
      %dma_start3A_90 = arith.constant 0 : i32
      %dma_start3A_91 = arith.constant 0 : i32
      %dma_start3A_92 = tpu.memref_slice %arg8[%dma_start3A_90, %dma_start3A_91] : memref<128x128xf32, #tpu.memory_space<vmem>> -> memref<128x128xf32, #tpu.memory_space<vmem>>
      tpu.enqueue_dma source(%dma_start3A_92 : memref<128x128xf32, #tpu.memory_space<vmem>>) target(%dma_start3A_89 : memref<128x128xf32, #tpu.memory_space<vmem_shared>>) target_semaphore(%run_scoped3A : memref<!tpu.dma_semaphore, #tpu.memory_space<semaphore_mem>>)
      %dma_wait3A_93 = arith.constant 0 : i32
      %dma_wait3A_94 = arith.constant 0 : i32
      %dma_wait3A_95 = tpu.memref_slice %arg8[%dma_wait3A_93, %dma_wait3A_94] : memref<128x128xf32, #tpu.memory_space<vmem>> -> memref<128x128xf32, #tpu.memory_space<vmem>>
      %dma_wait3A_96 = arith.constant 0 : i32
      %dma_wait3A_97 = tpu.memref_slice %arg7[%add3A_13, %dma_wait3A_96] : memref<10112x128xf32, #tpu.memory_space<vmem_shared>> -> memref<128x128xf32, #tpu.memory_space<vmem_shared>>
      %dma_wait3A_98 = arith.constant 0 : i32
      %dma_wait3A_99 = tpu.memref_slice %arg7[%add3A_13, %dma_wait3A_98] : memref<10112x128xf32, #tpu.memory_space<vmem_shared>> -> memref<128x128xf32, #tpu.memory_space<vmem_shared>>
      %dma_wait3A_100 = arith.constant 0 : i32
      %dma_wait3A_101 = arith.constant 0 : i32
      %dma_wait3A_102 = tpu.memref_slice %arg8[%dma_wait3A_100, %dma_wait3A_101] : memref<128x128xf32, #tpu.memory_space<vmem>> -> memref<128x128xf32, #tpu.memory_space<vmem>>
      tpu.wait_dma2 semaphore(%run_scoped3A : memref<!tpu.dma_semaphore, #tpu.memory_space<semaphore_mem>>) src(%dma_wait3A_102 : memref<128x128xf32, #tpu.memory_space<vmem>>) dst(%dma_wait3A_99 : memref<128x128xf32, #tpu.memory_space<vmem_shared>>)
      tpu.yield
    }) : () -> ()
    %add3A_14 = arith.constant 256 : i32
    %add3A_15 = arith.addi %mul3A_5, %add3A_14 : i32
    "tpu.region"() ({
      %run_scoped3A = tpu.sem_alloc : memref<!tpu.dma_semaphore, #tpu.memory_space<semaphore_mem>>
      %dma_start3A_83 = arith.constant 0 : i32
      %dma_start3A_84 = arith.constant 0 : i32
      %dma_start3A_85 = tpu.memref_slice %arg8[%dma_start3A_83, %dma_start3A_84] : memref<128x128xf32, #tpu.memory_space<vmem>> -> memref<128x128xf32, #tpu.memory_space<vmem>>
      %dma_start3A_86 = arith.constant 0 : i32
      %dma_start3A_87 = tpu.memref_slice %arg7[%add3A_15, %dma_start3A_86] : memref<10112x128xf32, #tpu.memory_space<vmem_shared>> -> memref<128x128xf32, #tpu.memory_space<vmem_shared>>
      %dma_start3A_88 = arith.constant 0 : i32
      %dma_start3A_89 = tpu.memref_slice %arg7[%add3A_15, %dma_start3A_88] : memref<10112x128xf32, #tpu.memory_space<vmem_shared>> -> memref<128x128xf32, #tpu.memory_space<vmem_shared>>
      %dma_start3A_90 = arith.constant 0 : i32
      %dma_start3A_91 = arith.constant 0 : i32
      %dma_start3A_92 = tpu.memref_slice %arg8[%dma_start3A_90, %dma_start3A_91] : memref<128x128xf32, #tpu.memory_space<vmem>> -> memref<128x128xf32, #tpu.memory_space<vmem>>
      tpu.enqueue_dma source(%dma_start3A_92 : memref<128x128xf32, #tpu.memory_space<vmem>>) target(%dma_start3A_89 : memref<128x128xf32, #tpu.memory_space<vmem_shared>>) target_semaphore(%run_scoped3A : memref<!tpu.dma_semaphore, #tpu.memory_space<semaphore_mem>>)
      %dma_wait3A_93 = arith.constant 0 : i32
      %dma_wait3A_94 = arith.constant 0 : i32
      %dma_wait3A_95 = tpu.memref_slice %arg8[%dma_wait3A_93, %dma_wait3A_94] : memref<128x128xf32, #tpu.memory_space<vmem>> -> memref<128x128xf32, #tpu.memory_space<vmem>>
      %dma_wait3A_96 = arith.constant 0 : i32
      %dma_wait3A_97 = tpu.memref_slice %arg7[%add3A_15, %dma_wait3A_96] : memref<10112x128xf32, #tpu.memory_space<vmem_shared>> -> memref<128x128xf32, #tpu.memory_space<vmem_shared>>
      %dma_wait3A_98 = arith.constant 0 : i32
      %dma_wait3A_99 = tpu.memref_slice %arg7[%add3A_15, %dma_wait3A_98] : memref<10112x128xf32, #tpu.memory_space<vmem_shared>> -> memref<128x128xf32, #tpu.memory_space<vmem_shared>>
      %dma_wait3A_100 = arith.constant 0 : i32
      %dma_wait3A_101 = arith.constant 0 : i32
      %dma_wait3A_102 = tpu.memref_slice %arg8[%dma_wait3A_100, %dma_wait3A_101] : memref<128x128xf32, #tpu.memory_space<vmem>> -> memref<128x128xf32, #tpu.memory_space<vmem>>
      tpu.wait_dma2 semaphore(%run_scoped3A : memref<!tpu.dma_semaphore, #tpu.memory_space<semaphore_mem>>) src(%dma_wait3A_102 : memref<128x128xf32, #tpu.memory_space<vmem>>) dst(%dma_wait3A_99 : memref<128x128xf32, #tpu.memory_space<vmem_shared>>)
      tpu.yield
    }) : () -> ()
    %add3A_16 = arith.constant 384 : i32
    %add3A_17 = arith.addi %mul3A_5, %add3A_16 : i32
    "tpu.region"() ({
      %run_scoped3A = tpu.sem_alloc : memref<!tpu.dma_semaphore, #tpu.memory_space<semaphore_mem>>
      %dma_start3A_83 = arith.constant 0 : i32
      %dma_start3A_84 = arith.constant 0 : i32
      %dma_start3A_85 = tpu.memref_slice %arg8[%dma_start3A_83, %dma_start3A_84] : memref<128x128xf32, #tpu.memory_space<vmem>> -> memref<128x128xf32, #tpu.memory_space<vmem>>
      %dma_start3A_86 = arith.constant 0 : i32
      %dma_start3A_87 = tpu.memref_slice %arg7[%add3A_17, %dma_start3A_86] : memref<10112x128xf32, #tpu.memory_space<vmem_shared>> -> memref<128x128xf32, #tpu.memory_space<vmem_shared>>
      %dma_start3A_88 = arith.constant 0 : i32
      %dma_start3A_89 = tpu.memref_slice %arg7[%add3A_17, %dma_start3A_88] : memref<10112x128xf32, #tpu.memory_space<vmem_shared>> -> memref<128x128xf32, #tpu.memory_space<vmem_shared>>
      %dma_start3A_90 = arith.constant 0 : i32
      %dma_start3A_91 = arith.constant 0 : i32
      %dma_start3A_92 = tpu.memref_slice %arg8[%dma_start3A_90, %dma_start3A_91] : memref<128x128xf32, #tpu.memory_space<vmem>> -> memref<128x128xf32, #tpu.memory_space<vmem>>
      tpu.enqueue_dma source(%dma_start3A_92 : memref<128x128xf32, #tpu.memory_space<vmem>>) target(%dma_start3A_89 : memref<128x128xf32, #tpu.memory_space<vmem_shared>>) target_semaphore(%run_scoped3A : memref<!tpu.dma_semaphore, #tpu.memory_space<semaphore_mem>>)
      %dma_wait3A_93 = arith.constant 0 : i32
      %dma_wait3A_94 = arith.constant 0 : i32
      %dma_wait3A_95 = tpu.memref_slice %arg8[%dma_wait3A_93, %dma_wait3A_94] : memref<128x128xf32, #tpu.memory_space<vmem>> -> memref<128x128xf32, #tpu.memory_space<vmem>>
      %dma_wait3A_96 = arith.constant 0 : i32
      %dma_wait3A_97 = tpu.memref_slice %arg7[%add3A_17, %dma_wait3A_96] : memref<10112x128xf32, #tpu.memory_space<vmem_shared>> -> memref<128x128xf32, #tpu.memory_space<vmem_shared>>
      %dma_wait3A_98 = arith.constant 0 : i32
      %dma_wait3A_99 = tpu.memref_slice %arg7[%add3A_17, %dma_wait3A_98] : memref<10112x128xf32, #tpu.memory_space<vmem_shared>> -> memref<128x128xf32, #tpu.memory_space<vmem_shared>>
      %dma_wait3A_100 = arith.constant 0 : i32
      %dma_wait3A_101 = arith.constant 0 : i32
      %dma_wait3A_102 = tpu.memref_slice %arg8[%dma_wait3A_100, %dma_wait3A_101] : memref<128x128xf32, #tpu.memory_space<vmem>> -> memref<128x128xf32, #tpu.memory_space<vmem>>
      tpu.wait_dma2 semaphore(%run_scoped3A : memref<!tpu.dma_semaphore, #tpu.memory_space<semaphore_mem>>) src(%dma_wait3A_102 : memref<128x128xf32, #tpu.memory_space<vmem>>) dst(%dma_wait3A_99 : memref<128x128xf32, #tpu.memory_space<vmem_shared>>)
      tpu.yield
    }) : () -> ()
    %add3A_18 = arith.constant 512 : i32
    %add3A_19 = arith.addi %mul3A_5, %add3A_18 : i32
    "tpu.region"() ({
      %run_scoped3A = tpu.sem_alloc : memref<!tpu.dma_semaphore, #tpu.memory_space<semaphore_mem>>
      %dma_start3A_83 = arith.constant 0 : i32
      %dma_start3A_84 = arith.constant 0 : i32
      %dma_start3A_85 = tpu.memref_slice %arg8[%dma_start3A_83, %dma_start3A_84] : memref<128x128xf32, #tpu.memory_space<vmem>> -> memref<120x128xf32, #tpu.memory_space<vmem>>
      %dma_start3A_86 = arith.constant 0 : i32
      %dma_start3A_87 = tpu.memref_slice %arg7[%add3A_19, %dma_start3A_86] : memref<10112x128xf32, #tpu.memory_space<vmem_shared>> -> memref<120x128xf32, #tpu.memory_space<vmem_shared>>
      %dma_start3A_88 = arith.constant 0 : i32
      %dma_start3A_89 = tpu.memref_slice %arg7[%add3A_19, %dma_start3A_88] : memref<10112x128xf32, #tpu.memory_space<vmem_shared>> -> memref<120x128xf32, #tpu.memory_space<vmem_shared>>
      %dma_start3A_90 = arith.constant 0 : i32
      %dma_start3A_91 = arith.constant 0 : i32
      %dma_start3A_92 = tpu.memref_slice %arg8[%dma_start3A_90, %dma_start3A_91] : memref<128x128xf32, #tpu.memory_space<vmem>> -> memref<120x128xf32, #tpu.memory_space<vmem>>
      tpu.enqueue_dma source(%dma_start3A_92 : memref<120x128xf32, #tpu.memory_space<vmem>>) target(%dma_start3A_89 : memref<120x128xf32, #tpu.memory_space<vmem_shared>>) target_semaphore(%run_scoped3A : memref<!tpu.dma_semaphore, #tpu.memory_space<semaphore_mem>>)
      %dma_wait3A_93 = arith.constant 0 : i32
      %dma_wait3A_94 = arith.constant 0 : i32
      %dma_wait3A_95 = tpu.memref_slice %arg8[%dma_wait3A_93, %dma_wait3A_94] : memref<128x128xf32, #tpu.memory_space<vmem>> -> memref<120x128xf32, #tpu.memory_space<vmem>>
      %dma_wait3A_96 = arith.constant 0 : i32
      %dma_wait3A_97 = tpu.memref_slice %arg7[%add3A_19, %dma_wait3A_96] : memref<10112x128xf32, #tpu.memory_space<vmem_shared>> -> memref<120x128xf32, #tpu.memory_space<vmem_shared>>
      %dma_wait3A_98 = arith.constant 0 : i32
      %dma_wait3A_99 = tpu.memref_slice %arg7[%add3A_19, %dma_wait3A_98] : memref<10112x128xf32, #tpu.memory_space<vmem_shared>> -> memref<120x128xf32, #tpu.memory_space<vmem_shared>>
      %dma_wait3A_100 = arith.constant 0 : i32
      %dma_wait3A_101 = arith.constant 0 : i32
      %dma_wait3A_102 = tpu.memref_slice %arg8[%dma_wait3A_100, %dma_wait3A_101] : memref<128x128xf32, #tpu.memory_space<vmem>> -> memref<120x128xf32, #tpu.memory_space<vmem>>
      tpu.wait_dma2 semaphore(%run_scoped3A : memref<!tpu.dma_semaphore, #tpu.memory_space<semaphore_mem>>) src(%dma_wait3A_102 : memref<120x128xf32, #tpu.memory_space<vmem>>) dst(%dma_wait3A_99 : memref<120x128xf32, #tpu.memory_space<vmem_shared>>)
      tpu.yield
    }) : () -> ()
    %barrier3A = arith.constant 0 : index
    tpu.barrier barrier_id(%barrier3A)
    "tpu.trace_stop"() : () -> ()
    "tpu.trace_start"() <{level = 10 : i32, message = "edge_loop"}> : () -> ()
    %add3A_20 = arith.constant 0 : i32
    %add3A_21 = arith.addi %mul3A_3, %add3A_20 : i32
    %mul3A_22 = arith.constant 128 : i32
    %mul3A_23 = arith.muli %add3A_21, %mul3A_22 : i32
    %dma_start3A = tpu.memref_slice %arg4[%mul3A_23] : memref<320000xi32, #tpu.memory_space<hbm>> -> memref<128xi32, #tpu.memory_space<hbm>>
    %dma_start3A_24 = tpu.memref_slice %arg4[%mul3A_23] : memref<320000xi32, #tpu.memory_space<hbm>> -> memref<128xi32, #tpu.memory_space<hbm>>
    tpu.enqueue_dma source(%dma_start3A_24 : memref<128xi32, #tpu.memory_space<hbm>>) target(%arg11 : memref<128xi32, #tpu.memory_space<vmem>>) target_semaphore(%arg23 : memref<!tpu.dma_semaphore, #tpu.memory_space<semaphore_mem>>)
    %add3A_25 = arith.constant 1 : i32
    %add3A_26 = arith.addi %mul3A_3, %add3A_25 : i32
    %mul3A_27 = arith.constant 128 : i32
    %mul3A_28 = arith.muli %add3A_26, %mul3A_27 : i32
    %dma_start3A_29 = tpu.memref_slice %arg4[%mul3A_28] : memref<320000xi32, #tpu.memory_space<hbm>> -> memref<128xi32, #tpu.memory_space<hbm>>
    %dma_start3A_30 = tpu.memref_slice %arg4[%mul3A_28] : memref<320000xi32, #tpu.memory_space<hbm>> -> memref<128xi32, #tpu.memory_space<hbm>>
    tpu.enqueue_dma source(%dma_start3A_30 : memref<128xi32, #tpu.memory_space<hbm>>) target(%arg12 : memref<128xi32, #tpu.memory_space<vmem>>) target_semaphore(%arg24 : memref<!tpu.dma_semaphore, #tpu.memory_space<semaphore_mem>>)
    %add3A_31 = arith.constant 0 : i32
    %add3A_32 = arith.addi %mul3A_3, %add3A_31 : i32
    %mul3A_33 = arith.constant 128 : i32
    %mul3A_34 = arith.muli %add3A_32, %mul3A_33 : i32
    %dma_start3A_35 = tpu.memref_slice %arg3[%mul3A_34] : memref<320000xi32, #tpu.memory_space<hbm>> -> memref<128xi32, #tpu.memory_space<hbm>>
    %dma_start3A_36 = tpu.memref_slice %arg3[%mul3A_34] : memref<320000xi32, #tpu.memory_space<hbm>> -> memref<128xi32, #tpu.memory_space<hbm>>
    tpu.enqueue_dma source(%dma_start3A_36 : memref<128xi32, #tpu.memory_space<hbm>>) target(%arg14 : memref<128xi32, #tpu.memory_space<vmem>>) target_semaphore(%arg26 : memref<!tpu.dma_semaphore, #tpu.memory_space<semaphore_mem>>)
    %add3A_37 = arith.constant 0 : i32
    %add3A_38 = arith.addi %mul3A_3, %add3A_37 : i32
    %mul3A_39 = arith.constant 128 : i32
    %mul3A_40 = arith.muli %add3A_38, %mul3A_39 : i32
    %dma_wait3A = tpu.memref_slice %arg4[%mul3A_40] : memref<320000xi32, #tpu.memory_space<hbm>> -> memref<128xi32, #tpu.memory_space<hbm>>
    %dma_wait3A_41 = tpu.memref_slice %arg4[%mul3A_40] : memref<320000xi32, #tpu.memory_space<hbm>> -> memref<128xi32, #tpu.memory_space<hbm>>
    tpu.wait_dma2 semaphore(%arg23 : memref<!tpu.dma_semaphore, #tpu.memory_space<semaphore_mem>>) src(%dma_wait3A_41 : memref<128xi32, #tpu.memory_space<hbm>>) dst(%arg11 : memref<128xi32, #tpu.memory_space<vmem>>)
    %dma_start3A_42 = arith.constant 0 : i32
    %dma_start3A_43 = arith.constant 0 : i32
    %dma_start3A_44 = tpu.memref_slice %arg2[%dma_start3A_42, %dma_start3A_43] : memref<10112x128xf32, #tpu.memory_space<hbm>> -> memref<10112x128xf32, #tpu.memory_space<hbm>>
    tpu.enqueue_indirect_dma source(%dma_start3A_44 : memref<10112x128xf32, #tpu.memory_space<hbm>>) target(%arg8 : memref<128x128xf32, #tpu.memory_space<vmem>>) offsets(%arg11 : memref<128xi32, #tpu.memory_space<vmem>>) semaphore(%arg17 : memref<!tpu.dma_semaphore, #tpu.memory_space<semaphore_mem>>)
    %scan3A_45 = arith.constant 0 : i32
    %scan3A_46 = arith.constant 26 : i32
    %scan3A_47 = arith.addi %scan3A_45, %scan3A_46 : i32
    %scan3A_48 = arith.constant 1 : i32
    scf.for %scan3A_83 = %scan3A_45 to %scan3A_47 step %scan3A_48  : i32 {
      %mul3A_84 = arith.constant 1 : i32
      %mul3A_85 = arith.muli %scan3A_83, %mul3A_84 : i32
      %add3A_86 = arith.constant 0 : i32
      %add3A_87 = arith.addi %add3A_86, %mul3A_85 : i32
      %mul3A_88 = arith.constant 3 : i32
      %mul3A_89 = arith.muli %mul3A_88, %add3A_87 : i32
      %add3A_90 = arith.constant 0 : i32
      %add3A_91 = arith.addi %mul3A_89, %add3A_90 : i32
      %ge3A = arith.constant 1 : i32
      %ge3A_92 = arith.cmpi sge, %add3A_91, %ge3A : i32
      %convert_element_type3A_93 = arith.extui %ge3A_92 : i1 to i32
      %cond3A_94 = arith.constant 0 : i32
      %cond3A_95 = arith.cmpi ne, %convert_element_type3A_93, %cond3A_94 : i32
      scf.if %cond3A_95 {
        %sub3A = arith.constant 1 : i32
        %sub3A_152 = arith.subi %add3A_91, %sub3A : i32
        %add3A_153 = arith.addi %mul3A_3, %sub3A_152 : i32
        %mul3A_154 = arith.constant 128 : i32
        %mul3A_155 = arith.muli %add3A_153, %mul3A_154 : i32
        %dma_wait3A_156 = tpu.memref_slice %arg3[%mul3A_155] : memref<320000xi32, #tpu.memory_space<hbm>> -> memref<128xi32, #tpu.memory_space<hbm>>
        %dma_wait3A_157 = tpu.memref_slice %arg3[%mul3A_155] : memref<320000xi32, #tpu.memory_space<hbm>> -> memref<128xi32, #tpu.memory_space<hbm>>
        tpu.wait_dma2 semaphore(%arg28 : memref<!tpu.dma_semaphore, #tpu.memory_space<semaphore_mem>>) src(%dma_wait3A_157 : memref<128xi32, #tpu.memory_space<hbm>>) dst(%arg16 : memref<128xi32, #tpu.memory_space<vmem>>)
        %dma_wait3A_158 = arith.constant 0 : i32
        %dma_wait3A_159 = arith.constant 0 : i32
        %dma_wait3A_160 = tpu.memref_slice %arg2[%dma_wait3A_158, %dma_wait3A_159] : memref<10112x128xf32, #tpu.memory_space<hbm>> -> memref<10112x128xf32, #tpu.memory_space<hbm>>
        tpu.wait_indirect_dma semaphore(%arg19 : memref<!tpu.dma_semaphore, #tpu.memory_space<semaphore_mem>>) src(%dma_wait3A_160 : memref<10112x128xf32, #tpu.memory_space<hbm>>) dst(%arg10 : memref<128x128xf32, #tpu.memory_space<vmem>>)
        %dma_start3A_161 = arith.constant 0 : i32
        %dma_start3A_162 = arith.constant 0 : i32
        %dma_start3A_163 = tpu.memref_slice %arg7[%dma_start3A_161, %dma_start3A_162] : memref<10112x128xf32, #tpu.memory_space<vmem_shared>> -> memref<10112x128xf32, #tpu.memory_space<vmem_shared>>
        tpu.enqueue_indirect_dma source(%arg10 : memref<128x128xf32, #tpu.memory_space<vmem>>) target(%dma_start3A_163 : memref<10112x128xf32, #tpu.memory_space<vmem_shared>>) offsets(%arg16 : memref<128xi32, #tpu.memory_space<vmem>>) semaphore(%arg22 : memref<!tpu.dma_semaphore, #tpu.memory_space<semaphore_mem>>) {add = true}
      } else {
      }
      %add3A_96 = arith.constant 2 : i32
      %add3A_97 = arith.addi %add3A_91, %add3A_96 : i32
      %lt3A_98 = arith.constant 78 : i32
      %lt3A_99 = arith.cmpi slt, %add3A_97, %lt3A_98 : i32
      %convert_element_type3A_100 = arith.extui %lt3A_99 : i1 to i32
      %cond3A_101 = arith.constant 0 : i32
      %cond3A_102 = arith.cmpi ne, %convert_element_type3A_100, %cond3A_101 : i32
      scf.if %cond3A_102 {
        %add3A_152 = arith.constant 2 : i32
        %add3A_153 = arith.addi %add3A_91, %add3A_152 : i32
        %add3A_154 = arith.addi %mul3A_3, %add3A_153 : i32
        %mul3A_155 = arith.constant 128 : i32
        %mul3A_156 = arith.muli %add3A_154, %mul3A_155 : i32
        %dma_start3A_157 = tpu.memref_slice %arg4[%mul3A_156] : memref<320000xi32, #tpu.memory_space<hbm>> -> memref<128xi32, #tpu.memory_space<hbm>>
        %dma_start3A_158 = tpu.memref_slice %arg4[%mul3A_156] : memref<320000xi32, #tpu.memory_space<hbm>> -> memref<128xi32, #tpu.memory_space<hbm>>
        tpu.enqueue_dma source(%dma_start3A_158 : memref<128xi32, #tpu.memory_space<hbm>>) target(%arg13 : memref<128xi32, #tpu.memory_space<vmem>>) target_semaphore(%arg25 : memref<!tpu.dma_semaphore, #tpu.memory_space<semaphore_mem>>)
      } else {
      }
      %add3A_103 = arith.constant 1 : i32
      %add3A_104 = arith.addi %add3A_91, %add3A_103 : i32
      %lt3A_105 = arith.constant 78 : i32
      %lt3A_106 = arith.cmpi slt, %add3A_104, %lt3A_105 : i32
      %convert_element_type3A_107 = arith.extui %lt3A_106 : i1 to i32
      %cond3A_108 = arith.constant 0 : i32
      %cond3A_109 = arith.cmpi ne, %convert_element_type3A_107, %cond3A_108 : i32
      scf.if %cond3A_109 {
        %ge3A_152 = arith.constant 2 : i32
        %ge3A_153 = arith.cmpi sge, %add3A_91, %ge3A_152 : i32
        %convert_element_type3A_154 = arith.extui %ge3A_153 : i1 to i32
        %cond3A_155 = arith.constant 0 : i32
        %cond3A_156 = arith.cmpi ne, %convert_element_type3A_154, %cond3A_155 : i32
        scf.if %cond3A_156 {
          %dma_wait3A_174 = arith.constant 0 : i32
          %dma_wait3A_175 = arith.constant 0 : i32
          %dma_wait3A_176 = tpu.memref_slice %arg7[%dma_wait3A_174, %dma_wait3A_175] : memref<10112x128xf32, #tpu.memory_space<vmem_shared>> -> memref<10112x128xf32, #tpu.memory_space<vmem_shared>>
          tpu.wait_indirect_dma semaphore(%arg21 : memref<!tpu.dma_semaphore, #tpu.memory_space<semaphore_mem>>) src(%arg9 : memref<128x128xf32, #tpu.memory_space<vmem>>) dst(%dma_wait3A_176 : memref<10112x128xf32, #tpu.memory_space<vmem_shared>>)
        } else {
        }
        %add3A_157 = arith.constant 1 : i32
        %add3A_158 = arith.addi %add3A_91, %add3A_157 : i32
        %add3A_159 = arith.addi %mul3A_3, %add3A_158 : i32
        %mul3A_160 = arith.constant 128 : i32
        %mul3A_161 = arith.muli %add3A_159, %mul3A_160 : i32
        %dma_start3A_162 = tpu.memref_slice %arg3[%mul3A_161] : memref<320000xi32, #tpu.memory_space<hbm>> -> memref<128xi32, #tpu.memory_space<hbm>>
        %dma_start3A_163 = tpu.memref_slice %arg3[%mul3A_161] : memref<320000xi32, #tpu.memory_space<hbm>> -> memref<128xi32, #tpu.memory_space<hbm>>
        tpu.enqueue_dma source(%dma_start3A_163 : memref<128xi32, #tpu.memory_space<hbm>>) target(%arg15 : memref<128xi32, #tpu.memory_space<vmem>>) target_semaphore(%arg27 : memref<!tpu.dma_semaphore, #tpu.memory_space<semaphore_mem>>)
        %add3A_164 = arith.constant 1 : i32
        %add3A_165 = arith.addi %add3A_91, %add3A_164 : i32
        %add3A_166 = arith.addi %mul3A_3, %add3A_165 : i32
        %mul3A_167 = arith.constant 128 : i32
        %mul3A_168 = arith.muli %add3A_166, %mul3A_167 : i32
        %dma_wait3A_169 = tpu.memref_slice %arg4[%mul3A_168] : memref<320000xi32, #tpu.memory_space<hbm>> -> memref<128xi32, #tpu.memory_space<hbm>>
        %dma_wait3A_170 = tpu.memref_slice %arg4[%mul3A_168] : memref<320000xi32, #tpu.memory_space<hbm>> -> memref<128xi32, #tpu.memory_space<hbm>>
        tpu.wait_dma2 semaphore(%arg24 : memref<!tpu.dma_semaphore, #tpu.memory_space<semaphore_mem>>) src(%dma_wait3A_170 : memref<128xi32, #tpu.memory_space<hbm>>) dst(%arg12 : memref<128xi32, #tpu.memory_space<vmem>>)
        %dma_start3A_171 = arith.constant 0 : i32
        %dma_start3A_172 = arith.constant 0 : i32
        %dma_start3A_173 = tpu.memref_slice %arg2[%dma_start3A_171, %dma_start3A_172] : memref<10112x128xf32, #tpu.memory_space<hbm>> -> memref<10112x128xf32, #tpu.memory_space<hbm>>
        tpu.enqueue_indirect_dma source(%dma_start3A_173 : memref<10112x128xf32, #tpu.memory_space<hbm>>) target(%arg9 : memref<128x128xf32, #tpu.memory_space<vmem>>) offsets(%arg12 : memref<128xi32, #tpu.memory_space<vmem>>) semaphore(%arg18 : memref<!tpu.dma_semaphore, #tpu.memory_space<semaphore_mem>>)
      } else {
      }
      %add3A_110 = arith.constant 1 : i32
      %add3A_111 = arith.addi %mul3A_89, %add3A_110 : i32
      %ge3A_112 = arith.constant 1 : i32
      %ge3A_113 = arith.cmpi sge, %add3A_111, %ge3A_112 : i32
      %convert_element_type3A_114 = arith.extui %ge3A_113 : i1 to i32
      %cond3A_115 = arith.constant 0 : i32
      %cond3A_116 = arith.cmpi ne, %convert_element_type3A_114, %cond3A_115 : i32
      scf.if %cond3A_116 {
        %sub3A = arith.constant 1 : i32
        %sub3A_152 = arith.subi %add3A_111, %sub3A : i32
        %add3A_153 = arith.addi %mul3A_3, %sub3A_152 : i32
        %mul3A_154 = arith.constant 128 : i32
        %mul3A_155 = arith.muli %add3A_153, %mul3A_154 : i32
        %dma_wait3A_156 = tpu.memref_slice %arg3[%mul3A_155] : memref<320000xi32, #tpu.memory_space<hbm>> -> memref<128xi32, #tpu.memory_space<hbm>>
        %dma_wait3A_157 = tpu.memref_slice %arg3[%mul3A_155] : memref<320000xi32, #tpu.memory_space<hbm>> -> memref<128xi32, #tpu.memory_space<hbm>>
        tpu.wait_dma2 semaphore(%arg26 : memref<!tpu.dma_semaphore, #tpu.memory_space<semaphore_mem>>) src(%dma_wait3A_157 : memref<128xi32, #tpu.memory_space<hbm>>) dst(%arg14 : memref<128xi32, #tpu.memory_space<vmem>>)
        %dma_wait3A_158 = arith.constant 0 : i32
        %dma_wait3A_159 = arith.constant 0 : i32
        %dma_wait3A_160 = tpu.memref_slice %arg2[%dma_wait3A_158, %dma_wait3A_159] : memref<10112x128xf32, #tpu.memory_space<hbm>> -> memref<10112x128xf32, #tpu.memory_space<hbm>>
        tpu.wait_indirect_dma semaphore(%arg17 : memref<!tpu.dma_semaphore, #tpu.memory_space<semaphore_mem>>) src(%dma_wait3A_160 : memref<10112x128xf32, #tpu.memory_space<hbm>>) dst(%arg8 : memref<128x128xf32, #tpu.memory_space<vmem>>)
        %dma_start3A_161 = arith.constant 0 : i32
        %dma_start3A_162 = arith.constant 0 : i32
        %dma_start3A_163 = tpu.memref_slice %arg7[%dma_start3A_161, %dma_start3A_162] : memref<10112x128xf32, #tpu.memory_space<vmem_shared>> -> memref<10112x128xf32, #tpu.memory_space<vmem_shared>>
        tpu.enqueue_indirect_dma source(%arg8 : memref<128x128xf32, #tpu.memory_space<vmem>>) target(%dma_start3A_163 : memref<10112x128xf32, #tpu.memory_space<vmem_shared>>) offsets(%arg14 : memref<128xi32, #tpu.memory_space<vmem>>) semaphore(%arg20 : memref<!tpu.dma_semaphore, #tpu.memory_space<semaphore_mem>>) {add = true}
      } else {
      }
      %add3A_117 = arith.constant 2 : i32
      %add3A_118 = arith.addi %add3A_111, %add3A_117 : i32
      %lt3A_119 = arith.constant 78 : i32
      %lt3A_120 = arith.cmpi slt, %add3A_118, %lt3A_119 : i32
      %convert_element_type3A_121 = arith.extui %lt3A_120 : i1 to i32
      %cond3A_122 = arith.constant 0 : i32
      %cond3A_123 = arith.cmpi ne, %convert_element_type3A_121, %cond3A_122 : i32
      scf.if %cond3A_123 {
        %add3A_152 = arith.constant 2 : i32
        %add3A_153 = arith.addi %add3A_111, %add3A_152 : i32
        %add3A_154 = arith.addi %mul3A_3, %add3A_153 : i32
        %mul3A_155 = arith.constant 128 : i32
        %mul3A_156 = arith.muli %add3A_154, %mul3A_155 : i32
        %dma_start3A_157 = tpu.memref_slice %arg4[%mul3A_156] : memref<320000xi32, #tpu.memory_space<hbm>> -> memref<128xi32, #tpu.memory_space<hbm>>
        %dma_start3A_158 = tpu.memref_slice %arg4[%mul3A_156] : memref<320000xi32, #tpu.memory_space<hbm>> -> memref<128xi32, #tpu.memory_space<hbm>>
        tpu.enqueue_dma source(%dma_start3A_158 : memref<128xi32, #tpu.memory_space<hbm>>) target(%arg11 : memref<128xi32, #tpu.memory_space<vmem>>) target_semaphore(%arg23 : memref<!tpu.dma_semaphore, #tpu.memory_space<semaphore_mem>>)
      } else {
      }
      %add3A_124 = arith.constant 1 : i32
      %add3A_125 = arith.addi %add3A_111, %add3A_124 : i32
      %lt3A_126 = arith.constant 78 : i32
      %lt3A_127 = arith.cmpi slt, %add3A_125, %lt3A_126 : i32
      %convert_element_type3A_128 = arith.extui %lt3A_127 : i1 to i32
      %cond3A_129 = arith.constant 0 : i32
      %cond3A_130 = arith.cmpi ne, %convert_element_type3A_128, %cond3A_129 : i32
      scf.if %cond3A_130 {
        %ge3A_152 = arith.constant 2 : i32
        %ge3A_153 = arith.cmpi sge, %add3A_111, %ge3A_152 : i32
        %convert_element_type3A_154 = arith.extui %ge3A_153 : i1 to i32
        %cond3A_155 = arith.constant 0 : i32
        %cond3A_156 = arith.cmpi ne, %convert_element_type3A_154, %cond3A_155 : i32
        scf.if %cond3A_156 {
          %dma_wait3A_174 = arith.constant 0 : i32
          %dma_wait3A_175 = arith.constant 0 : i32
          %dma_wait3A_176 = tpu.memref_slice %arg7[%dma_wait3A_174, %dma_wait3A_175] : memref<10112x128xf32, #tpu.memory_space<vmem_shared>> -> memref<10112x128xf32, #tpu.memory_space<vmem_shared>>
          tpu.wait_indirect_dma semaphore(%arg22 : memref<!tpu.dma_semaphore, #tpu.memory_space<semaphore_mem>>) src(%arg10 : memref<128x128xf32, #tpu.memory_space<vmem>>) dst(%dma_wait3A_176 : memref<10112x128xf32, #tpu.memory_space<vmem_shared>>)
        } else {
        }
        %add3A_157 = arith.constant 1 : i32
        %add3A_158 = arith.addi %add3A_111, %add3A_157 : i32
        %add3A_159 = arith.addi %mul3A_3, %add3A_158 : i32
        %mul3A_160 = arith.constant 128 : i32
        %mul3A_161 = arith.muli %add3A_159, %mul3A_160 : i32
        %dma_start3A_162 = tpu.memref_slice %arg3[%mul3A_161] : memref<320000xi32, #tpu.memory_space<hbm>> -> memref<128xi32, #tpu.memory_space<hbm>>
        %dma_start3A_163 = tpu.memref_slice %arg3[%mul3A_161] : memref<320000xi32, #tpu.memory_space<hbm>> -> memref<128xi32, #tpu.memory_space<hbm>>
        tpu.enqueue_dma source(%dma_start3A_163 : memref<128xi32, #tpu.memory_space<hbm>>) target(%arg16 : memref<128xi32, #tpu.memory_space<vmem>>) target_semaphore(%arg28 : memref<!tpu.dma_semaphore, #tpu.memory_space<semaphore_mem>>)
        %add3A_164 = arith.constant 1 : i32
        %add3A_165 = arith.addi %add3A_111, %add3A_164 : i32
        %add3A_166 = arith.addi %mul3A_3, %add3A_165 : i32
        %mul3A_167 = arith.constant 128 : i32
        %mul3A_168 = arith.muli %add3A_166, %mul3A_167 : i32
        %dma_wait3A_169 = tpu.memref_slice %arg4[%mul3A_168] : memref<320000xi32, #tpu.memory_space<hbm>> -> memref<128xi32, #tpu.memory_space<hbm>>
        %dma_wait3A_170 = tpu.memref_slice %arg4[%mul3A_168] : memref<320000xi32, #tpu.memory_space<hbm>> -> memref<128xi32, #tpu.memory_space<hbm>>
        tpu.wait_dma2 semaphore(%arg25 : memref<!tpu.dma_semaphore, #tpu.memory_space<semaphore_mem>>) src(%dma_wait3A_170 : memref<128xi32, #tpu.memory_space<hbm>>) dst(%arg13 : memref<128xi32, #tpu.memory_space<vmem>>)
        %dma_start3A_171 = arith.constant 0 : i32
        %dma_start3A_172 = arith.constant 0 : i32
        %dma_start3A_173 = tpu.memref_slice %arg2[%dma_start3A_171, %dma_start3A_172] : memref<10112x128xf32, #tpu.memory_space<hbm>> -> memref<10112x128xf32, #tpu.memory_space<hbm>>
        tpu.enqueue_indirect_dma source(%dma_start3A_173 : memref<10112x128xf32, #tpu.memory_space<hbm>>) target(%arg10 : memref<128x128xf32, #tpu.memory_space<vmem>>) offsets(%arg13 : memref<128xi32, #tpu.memory_space<vmem>>) semaphore(%arg19 : memref<!tpu.dma_semaphore, #tpu.memory_space<semaphore_mem>>)
      } else {
      }
      %add3A_131 = arith.constant 2 : i32
      %add3A_132 = arith.addi %mul3A_89, %add3A_131 : i32
      %ge3A_133 = arith.constant 1 : i32
      %ge3A_134 = arith.cmpi sge, %add3A_132, %ge3A_133 : i32
      %convert_element_type3A_135 = arith.extui %ge3A_134 : i1 to i32
      %cond3A_136 = arith.constant 0 : i32
      %cond3A_137 = arith.cmpi ne, %convert_element_type3A_135, %cond3A_136 : i32
      scf.if %cond3A_137 {
        %sub3A = arith.constant 1 : i32
        %sub3A_152 = arith.subi %add3A_132, %sub3A : i32
        %add3A_153 = arith.addi %mul3A_3, %sub3A_152 : i32
        %mul3A_154 = arith.constant 128 : i32
        %mul3A_155 = arith.muli %add3A_153, %mul3A_154 : i32
        %dma_wait3A_156 = tpu.memref_slice %arg3[%mul3A_155] : memref<320000xi32, #tpu.memory_space<hbm>> -> memref<128xi32, #tpu.memory_space<hbm>>
        %dma_wait3A_157 = tpu.memref_slice %arg3[%mul3A_155] : memref<320000xi32, #tpu.memory_space<hbm>> -> memref<128xi32, #tpu.memory_space<hbm>>
        tpu.wait_dma2 semaphore(%arg27 : memref<!tpu.dma_semaphore, #tpu.memory_space<semaphore_mem>>) src(%dma_wait3A_157 : memref<128xi32, #tpu.memory_space<hbm>>) dst(%arg15 : memref<128xi32, #tpu.memory_space<vmem>>)
        %dma_wait3A_158 = arith.constant 0 : i32
        %dma_wait3A_159 = arith.constant 0 : i32
        %dma_wait3A_160 = tpu.memref_slice %arg2[%dma_wait3A_158, %dma_wait3A_159] : memref<10112x128xf32, #tpu.memory_space<hbm>> -> memref<10112x128xf32, #tpu.memory_space<hbm>>
        tpu.wait_indirect_dma semaphore(%arg18 : memref<!tpu.dma_semaphore, #tpu.memory_space<semaphore_mem>>) src(%dma_wait3A_160 : memref<10112x128xf32, #tpu.memory_space<hbm>>) dst(%arg9 : memref<128x128xf32, #tpu.memory_space<vmem>>)
        %dma_start3A_161 = arith.constant 0 : i32
        %dma_start3A_162 = arith.constant 0 : i32
        %dma_start3A_163 = tpu.memref_slice %arg7[%dma_start3A_161, %dma_start3A_162] : memref<10112x128xf32, #tpu.memory_space<vmem_shared>> -> memref<10112x128xf32, #tpu.memory_space<vmem_shared>>
        tpu.enqueue_indirect_dma source(%arg9 : memref<128x128xf32, #tpu.memory_space<vmem>>) target(%dma_start3A_163 : memref<10112x128xf32, #tpu.memory_space<vmem_shared>>) offsets(%arg15 : memref<128xi32, #tpu.memory_space<vmem>>) semaphore(%arg21 : memref<!tpu.dma_semaphore, #tpu.memory_space<semaphore_mem>>) {add = true}
      } else {
      }
      %add3A_138 = arith.constant 2 : i32
      %add3A_139 = arith.addi %add3A_132, %add3A_138 : i32
      %lt3A_140 = arith.constant 78 : i32
      %lt3A_141 = arith.cmpi slt, %add3A_139, %lt3A_140 : i32
      %convert_element_type3A_142 = arith.extui %lt3A_141 : i1 to i32
      %cond3A_143 = arith.constant 0 : i32
      %cond3A_144 = arith.cmpi ne, %convert_element_type3A_142, %cond3A_143 : i32
      scf.if %cond3A_144 {
        %add3A_152 = arith.constant 2 : i32
        %add3A_153 = arith.addi %add3A_132, %add3A_152 : i32
        %add3A_154 = arith.addi %mul3A_3, %add3A_153 : i32
        %mul3A_155 = arith.constant 128 : i32
        %mul3A_156 = arith.muli %add3A_154, %mul3A_155 : i32
        %dma_start3A_157 = tpu.memref_slice %arg4[%mul3A_156] : memref<320000xi32, #tpu.memory_space<hbm>> -> memref<128xi32, #tpu.memory_space<hbm>>
        %dma_start3A_158 = tpu.memref_slice %arg4[%mul3A_156] : memref<320000xi32, #tpu.memory_space<hbm>> -> memref<128xi32, #tpu.memory_space<hbm>>
        tpu.enqueue_dma source(%dma_start3A_158 : memref<128xi32, #tpu.memory_space<hbm>>) target(%arg12 : memref<128xi32, #tpu.memory_space<vmem>>) target_semaphore(%arg24 : memref<!tpu.dma_semaphore, #tpu.memory_space<semaphore_mem>>)
      } else {
      }
      %add3A_145 = arith.constant 1 : i32
      %add3A_146 = arith.addi %add3A_132, %add3A_145 : i32
      %lt3A_147 = arith.constant 78 : i32
      %lt3A_148 = arith.cmpi slt, %add3A_146, %lt3A_147 : i32
      %convert_element_type3A_149 = arith.extui %lt3A_148 : i1 to i32
      %cond3A_150 = arith.constant 0 : i32
      %cond3A_151 = arith.cmpi ne, %convert_element_type3A_149, %cond3A_150 : i32
      scf.if %cond3A_151 {
        %ge3A_152 = arith.constant 2 : i32
        %ge3A_153 = arith.cmpi sge, %add3A_132, %ge3A_152 : i32
        %convert_element_type3A_154 = arith.extui %ge3A_153 : i1 to i32
        %cond3A_155 = arith.constant 0 : i32
        %cond3A_156 = arith.cmpi ne, %convert_element_type3A_154, %cond3A_155 : i32
        scf.if %cond3A_156 {
          %dma_wait3A_174 = arith.constant 0 : i32
          %dma_wait3A_175 = arith.constant 0 : i32
          %dma_wait3A_176 = tpu.memref_slice %arg7[%dma_wait3A_174, %dma_wait3A_175] : memref<10112x128xf32, #tpu.memory_space<vmem_shared>> -> memref<10112x128xf32, #tpu.memory_space<vmem_shared>>
          tpu.wait_indirect_dma semaphore(%arg20 : memref<!tpu.dma_semaphore, #tpu.memory_space<semaphore_mem>>) src(%arg8 : memref<128x128xf32, #tpu.memory_space<vmem>>) dst(%dma_wait3A_176 : memref<10112x128xf32, #tpu.memory_space<vmem_shared>>)
        } else {
        }
        %add3A_157 = arith.constant 1 : i32
        %add3A_158 = arith.addi %add3A_132, %add3A_157 : i32
        %add3A_159 = arith.addi %mul3A_3, %add3A_158 : i32
        %mul3A_160 = arith.constant 128 : i32
        %mul3A_161 = arith.muli %add3A_159, %mul3A_160 : i32
        %dma_start3A_162 = tpu.memref_slice %arg3[%mul3A_161] : memref<320000xi32, #tpu.memory_space<hbm>> -> memref<128xi32, #tpu.memory_space<hbm>>
        %dma_start3A_163 = tpu.memref_slice %arg3[%mul3A_161] : memref<320000xi32, #tpu.memory_space<hbm>> -> memref<128xi32, #tpu.memory_space<hbm>>
        tpu.enqueue_dma source(%dma_start3A_163 : memref<128xi32, #tpu.memory_space<hbm>>) target(%arg14 : memref<128xi32, #tpu.memory_space<vmem>>) target_semaphore(%arg26 : memref<!tpu.dma_semaphore, #tpu.memory_space<semaphore_mem>>)
        %add3A_164 = arith.constant 1 : i32
        %add3A_165 = arith.addi %add3A_132, %add3A_164 : i32
        %add3A_166 = arith.addi %mul3A_3, %add3A_165 : i32
        %mul3A_167 = arith.constant 128 : i32
        %mul3A_168 = arith.muli %add3A_166, %mul3A_167 : i32
        %dma_wait3A_169 = tpu.memref_slice %arg4[%mul3A_168] : memref<320000xi32, #tpu.memory_space<hbm>> -> memref<128xi32, #tpu.memory_space<hbm>>
        %dma_wait3A_170 = tpu.memref_slice %arg4[%mul3A_168] : memref<320000xi32, #tpu.memory_space<hbm>> -> memref<128xi32, #tpu.memory_space<hbm>>
        tpu.wait_dma2 semaphore(%arg23 : memref<!tpu.dma_semaphore, #tpu.memory_space<semaphore_mem>>) src(%dma_wait3A_170 : memref<128xi32, #tpu.memory_space<hbm>>) dst(%arg11 : memref<128xi32, #tpu.memory_space<vmem>>)
        %dma_start3A_171 = arith.constant 0 : i32
        %dma_start3A_172 = arith.constant 0 : i32
        %dma_start3A_173 = tpu.memref_slice %arg2[%dma_start3A_171, %dma_start3A_172] : memref<10112x128xf32, #tpu.memory_space<hbm>> -> memref<10112x128xf32, #tpu.memory_space<hbm>>
        tpu.enqueue_indirect_dma source(%dma_start3A_173 : memref<10112x128xf32, #tpu.memory_space<hbm>>) target(%arg8 : memref<128x128xf32, #tpu.memory_space<vmem>>) offsets(%arg11 : memref<128xi32, #tpu.memory_space<vmem>>) semaphore(%arg17 : memref<!tpu.dma_semaphore, #tpu.memory_space<semaphore_mem>>)
      } else {
      }
    }
    %scan3A_49 = arith.constant 26 : i32
    %add3A_50 = arith.constant 77 : i32
    %add3A_51 = arith.addi %mul3A_3, %add3A_50 : i32
    %mul3A_52 = arith.constant 128 : i32
    %mul3A_53 = arith.muli %add3A_51, %mul3A_52 : i32
    %dma_wait3A_54 = tpu.memref_slice %arg3[%mul3A_53] : memref<320000xi32, #tpu.memory_space<hbm>> -> memref<128xi32, #tpu.memory_space<hbm>>
    %dma_wait3A_55 = tpu.memref_slice %arg3[%mul3A_53] : memref<320000xi32, #tpu.memory_space<hbm>> -> memref<128xi32, #tpu.memory_space<hbm>>
    tpu.wait_dma2 semaphore(%arg28 : memref<!tpu.dma_semaphore, #tpu.memory_space<semaphore_mem>>) src(%dma_wait3A_55 : memref<128xi32, #tpu.memory_space<hbm>>) dst(%arg16 : memref<128xi32, #tpu.memory_space<vmem>>)
    %dma_wait3A_56 = arith.constant 0 : i32
    %dma_wait3A_57 = arith.constant 0 : i32
    %dma_wait3A_58 = tpu.memref_slice %arg2[%dma_wait3A_56, %dma_wait3A_57] : memref<10112x128xf32, #tpu.memory_space<hbm>> -> memref<10112x128xf32, #tpu.memory_space<hbm>>
    tpu.wait_indirect_dma semaphore(%arg19 : memref<!tpu.dma_semaphore, #tpu.memory_space<semaphore_mem>>) src(%dma_wait3A_58 : memref<10112x128xf32, #tpu.memory_space<hbm>>) dst(%arg10 : memref<128x128xf32, #tpu.memory_space<vmem>>)
    %dma_start3A_59 = arith.constant 0 : i32
    %dma_start3A_60 = arith.constant 0 : i32
    %dma_start3A_61 = tpu.memref_slice %arg7[%dma_start3A_59, %dma_start3A_60] : memref<10112x128xf32, #tpu.memory_space<vmem_shared>> -> memref<10112x128xf32, #tpu.memory_space<vmem_shared>>
    tpu.enqueue_indirect_dma source(%arg10 : memref<128x128xf32, #tpu.memory_space<vmem>>) target(%dma_start3A_61 : memref<10112x128xf32, #tpu.memory_space<vmem_shared>>) offsets(%arg16 : memref<128xi32, #tpu.memory_space<vmem>>) semaphore(%arg22 : memref<!tpu.dma_semaphore, #tpu.memory_space<semaphore_mem>>) {add = true}
    %dma_wait3A_62 = arith.constant 0 : i32
    %dma_wait3A_63 = arith.constant 0 : i32
    %dma_wait3A_64 = tpu.memref_slice %arg7[%dma_wait3A_62, %dma_wait3A_63] : memref<10112x128xf32, #tpu.memory_space<vmem_shared>> -> memref<10112x128xf32, #tpu.memory_space<vmem_shared>>
    tpu.wait_indirect_dma semaphore(%arg20 : memref<!tpu.dma_semaphore, #tpu.memory_space<semaphore_mem>>) src(%arg8 : memref<128x128xf32, #tpu.memory_space<vmem>>) dst(%dma_wait3A_64 : memref<10112x128xf32, #tpu.memory_space<vmem_shared>>)
    %dma_wait3A_65 = arith.constant 0 : i32
    %dma_wait3A_66 = arith.constant 0 : i32
    %dma_wait3A_67 = tpu.memref_slice %arg7[%dma_wait3A_65, %dma_wait3A_66] : memref<10112x128xf32, #tpu.memory_space<vmem_shared>> -> memref<10112x128xf32, #tpu.memory_space<vmem_shared>>
    tpu.wait_indirect_dma semaphore(%arg21 : memref<!tpu.dma_semaphore, #tpu.memory_space<semaphore_mem>>) src(%arg9 : memref<128x128xf32, #tpu.memory_space<vmem>>) dst(%dma_wait3A_67 : memref<10112x128xf32, #tpu.memory_space<vmem_shared>>)
    %dma_wait3A_68 = arith.constant 0 : i32
    %dma_wait3A_69 = arith.constant 0 : i32
    %dma_wait3A_70 = tpu.memref_slice %arg7[%dma_wait3A_68, %dma_wait3A_69] : memref<10112x128xf32, #tpu.memory_space<vmem_shared>> -> memref<10112x128xf32, #tpu.memory_space<vmem_shared>>
    tpu.wait_indirect_dma semaphore(%arg22 : memref<!tpu.dma_semaphore, #tpu.memory_space<semaphore_mem>>) src(%arg10 : memref<128x128xf32, #tpu.memory_space<vmem>>) dst(%dma_wait3A_70 : memref<10112x128xf32, #tpu.memory_space<vmem_shared>>)
    %lt3A = arith.constant 4 : i32
    %lt3A_71 = arith.cmpi slt, %add3A, %lt3A : i32
    %convert_element_type3A = arith.extui %lt3A_71 : i1 to i32
    %cond3A = arith.constant 0 : i32
    %cond3A_72 = arith.cmpi ne, %convert_element_type3A, %cond3A : i32
    scf.if %cond3A_72 {
      %add3A_83 = arith.constant 2496 : i32
      %add3A_84 = arith.addi %add3A_83, %add3A : i32
      %sub3A = arith.subi %add3A_84, %mul3A_3 : i32
      %add3A_85 = arith.addi %mul3A_3, %sub3A : i32
      %mul3A_86 = arith.constant 128 : i32
      %mul3A_87 = arith.muli %add3A_85, %mul3A_86 : i32
      %dma_start3A_88 = tpu.memref_slice %arg4[%mul3A_87] : memref<320000xi32, #tpu.memory_space<hbm>> -> memref<128xi32, #tpu.memory_space<hbm>>
      %dma_start3A_89 = tpu.memref_slice %arg4[%mul3A_87] : memref<320000xi32, #tpu.memory_space<hbm>> -> memref<128xi32, #tpu.memory_space<hbm>>
      tpu.enqueue_dma source(%dma_start3A_89 : memref<128xi32, #tpu.memory_space<hbm>>) target(%arg11 : memref<128xi32, #tpu.memory_space<vmem>>) target_semaphore(%arg23 : memref<!tpu.dma_semaphore, #tpu.memory_space<semaphore_mem>>)
      %add3A_90 = arith.addi %mul3A_3, %sub3A : i32
      %mul3A_91 = arith.constant 128 : i32
      %mul3A_92 = arith.muli %add3A_90, %mul3A_91 : i32
      %dma_start3A_93 = tpu.memref_slice %arg3[%mul3A_92] : memref<320000xi32, #tpu.memory_space<hbm>> -> memref<128xi32, #tpu.memory_space<hbm>>
      %dma_start3A_94 = tpu.memref_slice %arg3[%mul3A_92] : memref<320000xi32, #tpu.memory_space<hbm>> -> memref<128xi32, #tpu.memory_space<hbm>>
      tpu.enqueue_dma source(%dma_start3A_94 : memref<128xi32, #tpu.memory_space<hbm>>) target(%arg14 : memref<128xi32, #tpu.memory_space<vmem>>) target_semaphore(%arg26 : memref<!tpu.dma_semaphore, #tpu.memory_space<semaphore_mem>>)
      %add3A_95 = arith.addi %mul3A_3, %sub3A : i32
      %mul3A_96 = arith.constant 128 : i32
      %mul3A_97 = arith.muli %add3A_95, %mul3A_96 : i32
      %dma_wait3A_98 = tpu.memref_slice %arg4[%mul3A_97] : memref<320000xi32, #tpu.memory_space<hbm>> -> memref<128xi32, #tpu.memory_space<hbm>>
      %dma_wait3A_99 = tpu.memref_slice %arg4[%mul3A_97] : memref<320000xi32, #tpu.memory_space<hbm>> -> memref<128xi32, #tpu.memory_space<hbm>>
      tpu.wait_dma2 semaphore(%arg23 : memref<!tpu.dma_semaphore, #tpu.memory_space<semaphore_mem>>) src(%dma_wait3A_99 : memref<128xi32, #tpu.memory_space<hbm>>) dst(%arg11 : memref<128xi32, #tpu.memory_space<vmem>>)
      %add3A_100 = arith.addi %mul3A_3, %sub3A : i32
      %mul3A_101 = arith.constant 128 : i32
      %mul3A_102 = arith.muli %add3A_100, %mul3A_101 : i32
      %dma_wait3A_103 = tpu.memref_slice %arg3[%mul3A_102] : memref<320000xi32, #tpu.memory_space<hbm>> -> memref<128xi32, #tpu.memory_space<hbm>>
      %dma_wait3A_104 = tpu.memref_slice %arg3[%mul3A_102] : memref<320000xi32, #tpu.memory_space<hbm>> -> memref<128xi32, #tpu.memory_space<hbm>>
      tpu.wait_dma2 semaphore(%arg26 : memref<!tpu.dma_semaphore, #tpu.memory_space<semaphore_mem>>) src(%dma_wait3A_104 : memref<128xi32, #tpu.memory_space<hbm>>) dst(%arg14 : memref<128xi32, #tpu.memory_space<vmem>>)
      %dma_start3A_105 = arith.constant 0 : i32
      %dma_start3A_106 = arith.constant 0 : i32
      %dma_start3A_107 = tpu.memref_slice %arg2[%dma_start3A_105, %dma_start3A_106] : memref<10112x128xf32, #tpu.memory_space<hbm>> -> memref<10112x128xf32, #tpu.memory_space<hbm>>
      tpu.enqueue_indirect_dma source(%dma_start3A_107 : memref<10112x128xf32, #tpu.memory_space<hbm>>) target(%arg8 : memref<128x128xf32, #tpu.memory_space<vmem>>) offsets(%arg11 : memref<128xi32, #tpu.memory_space<vmem>>) semaphore(%arg17 : memref<!tpu.dma_semaphore, #tpu.memory_space<semaphore_mem>>)
      %dma_wait3A_108 = arith.constant 0 : i32
      %dma_wait3A_109 = arith.constant 0 : i32
      %dma_wait3A_110 = tpu.memref_slice %arg2[%dma_wait3A_108, %dma_wait3A_109] : memref<10112x128xf32, #tpu.memory_space<hbm>> -> memref<10112x128xf32, #tpu.memory_space<hbm>>
      tpu.wait_indirect_dma semaphore(%arg17 : memref<!tpu.dma_semaphore, #tpu.memory_space<semaphore_mem>>) src(%dma_wait3A_110 : memref<10112x128xf32, #tpu.memory_space<hbm>>) dst(%arg8 : memref<128x128xf32, #tpu.memory_space<vmem>>)
      %dma_start3A_111 = arith.constant 0 : i32
      %dma_start3A_112 = arith.constant 0 : i32
      %dma_start3A_113 = tpu.memref_slice %arg7[%dma_start3A_111, %dma_start3A_112] : memref<10112x128xf32, #tpu.memory_space<vmem_shared>> -> memref<10112x128xf32, #tpu.memory_space<vmem_shared>>
      tpu.enqueue_indirect_dma source(%arg8 : memref<128x128xf32, #tpu.memory_space<vmem>>) target(%dma_start3A_113 : memref<10112x128xf32, #tpu.memory_space<vmem_shared>>) offsets(%arg14 : memref<128xi32, #tpu.memory_space<vmem>>) semaphore(%arg20 : memref<!tpu.dma_semaphore, #tpu.memory_space<semaphore_mem>>) {add = true}
      %dma_wait3A_114 = arith.constant 0 : i32
      %dma_wait3A_115 = arith.constant 0 : i32
      %dma_wait3A_116 = tpu.memref_slice %arg7[%dma_wait3A_114, %dma_wait3A_115] : memref<10112x128xf32, #tpu.memory_space<vmem_shared>> -> memref<10112x128xf32, #tpu.memory_space<vmem_shared>>
      tpu.wait_indirect_dma semaphore(%arg20 : memref<!tpu.dma_semaphore, #tpu.memory_space<semaphore_mem>>) src(%arg8 : memref<128x128xf32, #tpu.memory_space<vmem>>) dst(%dma_wait3A_116 : memref<10112x128xf32, #tpu.memory_space<vmem_shared>>)
    } else {
    }
    "tpu.trace_stop"() : () -> ()
    "tpu.trace_start"() <{level = 10 : i32, message = "writeout"}> : () -> ()
    %barrier3A_73 = arith.constant 0 : index
    tpu.barrier barrier_id(%barrier3A_73)
    %eq3A = arith.constant 0 : i32
    %eq3A_74 = arith.cmpi eq, %arg0, %eq3A : i32
    %convert_element_type3A_75 = arith.extui %eq3A_74 : i1 to i32
    %cond3A_76 = arith.constant 0 : i32
    %cond3A_77 = arith.cmpi ne, %convert_element_type3A_75, %cond3A_76 : i32
    scf.if %cond3A_77 {
      "tpu.region"() ({
        %run_scoped3A = tpu.sem_alloc : memref<!tpu.dma_semaphore, #tpu.memory_space<semaphore_mem>>
        %dma_start3A_83 = arith.constant 0 : i32
        %dma_start3A_84 = tpu.memref_slice %arg5[%mul3A_5, %dma_start3A_83] : memref<10112x128xf32, #tpu.memory_space<hbm>> -> memref<632x128xf32, #tpu.memory_space<hbm>>
        %dma_start3A_85 = arith.constant 0 : i32
        %dma_start3A_86 = tpu.memref_slice %arg7[%mul3A_5, %dma_start3A_85] : memref<10112x128xf32, #tpu.memory_space<vmem_shared>> -> memref<632x128xf32, #tpu.memory_space<vmem_shared>>
        tpu.enqueue_dma source(%dma_start3A_86 : memref<632x128xf32, #tpu.memory_space<vmem_shared>>) target(%dma_start3A_84 : memref<632x128xf32, #tpu.memory_space<hbm>>) target_semaphore(%run_scoped3A : memref<!tpu.dma_semaphore, #tpu.memory_space<semaphore_mem>>)
        %dma_wait3A_87 = arith.constant 0 : i32
        %dma_wait3A_88 = tpu.memref_slice %arg5[%mul3A_5, %dma_wait3A_87] : memref<10112x128xf32, #tpu.memory_space<hbm>> -> memref<632x128xf32, #tpu.memory_space<hbm>>
        %dma_wait3A_89 = arith.constant 0 : i32
        %dma_wait3A_90 = tpu.memref_slice %arg7[%mul3A_5, %dma_wait3A_89] : memref<10112x128xf32, #tpu.memory_space<vmem_shared>> -> memref<632x128xf32, #tpu.memory_space<vmem_shared>>
        tpu.wait_dma2 semaphore(%run_scoped3A : memref<!tpu.dma_semaphore, #tpu.memory_space<semaphore_mem>>) src(%dma_wait3A_90 : memref<632x128xf32, #tpu.memory_space<vmem_shared>>) dst(%dma_wait3A_88 : memref<632x128xf32, #tpu.memory_space<hbm>>)
        tpu.yield
      }) : () -> ()
    } else {
    }
    %eq3A_78 = arith.constant 1 : i32
    %eq3A_79 = arith.cmpi eq, %arg0, %eq3A_78 : i32
    %convert_element_type3A_80 = arith.extui %eq3A_79 : i1 to i32
    %cond3A_81 = arith.constant 0 : i32
    %cond3A_82 = arith.cmpi ne, %convert_element_type3A_80, %cond3A_81 : i32
    scf.if %cond3A_82 {
      "tpu.region"() ({
        %run_scoped3A = tpu.sem_alloc : memref<!tpu.dma_semaphore, #tpu.memory_space<semaphore_mem>>
        %dma_start3A_83 = arith.constant 0 : i32
        %dma_start3A_84 = tpu.memref_slice %arg6[%mul3A_5, %dma_start3A_83] : memref<10112x128xf32, #tpu.memory_space<hbm>> -> memref<632x128xf32, #tpu.memory_space<hbm>>
        %dma_start3A_85 = arith.constant 0 : i32
        %dma_start3A_86 = tpu.memref_slice %arg7[%mul3A_5, %dma_start3A_85] : memref<10112x128xf32, #tpu.memory_space<vmem_shared>> -> memref<632x128xf32, #tpu.memory_space<vmem_shared>>
        tpu.enqueue_dma source(%dma_start3A_86 : memref<632x128xf32, #tpu.memory_space<vmem_shared>>) target(%dma_start3A_84 : memref<632x128xf32, #tpu.memory_space<hbm>>) target_semaphore(%run_scoped3A : memref<!tpu.dma_semaphore, #tpu.memory_space<semaphore_mem>>)
        %dma_wait3A_87 = arith.constant 0 : i32
        %dma_wait3A_88 = tpu.memref_slice %arg6[%mul3A_5, %dma_wait3A_87] : memref<10112x128xf32, #tpu.memory_space<hbm>> -> memref<632x128xf32, #tpu.memory_space<hbm>>
        %dma_wait3A_89 = arith.constant 0 : i32
        %dma_wait3A_90 = tpu.memref_slice %arg7[%mul3A_5, %dma_wait3A_89] : memref<10112x128xf32, #tpu.memory_space<vmem_shared>> -> memref<632x128xf32, #tpu.memory_space<vmem_shared>>
        tpu.wait_dma2 semaphore(%run_scoped3A : memref<!tpu.dma_semaphore, #tpu.memory_space<semaphore_mem>>) src(%dma_wait3A_90 : memref<632x128xf32, #tpu.memory_space<vmem_shared>>) dst(%dma_wait3A_88 : memref<632x128xf32, #tpu.memory_space<hbm>>)
        tpu.yield
      }) : () -> ()
    } else {
    }
    "tpu.trace_stop"() : () -> ()
    return
  }
}

module attributes {stable_mosaic.version = 14 : i64} {
  func.func @_tc1_body(%arg0: i32, %arg1: memref<32x10112xf32, #tpu.memory_space<vmem>>, %arg2: memref<10112x128xf32, #tpu.memory_space<vmem>>, %arg3: memref<128x128xf32, #tpu.memory_space<vmem>>, %arg4: memref<10112x1xf32, #tpu.memory_space<vmem>>, %arg5: memref<10112x128xf32, #tpu.memory_space<vmem>>, %arg6: memref<10112x128xf32, #tpu.memory_space<vmem>>) attributes {dimension_semantics = [#tpu.dimension_semantics<arbitrary>], iteration_bounds = array<i64: 1>, scalar_prefetch = 0 : i64, scratch_operands = 0 : i64, tpu.core_type = #tpu.core_type<tc>, window_params = [{pipeline_mode = #tpu.pipeline_mode<synchronous>, transform_indices = @transform_0, window_bounds = array<i64: 32, 10112>}, {pipeline_mode = #tpu.pipeline_mode<synchronous>, transform_indices = @transform_1, window_bounds = array<i64: 10112, 128>}, {pipeline_mode = #tpu.pipeline_mode<synchronous>, transform_indices = @transform_2, window_bounds = array<i64: 128, 128>}, {pipeline_mode = #tpu.pipeline_mode<synchronous>, transform_indices = @transform_3, window_bounds = array<i64: 10112, 1>}, {pipeline_mode = #tpu.pipeline_mode<synchronous>, transform_indices = @transform_4, window_bounds = array<i64: 10112, 128>}, {pipeline_mode = #tpu.pipeline_mode<synchronous>, transform_indices = @transform_5, window_bounds = array<i64: 10112, 128>}]} {
    %get3A = arith.constant 0 : index
    %get3A_0 = arith.constant 0 : index
    %get3A_1 = vector.load %arg1[%get3A, %get3A_0] : memref<32x10112xf32, #tpu.memory_space<vmem>>, vector<32x10112xf32>
    %reduce_sum3A = arith.constant dense<0.000000e+00> : vector<10112xf32>
    %reduce_sum3A_2 = vector.multi_reduction <add>, %get3A_1, %reduce_sum3A [0] : vector<32x10112xf32> to vector<10112xf32>
    %gt3A = arith.constant 0.000000e+00 : f32
    %gt3A_3 = vector.broadcast %gt3A : f32 to vector<10112xf32>
    %gt3A_4 = arith.cmpf ogt, %reduce_sum3A_2, %gt3A_3 : vector<10112xf32>
    %gt3A_5 = arith.constant 0.000000e+00 : f32
    %gt3A_6 = vector.broadcast %gt3A_5 : f32 to vector<10112xf32>
    %gt3A_7 = arith.cmpf ogt, %reduce_sum3A_2, %gt3A_6 : vector<10112xf32>
    %jit3A = arith.constant 1.000000e+00 : f32
    %broadcast_in_dim3A = vector.broadcast %jit3A : f32 to vector<10112xf32>
    %select_n3A = arith.select %gt3A_7, %reduce_sum3A_2, %broadcast_in_dim3A : vector<10112xi1>, vector<10112xf32>
    %rsqrt3A = math.rsqrt %select_n3A : vector<10112xf32>
    %jit3A_8 = arith.constant 0.000000e+00 : f32
    %broadcast_in_dim3A_9 = vector.broadcast %jit3A_8 : f32 to vector<10112xf32>
    %select_n3A_10 = arith.select %gt3A_4, %rsqrt3A, %broadcast_in_dim3A_9 : vector<10112xi1>, vector<10112xf32>
    %broadcast_in_dim3A_11 = vector.shape_cast %select_n3A_10 : vector<10112xf32> to vector<10112x1xf32>
    %swap3A = arith.constant 0 : index
    %swap3A_12 = arith.constant 0 : index
    %swap3A_13 = vector.load %arg4[%swap3A, %swap3A_12] : memref<10112x1xf32, #tpu.memory_space<vmem>>, vector<10112x1xf32>
    tpu.vector_store %arg4[%swap3A, %swap3A_12], %broadcast_in_dim3A_11 {strides = array<i32>} : memref<10112x1xf32, #tpu.memory_space<vmem>>, vector<10112x1xf32>,
    %get3A_14 = arith.constant 0 : index
    %get3A_15 = arith.constant 0 : index
    %get3A_16 = vector.load %arg2[%get3A_14, %get3A_15] : memref<10112x128xf32, #tpu.memory_space<vmem>>, vector<10112x128xf32>
    %mul3A = vector.broadcast %broadcast_in_dim3A_11 : vector<10112x1xf32> to vector<10112x128xf32>
    %mul3A_17 = arith.mulf %mul3A, %get3A_16 : vector<10112x128xf32>
    %swap3A_18 = arith.constant 0 : index
    %swap3A_19 = arith.constant 0 : index
    %swap3A_20 = vector.load %arg5[%swap3A_18, %swap3A_19] : memref<10112x128xf32, #tpu.memory_space<vmem>>, vector<10112x128xf32>
    tpu.vector_store %arg5[%swap3A_18, %swap3A_19], %mul3A_17 {strides = array<i32>} : memref<10112x128xf32, #tpu.memory_space<vmem>>, vector<10112x128xf32>,
    %get3A_21 = arith.constant 0 : index
    %get3A_22 = arith.constant 0 : index
    %get3A_23 = vector.load %arg3[%get3A_21, %get3A_22] : memref<128x128xf32, #tpu.memory_space<vmem>>, vector<128x128xf32>
    %dot_general3A = arith.constant dense<0.000000e+00> : vector<10112x128xf32>
    %dot_general3A_24 = tpu.matmul %get3A_16, %get3A_23, %dot_general3A {dimension_numbers = #tpu.dot_dimension_numbers<[1], [0], [0], [1], [0, 0, 1, 1], [], []>, transpose_lhs_hint = false} : vector<10112x128xf32>, vector<128x128xf32>, vector<10112x128xf32> -> vector<10112x128xf32>
    %swap3A_25 = arith.constant 0 : index
    %swap3A_26 = arith.constant 0 : index
    %swap3A_27 = vector.load %arg6[%swap3A_25, %swap3A_26] : memref<10112x128xf32, #tpu.memory_space<vmem>>, vector<10112x128xf32>
    tpu.vector_store %arg6[%swap3A_25, %swap3A_26], %dot_general3A_24 {strides = array<i32>} : memref<10112x128xf32, #tpu.memory_space<vmem>>, vector<10112x128xf32>,
    return
  }
  func.func @transform_0(%arg0: i32) -> (i32, i32) {
    %c0_i32 = arith.constant 0 : i32
    %c0_i32_0 = arith.constant 0 : i32
    %c0_i32_1 = arith.constant 0 : i32
    return %c0_i32, %c0_i32_0 : i32, i32
  }
  func.func @transform_1(%arg0: i32) -> (i32, i32) {
    %c0_i32 = arith.constant 0 : i32
    %c0_i32_0 = arith.constant 0 : i32
    %c0_i32_1 = arith.constant 0 : i32
    return %c0_i32, %c0_i32_0 : i32, i32
  }
  func.func @transform_2(%arg0: i32) -> (i32, i32) {
    %c0_i32 = arith.constant 0 : i32
    %c0_i32_0 = arith.constant 0 : i32
    %c0_i32_1 = arith.constant 0 : i32
    return %c0_i32, %c0_i32_0 : i32, i32
  }
  func.func @transform_3(%arg0: i32) -> (i32, i32) {
    %c0_i32 = arith.constant 0 : i32
    %c0_i32_0 = arith.constant 0 : i32
    %c0_i32_1 = arith.constant 0 : i32
    return %c0_i32, %c0_i32_0 : i32, i32
  }
  func.func @transform_4(%arg0: i32) -> (i32, i32) {
    %c0_i32 = arith.constant 0 : i32
    %c0_i32_0 = arith.constant 0 : i32
    %c0_i32_1 = arith.constant 0 : i32
    return %c0_i32, %c0_i32_0 : i32, i32
  }
  func.func @transform_5(%arg0: i32) -> (i32, i32) {
    %c0_i32 = arith.constant 0 : i32
    %c0_i32_0 = arith.constant 0 : i32
    %c0_i32_1 = arith.constant 0 : i32
    return %c0_i32, %c0_i32_0 : i32, i32
  }
}

module attributes {stable_mosaic.version = 14 : i64} {
  func.func @_tc2_body(%arg0: i32, %arg1: memref<632x128xf32, #tpu.memory_space<vmem>>, %arg2: memref<632x128xf32, #tpu.memory_space<vmem>>, %arg3: memref<632x1xf32, #tpu.memory_space<vmem>>, %arg4: memref<632x128xf32, #tpu.memory_space<vmem>>, %arg5: memref<128x128xf32, #tpu.memory_space<vmem>>, %arg6: memref<632x128xf32, #tpu.memory_space<vmem>>, %arg7: memref<632x128xf32, #tpu.memory_space<vmem>>) attributes {dimension_semantics = [#tpu.dimension_semantics<arbitrary>], iteration_bounds = array<i64: 16>, scalar_prefetch = 0 : i64, scratch_operands = 0 : i64, tpu.core_type = #tpu.core_type<tc>, window_params = [{transform_indices = @transform_0, window_bounds = array<i64: 632, 128>}, {transform_indices = @transform_1, window_bounds = array<i64: 632, 128>}, {transform_indices = @transform_2, window_bounds = array<i64: 632, 1>}, {transform_indices = @transform_3, window_bounds = array<i64: 632, 128>}, {pipeline_mode = #tpu.pipeline_mode<synchronous>, transform_indices = @transform_4, window_bounds = array<i64: 128, 128>}, {transform_indices = @transform_5, window_bounds = array<i64: 632, 128>}, {transform_indices = @transform_6, window_bounds = array<i64: 632, 128>}]} {
    %get3A = arith.constant 0 : index
    %get3A_0 = arith.constant 0 : index
    %get3A_1 = vector.load %arg3[%get3A, %get3A_0] : memref<632x1xf32, #tpu.memory_space<vmem>>, vector<632x1xf32>
    %neg3A = arith.constant 0.000000e+00 : f32
    %neg3A_2 = vector.broadcast %neg3A : f32 to vector<632x1xf32>
    %neg3A_3 = arith.subf %neg3A_2, %get3A_1 : vector<632x1xf32>
    %get3A_4 = arith.constant 0 : index
    %get3A_5 = arith.constant 0 : index
    %get3A_6 = vector.load %arg1[%get3A_4, %get3A_5] : memref<632x128xf32, #tpu.memory_space<vmem>>, vector<632x128xf32>
    %get3A_7 = arith.constant 0 : index
    %get3A_8 = arith.constant 0 : index
    %get3A_9 = vector.load %arg2[%get3A_7, %get3A_8] : memref<632x128xf32, #tpu.memory_space<vmem>>, vector<632x128xf32>
    %add3A = arith.addf %get3A_6, %get3A_9 : vector<632x128xf32>
    %mul3A = vector.broadcast %neg3A_3 : vector<632x1xf32> to vector<632x128xf32>
    %mul3A_10 = arith.mulf %mul3A, %add3A : vector<632x128xf32>
    %get3A_11 = arith.constant 0 : index
    %get3A_12 = arith.constant 0 : index
    %get3A_13 = vector.load %arg4[%get3A_11, %get3A_12] : memref<632x128xf32, #tpu.memory_space<vmem>>, vector<632x128xf32>
    %get3A_14 = arith.constant 0 : index
    %get3A_15 = arith.constant 0 : index
    %get3A_16 = vector.load %arg5[%get3A_14, %get3A_15] : memref<128x128xf32, #tpu.memory_space<vmem>>, vector<128x128xf32>
    %dot_general3A = arith.constant dense<0.000000e+00> : vector<632x128xf32>
    %dot_general3A_17 = tpu.matmul %mul3A_10, %get3A_16, %dot_general3A {dimension_numbers = #tpu.dot_dimension_numbers<[1], [0], [0], [1], [0, 0, 1, 1], [], []>, transpose_lhs_hint = false} : vector<632x128xf32>, vector<128x128xf32>, vector<632x128xf32> -> vector<632x128xf32>
    %add3A_18 = arith.addf %get3A_13, %dot_general3A_17 : vector<632x128xf32>
    %swap3A = arith.constant 0 : index
    %swap3A_19 = arith.constant 0 : index
    %swap3A_20 = vector.load %arg6[%swap3A, %swap3A_19] : memref<632x128xf32, #tpu.memory_space<vmem>>, vector<632x128xf32>
    tpu.vector_store %arg6[%swap3A, %swap3A_19], %add3A_18 {strides = array<i32>} : memref<632x128xf32, #tpu.memory_space<vmem>>, vector<632x128xf32>,
    %mul3A_21 = vector.broadcast %get3A_1 : vector<632x1xf32> to vector<632x128xf32>
    %mul3A_22 = arith.mulf %mul3A_21, %mul3A_10 : vector<632x128xf32>
    %swap3A_23 = arith.constant 0 : index
    %swap3A_24 = arith.constant 0 : index
    %swap3A_25 = vector.load %arg7[%swap3A_23, %swap3A_24] : memref<632x128xf32, #tpu.memory_space<vmem>>, vector<632x128xf32>
    tpu.vector_store %arg7[%swap3A_23, %swap3A_24], %mul3A_22 {strides = array<i32>} : memref<632x128xf32, #tpu.memory_space<vmem>>, vector<632x128xf32>,
    return
  }
  func.func @transform_0(%arg0: i32) -> (i32, i32) {
    %c0_i32 = arith.constant 0 : i32
    %c0_i32_0 = arith.constant 0 : i32
    return %arg0, %c0_i32 : i32, i32
  }
  func.func @transform_1(%arg0: i32) -> (i32, i32) {
    %c0_i32 = arith.constant 0 : i32
    %c0_i32_0 = arith.constant 0 : i32
    return %arg0, %c0_i32 : i32, i32
  }
  func.func @transform_2(%arg0: i32) -> (i32, i32) {
    %c0_i32 = arith.constant 0 : i32
    %c0_i32_0 = arith.constant 0 : i32
    return %arg0, %c0_i32 : i32, i32
  }
  func.func @transform_3(%arg0: i32) -> (i32, i32) {
    %c0_i32 = arith.constant 0 : i32
    %c0_i32_0 = arith.constant 0 : i32
    return %arg0, %c0_i32 : i32, i32
  }
  func.func @transform_4(%arg0: i32) -> (i32, i32) {
    %c0_i32 = arith.constant 0 : i32
    %c0_i32_0 = arith.constant 0 : i32
    %c0_i32_1 = arith.constant 0 : i32
    return %c0_i32, %c0_i32_0 : i32, i32
  }
  func.func @transform_5(%arg0: i32) -> (i32, i32) {
    %c0_i32 = arith.constant 0 : i32
    %c0_i32_0 = arith.constant 0 : i32
    return %arg0, %c0_i32 : i32, i32
  }
  func.func @transform_6(%arg0: i32) -> (i32, i32) {
    %c0_i32 = arith.constant 0 : i32
    %c0_i32_0 = arith.constant 0 : i32
    return %arg0, %c0_i32 : i32, i32
  }
}

module attributes {stable_mosaic.version = 14 : i64} {
  func.func @_tc3_body(%arg0: i32, %arg1: memref<632x128xf32, #tpu.memory_space<vmem>>, %arg2: memref<632x128xf32, #tpu.memory_space<vmem>>, %arg3: memref<632x1xf32, #tpu.memory_space<vmem>>, %arg4: memref<632x128xf32, #tpu.memory_space<vmem>>, %arg5: memref<632x128xf32, #tpu.memory_space<vmem>>, %arg6: memref<128x128xf32, #tpu.memory_space<vmem>>, %arg7: memref<1x128xf32, #tpu.memory_space<vmem>>, %arg8: memref<632x128xf32, #tpu.memory_space<vmem>>) attributes {dimension_semantics = [#tpu.dimension_semantics<arbitrary>], iteration_bounds = array<i64: 16>, scalar_prefetch = 0 : i64, scratch_operands = 0 : i64, tpu.core_type = #tpu.core_type<tc>, window_params = [{transform_indices = @transform_0, window_bounds = array<i64: 632, 128>}, {transform_indices = @transform_1, window_bounds = array<i64: 632, 128>}, {transform_indices = @transform_2, window_bounds = array<i64: 632, 1>}, {transform_indices = @transform_3, window_bounds = array<i64: 632, 128>}, {transform_indices = @transform_4, window_bounds = array<i64: 632, 128>}, {pipeline_mode = #tpu.pipeline_mode<synchronous>, transform_indices = @transform_5, window_bounds = array<i64: 128, 128>}, {pipeline_mode = #tpu.pipeline_mode<synchronous>, transform_indices = @transform_6, window_bounds = array<i64: 1, 128>}, {transform_indices = @transform_7, window_bounds = array<i64: 632, 128>}]} {
    %get3A = arith.constant 0 : index
    %get3A_0 = arith.constant 0 : index
    %get3A_1 = vector.load %arg3[%get3A, %get3A_0] : memref<632x1xf32, #tpu.memory_space<vmem>>, vector<632x1xf32>
    %get3A_2 = arith.constant 0 : index
    %get3A_3 = arith.constant 0 : index
    %get3A_4 = vector.load %arg4[%get3A_2, %get3A_3] : memref<632x128xf32, #tpu.memory_space<vmem>>, vector<632x128xf32>
    %mul3A = arith.constant -2.000000e+00 : f32
    %mul3A_5 = vector.broadcast %mul3A : f32 to vector<632x1xf32>
    %mul3A_6 = arith.mulf %mul3A_5, %get3A_1 : vector<632x1xf32>
    %get3A_7 = arith.constant 0 : index
    %get3A_8 = arith.constant 0 : index
    %get3A_9 = vector.load %arg1[%get3A_7, %get3A_8] : memref<632x128xf32, #tpu.memory_space<vmem>>, vector<632x128xf32>
    %get3A_10 = arith.constant 0 : index
    %get3A_11 = arith.constant 0 : index
    %get3A_12 = vector.load %arg2[%get3A_10, %get3A_11] : memref<632x128xf32, #tpu.memory_space<vmem>>, vector<632x128xf32>
    %add3A = arith.addf %get3A_9, %get3A_12 : vector<632x128xf32>
    %mul3A_13 = vector.broadcast %mul3A_6 : vector<632x1xf32> to vector<632x128xf32>
    %mul3A_14 = arith.mulf %mul3A_13, %add3A : vector<632x128xf32>
    %sub3A = arith.subf %mul3A_14, %get3A_4 : vector<632x128xf32>
    %get3A_15 = arith.constant 0 : index
    %get3A_16 = arith.constant 0 : index
    %get3A_17 = vector.load %arg5[%get3A_15, %get3A_16] : memref<632x128xf32, #tpu.memory_space<vmem>>, vector<632x128xf32>
    %get3A_18 = arith.constant 0 : index
    %get3A_19 = arith.constant 0 : index
    %get3A_20 = vector.load %arg6[%get3A_18, %get3A_19] : memref<128x128xf32, #tpu.memory_space<vmem>>, vector<128x128xf32>
    %dot_general3A = arith.constant dense<0.000000e+00> : vector<632x128xf32>
    %dot_general3A_21 = tpu.matmul %sub3A, %get3A_20, %dot_general3A {dimension_numbers = #tpu.dot_dimension_numbers<[1], [0], [0], [1], [0, 0, 1, 1], [], []>, transpose_lhs_hint = false} : vector<632x128xf32>, vector<128x128xf32>, vector<632x128xf32> -> vector<632x128xf32>
    %add3A_22 = arith.addf %get3A_17, %dot_general3A_21 : vector<632x128xf32>
    %get3A_23 = arith.constant 0 : index
    %get3A_24 = arith.constant 0 : index
    %get3A_25 = vector.load %arg7[%get3A_23, %get3A_24] : memref<1x128xf32, #tpu.memory_space<vmem>>, vector<1x128xf32>
    %add3A_26 = vector.broadcast %get3A_25 : vector<1x128xf32> to vector<632x128xf32>
    %add3A_27 = arith.addf %add3A_22, %add3A_26 : vector<632x128xf32>
    %add3A_28 = arith.addf %add3A_27, %get3A_4 : vector<632x128xf32>
    %max3A = arith.constant 0.000000e+00 : f32
    %max3A_29 = vector.broadcast %max3A : f32 to vector<632x128xf32>
    %max3A_30 = arith.maximumf %add3A_28, %max3A_29 : vector<632x128xf32>
    %swap3A = arith.constant 0 : index
    %swap3A_31 = arith.constant 0 : index
    %swap3A_32 = vector.load %arg8[%swap3A, %swap3A_31] : memref<632x128xf32, #tpu.memory_space<vmem>>, vector<632x128xf32>
    tpu.vector_store %arg8[%swap3A, %swap3A_31], %max3A_30 {strides = array<i32>} : memref<632x128xf32, #tpu.memory_space<vmem>>, vector<632x128xf32>,
    return
  }
  func.func @transform_0(%arg0: i32) -> (i32, i32) {
    %c0_i32 = arith.constant 0 : i32
    %c0_i32_0 = arith.constant 0 : i32
    return %arg0, %c0_i32 : i32, i32
  }
  func.func @transform_1(%arg0: i32) -> (i32, i32) {
    %c0_i32 = arith.constant 0 : i32
    %c0_i32_0 = arith.constant 0 : i32
    return %arg0, %c0_i32 : i32, i32
  }
  func.func @transform_2(%arg0: i32) -> (i32, i32) {
    %c0_i32 = arith.constant 0 : i32
    %c0_i32_0 = arith.constant 0 : i32
    return %arg0, %c0_i32 : i32, i32
  }
  func.func @transform_3(%arg0: i32) -> (i32, i32) {
    %c0_i32 = arith.constant 0 : i32
    %c0_i32_0 = arith.constant 0 : i32
    return %arg0, %c0_i32 : i32, i32
  }
  func.func @transform_4(%arg0: i32) -> (i32, i32) {
    %c0_i32 = arith.constant 0 : i32
    %c0_i32_0 = arith.constant 0 : i32
    return %arg0, %c0_i32 : i32, i32
  }
  func.func @transform_5(%arg0: i32) -> (i32, i32) {
    %c0_i32 = arith.constant 0 : i32
    %c0_i32_0 = arith.constant 0 : i32
    %c0_i32_1 = arith.constant 0 : i32
    return %c0_i32, %c0_i32_0 : i32, i32
  }
  func.func @transform_6(%arg0: i32) -> (i32, i32) {
    %c0_i32 = arith.constant 0 : i32
    %c0_i32_0 = arith.constant 0 : i32
    %c0_i32_1 = arith.constant 0 : i32
    return %c0_i32, %c0_i32_0 : i32, i32
  }
  func.func @transform_7(%arg0: i32) -> (i32, i32) {
    %c0_i32 = arith.constant 0 : i32
    %c0_i32_0 = arith.constant 0 : i32
    return %arg0, %c0_i32 : i32, i32
  }
}

</mosaic_0001>

<sc_bundles>
// kernel: kernel.11.cloned.1.call-start
scs
__scs_entry_jumppad:
0x0: {  	(pc) =	sbr.rel $0x88, $3  }
0x1: {  	(tag) =	ssettag $0x0;
	lr =	simm.s32 $0x1  }
0x2: {  	[smem:$0x3F9D] =	sst lr;
	_ =	strace $0xD0000000  }
0x3: {  	_ = 	snop  }
0x4: {  	_ = 	snop  }
0x5: {  	_ = 	snop  }
0x6: {  	_ = 	snop  }
0x7: {  	_ = 	snop  }
__scs_overlays_trampoline_lowered:
0x8: {  	[smem:$0x3FAC] =	sst s0  }
0x9: {  	[smem:$0x3FAD] =	sst s1  }
0xa: {  	[smem:$0x3FAE] =	sst s2  }
0xb: {  	[smem:$0x3FAF] =	sst s3  }
0xc: {  	[smem:$0x3FB0] =	sst s4  }
0xd: {  	[smem:$0x3FB1] =	sst s5  }
0xe: {  	[smem:$0x3FB2] =	sst s6  }
0xf: {  	[smem:$0x3FB3] =	sst s7  }
0x10: {  	[smem:$0x3FB4] =	sst s8  }
0x11: {  	[smem:$0x3FB5] =	sst s9;
	s0 =	simm.s32 @!p0 $0x0  }
0x12: {  	s1 =	sld [smem:$0x3F9B];
	s0 =	simm.s32 @p0 $0x1  }
0x13: {  	[smem:$0x3FB6] =	sst s0;
	s0 =	simm.s32 @!p1 $0x0  }
0x14: {  	s2 =	sld [smem:$0x3F9A];
	s0 =	simm.s32 @p1 $0x1  }
0x15: {  	[smem:$0x3FB7] =	sst s0;
	s0 =	simm.s32 @!p2 $0x0  }
0x16: {  	s3 =	sld [smem:$0x3FDB];
	s0 =	simm.s32 @p2 $0x1  }
0x17: {  	s4 =	simm.s32 $0x1BF5;
	[smem:$0x3FB9] =	sst s0  }
0x18: {  	s0 =	sld [smem:$0x3F9C];
	_ =	swait.ge [sflag:s4], $0x0  }
0x19: {  	s7 =	sld [smem:$0x3F9D]  }
0x1a: {  	s8 =	sadd.s32 $0xFFFFE003, lr  }
0x1b: {  	s9 =	sadd.s32 $0xFFFFFEF7, lr;
	s5 =	simm.s32 $0xFFFFFFFF;
	p2 =	slt.u32 s8, $0xFFFFF086  }
0x1c: {  	p1 =	slt.u32 s9, $0xF7A;
	s5 =	simm.s32 @!p2 $0x0  }
0x1d: {  	s5 =	simm.s32 @p1 $0x1;
	p0 =	seq.s32 s7, s2  }
0x1e: {  	s7 =	smul.u32 @!p0 $0xF7A, s2;
	p2 =	seq.s32 @!p0 s5, $0x0  }
0x1f: {  	s9 =	smul.u32 $0xF7A, s1;
	s8 =	simm.s32 @!p0 $0x1BF5;
	p2 =	por !p2, p0  }
0x20: {  	[sflag:s8] =	ssyncset.s32 @!p0 $0xFFFFF086;
	s6 =	sadd.s32 @!p0 s3, s7;
	s7 =	simm.s32 @!p0 $0x108  }
0x21: {  	s3 =	sadd.s32 s3, s9;
	s6 =	sadd.s32 @!p0 $0x88, s6;
	s7 =	simm.s32 @p2 $0x1082  }
0x22: {  	[simem:s7], [sflag:s8] =	dma.local @!p0 [hbm:s6], $0xF7A  }
0x23: {  	s9 =	sor.u32 $0xD0000000, s2;
	s6 =	simm.s32 $0x108;
	_ =	swait.ge @!p0 [sflag:s8], $0x0  }
0x24: {  	s3 =	sadd.s32 $0x88, s3;
	s6 =	simm.s32 @!p1 $0x1082;
	[sflag:s4] =	ssyncset.s32 $0xFFFFF086  }
0x25: {  	[simem:s6], [sflag:s4] =	dma.local [hbm:s3], $0xF7A  }
0x26: {  	[smem:$0x3F9D] =	sst s1;
	(tag) =	ssettag s2;
	_ =	strace s9  }
0x27: {  	s1 =	sld [smem:$0x3FAD]  }
0x28: {  	s2 =	sld [smem:$0x3FAE]  }
0x29: {  	s4 =	sld [smem:$0x3FB0]  }
0x2a: {  	p0 =	seq.s32 s5, $0x0;
	s5 =	sld [smem:$0x3FB1]  }
0x2b: {  	s6 =	sld [smem:$0x3FB2]  }
0x2c: {  	s7 =	sld [smem:$0x3FB3]  }
0x2d: {  	s3 =	simm.s32 $0x108;
	s8 =	sld [smem:$0x3FB4]  }
0x2e: {  	s3 =	simm.s32 @!p0 $0x1082;
	s9 =	sld [smem:$0x3FB5]  }
0x2f: {  	lr =	sadd.s32 s0, s3;
	s0 =	sld [smem:$0x3FAC]  }
0x30: {  	s3 =	sld [smem:$0x3FAF]  }
0x31: {  	[smem:$0x3FB8] =	sst s10  }
0x32: {  	s10 =	sld [smem:$0x3FB6];
	_ =	sdelay $0x3  }
0x33: {  	p0 =	seq.s32 s10, $0x1;
	s10 =	sld [smem:$0x3FB8];
	_ =	sdelay $0x3  }
0x34: {  	[smem:$0x3FB8] =	sst s10  }
0x35: {  	s10 =	sld [smem:$0x3FB7];
	_ =	sdelay $0x3  }
0x36: {  	p1 =	seq.s32 s10, $0x1;
	s10 =	sld [smem:$0x3FB8];
	_ =	sdelay $0x3  }
0x37: {  	[smem:$0x3FB8] =	sst s10  }
0x38: {  	s10 =	sld [smem:$0x3FB9]  }
0x39: {  	_ = 	snop;
	(pc) =	sbr.ind lr, $3  }
0x3a: {  	_ = 	snop  }
0x3b: {  	_ = 	snop  }
0x3c: {  	p2 =	seq.s32 s10, $0x1;
	s10 =	sld [smem:$0x3FB8]  }
0x3d: {  	_ =	shalt  }
0x3e: {  	_ =	shalt  }
0x3f: {  	_ =	shalt  }
0x40: {  	_ =	shalt  }
0x41: {  	_ =	shalt  }
0x42: {  	_ =	shalt  }
0x43: {  	_ =	shalt  }
0x44: {  	_ =	shalt  }
0x45: {  	_ =	shalt  }
0x46: {  	_ =	shalt  }
0x47: {  	_ =	shalt  }
0x48: {  	_ =	shalt  }
0x49: {  	_ =	shalt  }
0x4a: {  	_ =	shalt  }
0x4b: {  	_ =	shalt  }
0x4c: {  	_ =	shalt  }
0x4d: {  	_ =	shalt  }
0x4e: {  	_ =	shalt  }
0x4f: {  	_ =	shalt  }
0x50: {  	_ =	shalt  }
0x51: {  	_ =	shalt  }
0x52: {  	_ =	shalt  }
0x53: {  	_ =	shalt  }
0x54: {  	_ =	shalt  }
0x55: {  	_ =	shalt  }
0x56: {  	_ =	shalt  }
0x57: {  	_ =	shalt  }
0x58: {  	_ =	shalt  }
0x59: {  	_ =	shalt  }
0x5a: {  	_ =	shalt  }
0x5b: {  	_ =	shalt  }
0x5c: {  	_ =	shalt  }
0x5d: {  	_ =	shalt  }
0x5e: {  	_ =	shalt  }
0x5f: {  	_ =	shalt  }
0x60: {  	_ =	shalt  }
0x61: {  	_ =	shalt  }
0x62: {  	_ =	shalt  }
0x63: {  	_ =	shalt  }
0x64: {  	_ =	shalt  }
0x65: {  	_ =	shalt  }
0x66: {  	_ =	shalt  }
0x67: {  	_ =	shalt  }
0x68: {  	_ =	shalt  }
0x69: {  	_ =	shalt  }
0x6a: {  	_ =	shalt  }
0x6b: {  	_ =	shalt  }
0x6c: {  	_ =	shalt  }
0x6d: {  	_ =	shalt  }
0x6e: {  	_ =	shalt  }
0x6f: {  	_ =	shalt  }
0x70: {  	_ =	shalt  }
0x71: {  	_ =	shalt  }
0x72: {  	_ =	shalt  }
0x73: {  	_ =	shalt  }
0x74: {  	_ =	shalt  }
0x75: {  	_ =	shalt  }
0x76: {  	_ =	shalt  }
0x77: {  	_ =	shalt  }
0x78: {  	_ =	shalt  }
0x79: {  	_ =	shalt  }
0x7a: {  	_ =	shalt  }
0x7b: {  	_ =	shalt  }
0x7c: {  	_ =	shalt  }
0x7d: {  	_ =	shalt  }
0x7e: {  	_ =	shalt  }
0x7f: {  	_ =	shalt  }
0x80: {  	_ =	shalt  }
0x81: {  	_ =	shalt  }
0x82: {  	_ =	shalt  }
0x83: {  	_ =	shalt  }
0x84: {  	_ =	shalt  }
0x85: {  	_ =	shalt  }
0x86: {  	_ =	shalt  }
0x87: {  	_ =	shalt  }
.Lfunc_end0:
.L_simem_size_0:
called_computation.1_lowered:
.L_overlay_start_0:
0x88: {  	s2 =	sld [smem:$0x3FD9]  }
0x89: {  	s3 =	sld [smem:$0x3FFE];
	_ =	sdelay $0x1  }
0x8a: {  	s1 =	srdreg.scid  }
0x8b: {  	s0 =	sand.u32 $0x1, s1  }
0x8c: {  	s16 =	sshll.u32 s0, $0xA;
	s2 =	sadd.s32 s3, s2  }
0x8d: {  	s2 =	sadd.s32 s2, s16  }
0x8e: {  	[smem:$0x3FC4] =	sst s2  }
0x8f: {  	_ = 	snop  }
0x90: {  	(tm) =	ssettm $0x1  }
0x91: {  	s17 =	sld [smem:$0x3FFB];
	_ =	sdelay $0x3  }
0x92: {  	_ =	strace s17  }
0x93: {  	s2 =	sld [smem:$0x3FFC];
	_ =	sdelay $0x3  }
0x94: {  	_ =	strace s2  }
0x95: {  	s2 =	sld [smem:$0x3FFD];
	_ =	sdelay $0x3  }
0x96: {  	_ =	strace s2  }
0x97: {  	_ =	strace $0x8FFFFFFF  }
0x98: {  	s18 =	sld [smem:$0x3FDB];
	_ =	sdelay $0x1  }
0x99: {  	s19 =	simm.s32 $_scs_section_size  }
0x9a: {  	s4 =	simm.s32 $_size__tile_overlayer_lowered;
	s5 =	simm.s32 $_tile_overlayer_lowered  }
0x9b: {  	s22 =	simm.s32 $0x1BFF;
	s21 =	sshll.u32 s5, $0x1;
	s2 =	sadd.s32 s19, s18  }
0x9c: {  	s6 =	simm.s32 $0x0;
	s20 =	sshll.u32 s4, $0x1;
	s4 =	sadd.s32 s21, s2  }
0x9d: {  	[timem:s6], [sflag:s22] =	dma.local [hbm:s4], s20  }
0x9e: {  	_ =	swait.ge [sflag:s22], s20  }
0x9f: {  	s3 =	ssub.s32 $0x0, s20;
	[sflag:s22] =	ssyncset.done $0x0  }
0xa0: {  	[sflag:s22] =	ssyncadd.s32 s3;
	_ =	sdelay $0x1  }
0xa1: {  	s23 =	simm.s32 $0x1B8B  }
0xa2: {  	_ =	swait.ge [sflag:s23], $0x1  }
0xa3: {  	[sflag:s23] =	ssyncset.done $0x0  }
0xa4: {  	s25 =	simm.s32 $0x1B8E;
	s24 =	sld [smem:$0x3FFE];
	[sflag:s23] =	ssyncadd.s32 $0xFFFFFFFF  }
0xa5: {  	s26 =	simm.s32 $execute0_lowered;
	[smem:$0x3FD2] =	sst s25  }
0xa6: {  	s4 =	sshll.u32 s26, $0x1;
	_ =	strace $0x80000049;
	[dreg:$0x1] =	wrdreg $0xFFFFFFFF  }
0xa7: {  	s28 =	simm.s32 $_size_execute0_lowered;
	s2 =	sadd.s32 s2, s4;
	[dreg:$0x0] =	wrdreg $0x0  }
0xa8: {  	s4 =	sshll.u32 s28, $0x1;
	[dreg:$0x2] =	wrdreg s2  }
0xa9: {  	[dreg:$0x3] =	wrdreg s4  }
0xaa: {  	[dreg:$0x4] =	wrdreg $0xC0  }
0xab: {  	_ =	task [dreg:s6], $0x5FFFF  }
0xac: {  	[dreg:$0x1] =	wrdreg $0xFFFFFFFF  }
0xad: {  	[dreg:$0x0] =	wrdreg $0x60  }
0xae: {  	[dreg:$0x2] =	wrdreg s24  }
0xaf: {  	[dreg:$0x3] =	wrdreg $0x0  }
0xb0: {  	[dreg:$0x4] =	wrdreg $0x9  }
0xb1: {  	_ =	task.clear_ibuf [dreg:s6], $0x5FFFF;
	_ =	strace $0x90000049  }
0xb2: {  	s29 =	simm.s32 $0x9;
	_ =	strace $0x8000004E  }
0xb3: {  	_ =	swait.ge [sflag:s29], $0x1  }
0xb4: {  	[sflag:s29] =	ssyncadd.s32 $0xFFFFFFFF  }
0xb5: {  	_ =	strace $0x9000004E  }
0xb6: {  	_ =	sfence  }
0xb7: {  	s30 =	sld [smem:$0x0];
	_ =	sdelay $0x2  }
0xb8: {  	s31 =	sshll.u32 s1, $0xD;
	s1 =	sshrl.u32 s1, $0x2  }
0xb9: {  	s3 =	sand.u32 $0x4000, s31;
	s1 =	sadd.s32 s1, s30  }
0xba: {  	s0 =	sor.u32 s3, s0;
	s1 =	sshll.u32 s1, $0x11  }
0xbb: {  	s0 =	sor.u32 s1, s0  }
0xbc: {  	s0 =	sadd.s32 $0x8F2B, s0  }
0xbd: {  	[sflag:s0] =	ssyncadd.remote.s32 $0x1  }
0xbe: {  	_ =	sfence.sel $0xFFFF  }
0xbf: {  	[dreg:$0x0] =	wrdreg $0xFFFFFFFF;
	(pc) =	sbr.abs _section_cstart, $3  }
0xc0: {  	[dreg:$0x1] =	wrdreg $0xFFFFFFFF  }
0xc1: {  	_ =	task.clear_ibuf [dreg:s6], $0x2FFFF;
	_ =	strace $0x9FFFFFFF  }
0xc2: {  	(tm) =	ssettm $0x7FFFFFFF  }
0xc3: {  	_ =	shalt  }
tec
execute0_lowered:
.L_overlay_start_1:
0x0: {  	(tag) =	ssettag $0x1  }
0x1: {  	s0 =	rddreg [dreg:$0x0]  }
0x2: {  	s1 =	rddreg [dreg:$0x1];
	s2 =	simm.s32 $0x0;
	s3 =	srdreg.scid  }
0x3: {  	s11 =	stileid.u32;
	s28 =	simm.s32 $0x7;
	s29 =	simm.s32 $0x80  }
0x4: {  	s30 =	simm.s32 $0x1FD00;
	s31 =	simm.s32 $0x1FE00;
	s12 =	simm.s32 $0xB  }
0x5: {  	s13 =	simm.s32 $0x2;
	[smem:$0x7FF] =	sst s2;
	s4 =	sadd.s32 $0x3EE00, s0  }
0x6: {  	s5 =	sadd.s32 $0xD800, s0;
	s3 =	sand.u32 $0x1, s3;
	s6 =	smul.u32 $0x4F000, s11  }
0x7: {  	s7 =	sadd.s32 $0x3A00, s0;
	s9 =	sshll.u32 s11, $0x1;
	s20 =	smul.u32 $0x9C, s11  }
0x8: {  	s24 =	smul.u32 $0x2780, s11;
	_ =	strace $0x8000004A;
	s8 =	ssub.s32 $0x2, s3  }
0x9: {  	s9 =	sor.u32 s3, s9;
	s22 =	smul.u32 $0x4E, s3;
	p0 =	seq.s32 s3, $0x1  }
0xa: {  	s3 =	simm.s32 $0xDCE00;
	s10 =	sshrl.u32 s8, $0x1;
	s6 =	sshrl.u32 s6, $0x2  }
0xb: {  	s14 =	smul.u32 $0x4E0, s9;
	s9 =	sshll.u32 s9, $0x4;
	s23 =	sadd.s32 s6, s1  }
0xc: {  	s3 =	simm.s32 @!p0 $0xB5600;
	s15 =	sadd.s32 $0x4000, s23;
	[dreg:$0x3] =	wrdreg s23  }
0xd: {  	p0 =	sgt.u32 s11, $0x1;
	s16 =	sadd.s32 $0x8000, s23;
	[dreg:$0x4] =	wrdreg s15  }
0xe: {  	s11 =	simm.s32 $0x1BC00;
	s17 =	sadd.s32 $0xC000, s23;
	[dreg:$0x5] =	wrdreg s16  }
0xf: {  	s8 =	ssub.s32 s8, s10;
	s18 =	sadd.s32 $0x10000, s23;
	[dreg:$0x6] =	wrdreg s17  }
0x10: {  	s9 =	sor.u32 $0x9C00, s9;
	s19 =	sadd.s32 s7, s14;
	[dreg:$0x7] =	wrdreg s18  }
0x11: {  	s0 =	sadd.s32 s3, s0;
	s6 =	sadd.s32 s5, s14;
	[dreg:$0x8] =	wrdreg s19  }
0x12: {  	s3 =	simm.s32 $0x17C00;
	s21 =	sadd.s32 s7, s9;
	[dreg:$0xa] =	wrdreg s6  }
0x13: {  	s9 =	sadd.s32 s5, s9;
	s8 =	smax.u32 s8, $0x1;
	[dreg:$0xb] =	wrdreg s21  }
0x14: {  	s0 =	sadd.s32 s0, s24;
	s14 =	simm.s32 $0x6;
	[dreg:$0xc] =	wrdreg s9  }
0x15: {  	s10 =	sadd.s32 $0x10, s19;
	s6 =	sadd.s32 s22, s20;
	[dreg:$0xd] =	wrdreg s8  }
0x16: {  	[dreg:$0xe] =	wrdreg s0;
	s22 =	simm.s32 $0x13C00;
	s0 =	simm.s32 $0x8  }
0x17: {  	s9 =	simm.s32 $0x9;
	s15 =	simm.s32 $0x4;
	s8 =	simm.s32 $0x0  }
.Ltmp0:
0x18: {  	[dreg:$0x9] =	wrdreg s10;
	s25 =	sshll.u32 s6, $0x4;
	(pc) =	sbr.rel .LBB2_1-.Ltmp0, $4  }
0x19: {  	s10 =	simm.s32 $0xD;
	s26 =	sadd.s32 s25, s7;
	s6 =	sadd.s32 $0x20, s25  }
0x1a: {  	s18 =	sadd.s32 s25, s5;
	s25 =	simm.s32 $0x1FC80;
	s17 =	sadd.s32 $0x40, s26  }
0x1b: {  	s19 =	sadd.s32 s6, s5;
	s20 =	sadd.s32 s6, s7;
	s21 =	sadd.s32 $0x30, s26  }
0x1c: {  	v0 =	vimm.f32 $0.0e+00;
	s26 =	simm.s32 $0x1FD80;
	s6 =	simm.s32 $0xA;
	s7 =	simm.s32 $0x1  }
.LBB2_6:
0x1d: {  	s5 =	simm.s32 $0xC  }
0x1e: {  	_ =	swait.ge [sflag:s5], $0x80  }
0x1f: {  	[sflag:s5] =	ssyncset.done $0x0  }
0x20: {  	s8 =	simm.s32 $0x3;
	[sflag:s5] =	ssyncadd.s32 $0xFFFFFF80  }
0x21: {  	_ =	swait.ge [sflag:s8], $0x4000  }
0x22: {  	[sflag:s8] =	ssyncset.done $0x0  }
0x23: {  	s10 =	simm.s32 $0x1FE80;
	[sflag:s8] =	ssyncadd.s32 $0xFFFFC000  }
0x24: {  	[spmem:s1] =	stream.indirect.scatter.add.f32 [tilespmem:s11], [sflag:$0x6], $0x80, s10, s29, $0x2000b8;
	[tilespmem:$0x1FF00] =	vst v63  }
0x25: {  	_ =	swait.ge [sflag:s15], $0x4000  }
0x26: {  	[sflag:s15] =	ssyncset.done $0x0  }
0x27: {  	s16 =	simm.s32 $0x5;
	[sflag:s15] =	ssyncadd.s32 $0xFFFFC000  }
0x28: {  	_ =	swait.ge [sflag:s16], $0x4000  }
0x29: {  	[sflag:s16] =	ssyncset.done $0x0  }
0x2a: {  	[sflag:s16] =	ssyncadd.s32 $0xFFFFC000  }
0x2b: {  	_ =	swait.ge [sflag:s14], $0x4000  }
0x2c: {  	s5 =	simm.s32 @!p0 $0x0;
	[sflag:s14] =	ssyncset.done $0x0  }
0x2d: {  	s10 =	simm.s32 @!p0 $0x1FC00;
	s16 =	rddreg [dreg:$0xb];
	[sflag:s14] =	ssyncadd.s32 $0xFFFFC000  }
0x2e: {  	[tilespmem:s10], [sflag:$0x7] =	stream.linear.gather @!p0 [hbm4b:s16+s5], $0x80, $0x200038;
	[tilespmem:$0x1FF00] =	vst v63  }
0x2f: {  	s23 =	rddreg [dreg:$0xc];
	s16 =	simm.s32 @!p0 $0x1FD80  }
0x30: {  	[tilespmem:s16], [sflag:$0xA] =	stream.linear.gather @!p0 [hbm4b:s23+s5], $0x80, $0x200038;
	[tilespmem:$0x1FF00] =	vst v63  }
0x31: {  	s5 =	simm.s32 @!p0 $0x7  }
0x32: {  	_ =	swait.ge @!p0 [sflag:s5], $0x80  }
0x33: {  	[sflag:s5] =	ssyncset.done @!p0 $0x0  }
0x34: {  	[sflag:s5] =	ssyncadd.s32 @!p0 $0xFFFFFF80;
	s5 =	simm.s32 @!p0 $0xA  }
0x35: {  	_ =	swait.ge @!p0 [sflag:s5], $0x80  }
0x36: {  	[sflag:s5] =	ssyncset.done @!p0 $0x0  }
0x37: {  	s23 =	simm.s32 @!p0 $0x13C00;
	[sflag:s5] =	ssyncadd.s32 @!p0 $0xFFFFFF80;
	s5 =	simm.s32 @!p0 $0x80  }
0x38: {  	[tilespmem:s23], [sflag:$0x1] =	stream.indirect.gather @!p0 [hbm4b:s4+s5], $0x80, s10, s5, $0x2000b8;
	[tilespmem:$0x1FF00] =	vst v63  }
0x39: {  	s10 =	simm.s32 @!p0 $0x1  }
0x3a: {  	_ =	swait.ge @!p0 [sflag:s10], $0x4000  }
0x3b: {  	[sflag:s10] =	ssyncset.done @!p0 $0x0  }
0x3c: {  	[sflag:s10] =	ssyncadd.s32 @!p0 $0xFFFFC000  }
0x3d: {  	[spmem:s1] =	stream.indirect.scatter.add.f32 @!p0 [tilespmem:s23], [sflag:$0x4], $0x80, s16, s5, $0x2000b8;
	[tilespmem:$0x1FF00] =	vst v63  }
0x3e: {  	s5 =	simm.s32 @!p0 $0x4  }
0x3f: {  	_ =	swait.ge @!p0 [sflag:s5], $0x4000  }
0x40: {  	[sflag:s5] =	ssyncset.done @!p0 $0x0  }
0x41: {  	[sflag:s5] =	ssyncadd.s32 @!p0 $0xFFFFC000  }
0x42: {  	_ =	strace $0x9000004C  }
0x43: {  	_ =	strace $0x8000004D  }
0x44: {  	s23 =	stileid.u32;
	[bflag:$0x0] =	sbarrier.arrive $0xFFFF  }
0x45: {  	s10 =	simm.s32 $0xD;
	s5 =	sshll.u32 s23, $0x6;
	s23 =	rddreg [dreg:$0x3]  }
0x46: {  	s5 =	sor.u32 $0x1C0D, s5;
	s8 =	rddreg [dreg:$0xe];
	s24 =	sshrl.u32 s23, $0x3  }
0x47: {  	[hbm:s8], [sflag:s5] =	dma.local [spmem:s24], $0x2780  }
0x48: {  	_ =	swait.ge [sflag:s10], $0x2780  }
0x49: {  	s8 =	rddreg [dreg:$0xf]  }
0x4a: {  	s24 =	rddreg [dreg:$0xd];
	s8 =	sadd.s32 $0x1, s8  }
0x4b: {  	p1 =	sne.s32 s8, s24  }
.Ltmp1:
0x4c: {  	_ = 	snop;
	(pc) =	sbr.rel @!p1 .LBB2_7-.Ltmp1, $4  }
0x4d: {  	_ = 	snop  }
0x4e: {  	[sflag:s10] =	ssyncset.done $0x0  }
0x4f: {  	[sflag:s10] =	ssyncadd.s32 $0xFFFFD880  }
0x50: {  	_ =	strace $0x9000004D  }
.LBB2_1:
0x51: {  	[dreg:$0xf] =	wrdreg s8  }
0x52: {  	s5 =	simm.s32 $0x0;
	s16 =	simm.s32 $0x200;
	_ =	strace $0x8000004B  }
.LBB2_2:
0x53: {  	p1 =	sne.s32 s16, $0xFE00;
	[tilespmem:s5+$0x13C70] =	vst v0  }
0x54: {  	[tilespmem:s5+$0x13C00] =	vst v0  }
0x55: {  	[tilespmem:s5+$0x13C10] =	vst v0  }
.Ltmp2:
0x56: {  	[tilespmem:s5+$0x13C20] =	vst v0;
	(pc) =	sbr.rel @p1 .LBB2_2-.Ltmp2, $4  }
0x57: {  	[tilespmem:s5+$0x13C30] =	vst v0  }
0x58: {  	[tilespmem:s5+$0x13C40] =	vst v0  }
0x59: {  	[tilespmem:s5+$0x13C50] =	vst v0  }
0x5a: {  	[tilespmem:s5+$0x13C60] =	vst v0;
	s5 =	sshra.s32 s16, $0x2;
	s16 =	sadd.s32 $0x200, s16  }
0x5b: {  	[tilespmem:s5+$0x13C70] =	vst v0  }
0x5c: {  	[tilespmem:s5+$0x13C00] =	vst v0  }
0x5d: {  	[tilespmem:s5+$0x13C10] =	vst v0  }
0x5e: {  	[tilespmem:s5+$0x13C20] =	vst v0  }
0x5f: {  	[tilespmem:s5+$0x13C30] =	vst v0  }
0x60: {  	[tilespmem:s5+$0x13C40] =	vst v0  }
0x61: {  	[tilespmem:s5+$0x13C50] =	vst v0  }
0x62: {  	[tilespmem:s5+$0x13C60] =	vst v0  }
0x63: {  	[spmem:s23] =	stream.linear.scatter [tilespmem:s22], [sflag:$0xD], $0x4000, $0x200038;
	[tilespmem:$0x1FF00] =	vst v63  }
0x64: {  	_ =	swait.ge [sflag:s10], $0x4000  }
0x65: {  	[sflag:s10] =	ssyncset.done $0x0  }
0x66: {  	s8 =	rddreg [dreg:$0x4];
	[sflag:s10] =	ssyncadd.s32 $0xFFFFC000  }
0x67: {  	[spmem:s8] =	stream.linear.scatter [tilespmem:s22], [sflag:$0xD], $0x4000, $0x200038;
	[tilespmem:$0x1FF00] =	vst v63  }
0x68: {  	_ =	swait.ge [sflag:s10], $0x4000  }
0x69: {  	[sflag:s10] =	ssyncset.done $0x0  }
0x6a: {  	s16 =	rddreg [dreg:$0x5];
	[sflag:s10] =	ssyncadd.s32 $0xFFFFC000  }
0x6b: {  	[spmem:s16] =	stream.linear.scatter [tilespmem:s22], [sflag:$0xD], $0x4000, $0x200038;
	[tilespmem:$0x1FF00] =	vst v63  }
0x6c: {  	_ =	swait.ge [sflag:s10], $0x4000  }
0x6d: {  	[sflag:s10] =	ssyncset.done $0x0  }
0x6e: {  	s23 =	rddreg [dreg:$0x6];
	[sflag:s10] =	ssyncadd.s32 $0xFFFFC000  }
0x6f: {  	[spmem:s23] =	stream.linear.scatter [tilespmem:s22], [sflag:$0xD], $0x4000, $0x200038;
	[tilespmem:$0x1FF00] =	vst v63  }
0x70: {  	_ =	swait.ge [sflag:s10], $0x4000  }
0x71: {  	[sflag:s10] =	ssyncset.done $0x0  }
0x72: {  	s24 =	rddreg [dreg:$0x7];
	[sflag:s10] =	ssyncadd.s32 $0xFFFFC000  }
0x73: {  	[spmem:s24] =	stream.linear.scatter [tilespmem:s22], [sflag:$0xD], $0x3C00, $0x200038;
	[tilespmem:$0x1FF00] =	vst v63  }
0x74: {  	_ =	swait.ge [sflag:s10], $0x3C00  }
0x75: {  	[sflag:s10] =	ssyncset.done $0x0  }
0x76: {  	[sflag:s10] =	ssyncadd.s32 $0xFFFFC400  }
0x77: {  	[bflag:$0x0] =	sbarrier.arrive $0xFFFF  }
0x78: {  	_ =	strace $0x9000004B  }
0x79: {  	_ =	strace $0x8000004C  }
0x7a: {  	s16 =	simm.s32 $0x0;
	s10 =	simm.s32 $0x1FC00;
	s8 =	rddreg [dreg:$0x8]  }
0x7b: {  	[tilespmem:s10], [sflag:$0x7] =	stream.linear.gather [hbm4b:s8+s16], $0x80, $0x200038;
	[tilespmem:$0x1FF00] =	vst v63  }
0x7c: {  	s23 =	rddreg [dreg:$0x9]  }
0x7d: {  	[tilespmem:s25], [sflag:$0x8] =	stream.linear.gather [hbm4b:s23+s16], $0x80, $0x200038;
	[tilespmem:$0x1FF00] =	vst v63  }
0x7e: {  	s24 =	rddreg [dreg:$0xa]  }
0x7f: {  	[tilespmem:s26], [sflag:$0xA] =	stream.linear.gather [hbm4b:s24+s16], $0x80, $0x200038;
	[tilespmem:$0x1FF00] =	vst v63  }
0x80: {  	_ =	swait.ge [sflag:s28], $0x80  }
0x81: {  	[sflag:s28] =	ssyncset.done $0x0  }
0x82: {  	s8 =	simm.s32 $0x1FC00;
	[sflag:s28] =	ssyncadd.s32 $0xFFFFFF80  }
0x83: {  	[tilespmem:s22], [sflag:$0x1] =	stream.indirect.gather [hbm4b:s4+s29], $0x80, s10, s29, $0x2000b8;
	[tilespmem:$0x1FF00] =	vst v63  }
.LBB2_4:
0x84: {  	p1 =	seq.s32 s16, $0x0  }
0x85: {  	s5 =	simm.s32 @!p1 $0xC  }
0x86: {  	_ =	swait.ge @!p1 [sflag:s5], $0x80  }
0x87: {  	[sflag:s5] =	ssyncset.done @!p1 $0x0  }
0x88: {  	[sflag:s5] =	ssyncadd.s32 @!p1 $0xFFFFFF80;
	s5 =	simm.s32 @!p1 $0x3  }
0x89: {  	_ =	swait.ge @!p1 [sflag:s5], $0x4000  }
0x8a: {  	s10 =	simm.s32 @!p1 $0x1FE80;
	[sflag:s5] =	ssyncset.done @!p1 $0x0  }
0x8b: {  	s23 =	simm.s32 @!p1 $0x1BC00;
	[sflag:s5] =	ssyncadd.s32 @!p1 $0xFFFFC000;
	s5 =	simm.s32 @!p1 $0x80  }
0x8c: {  	[spmem:s1] =	stream.indirect.scatter.add.f32 @!p1 [tilespmem:s23], [sflag:$0x6], $0x80, s10, s5, $0x2000b8;
	[tilespmem:$0x1FF00] =	vst v63  }
0x8d: {  	s23 =	sadd.s32 s16, s20;
	s10 =	simm.s32 @!p1 $0x5  }
0x8e: {  	[tilespmem:s30], [sflag:$0x9] =	stream.linear.gather [hbm4b:s23+s2], $0x80, $0x200038;
	[tilespmem:$0x1FF00] =	vst v63  }
0x8f: {  	_ =	swait.ge @!p1 [sflag:s10], $0x4000  }
0x90: {  	s5 =	sadd.s32 s16, s18;
	[sflag:s10] =	ssyncset.done @!p1 $0x0  }
0x91: {  	s24 =	sadd.s32 $0x10, s5;
	[sflag:s10] =	ssyncadd.s32 @!p1 $0xFFFFC000  }
0x92: {  	[tilespmem:s31], [sflag:$0xB] =	stream.linear.gather [hbm4b:s24+s2], $0x80, $0x200038;
	[tilespmem:$0x1FF00] =	vst v63  }
0x93: {  	_ =	swait.ge [sflag:s0], $0x80  }
0x94: {  	[sflag:s0] =	ssyncset.done $0x0  }
0x95: {  	[sflag:s0] =	ssyncadd.s32 $0xFFFFFF80  }
0x96: {  	[tilespmem:s3], [sflag:$0x2] =	stream.indirect.gather [hbm4b:s4+s29], $0x80, s25, s29, $0x2000b8;
	[tilespmem:$0x1FF00] =	vst v63  }
0x97: {  	_ =	swait.ge [sflag:s6], $0x80  }
0x98: {  	[sflag:s6] =	ssyncset.done $0x0  }
0x99: {  	[sflag:s6] =	ssyncadd.s32 $0xFFFFFF80  }
0x9a: {  	_ =	swait.ge [sflag:s7], $0x4000  }
0x9b: {  	p1 =	seq.s32 s16, $0x4B0;
	[sflag:s7] =	ssyncset.done $0x0  }
0x9c: {  	p2 =	seq.s32 @!p1 s16, $0x0;
	s10 =	sadd.s32 @!p1 s16, s21;
	[sflag:s7] =	ssyncadd.s32 $0xFFFFC000  }
0x9d: {  	[spmem:s1] =	stream.indirect.scatter.add.f32 [tilespmem:s22], [sflag:$0x4], $0x80, s26, s29, $0x2000b8;
	[tilespmem:$0x1FF00] =	vst v63  }
0x9e: {  	s23 =	simm.s32 @!p1 $0x0;
	s24 =	simm.s32 @!p1 $0x1FC00;
	p2 =	por p1, !p2  }
0x9f: {  	[tilespmem:s24], [sflag:$0x7] =	stream.linear.gather @!p1 [hbm4b:s10+s23], $0x80, $0x200038;
	[tilespmem:$0x1FF00] =	vst v63  }
0xa0: {  	_ =	swait.ge @p2 [sflag:s14], $0x4000  }
0xa1: {  	[sflag:s14] =	ssyncset.done @p2 $0x0  }
0xa2: {  	s23 =	sadd.s32 s16, s19;
	s24 =	simm.s32 $0x1FE80;
	[sflag:s14] =	ssyncadd.s32 @p2 $0xFFFFC000  }
0xa3: {  	[tilespmem:s24], [sflag:$0xC] =	stream.linear.gather [hbm4b:s23+s2], $0x80, $0x200038;
	[tilespmem:$0x1FF00] =	vst v63  }
0xa4: {  	_ =	swait.ge [sflag:s9], $0x80  }
0xa5: {  	[sflag:s9] =	ssyncset.done $0x0  }
0xa6: {  	[sflag:s9] =	ssyncadd.s32 $0xFFFFFF80  }
0xa7: {  	[tilespmem:s11], [sflag:$0x3] =	stream.indirect.gather [hbm4b:s4+s29], $0x80, s30, s29, $0x2000b8;
	[tilespmem:$0x1FF00] =	vst v63  }
0xa8: {  	_ =	swait.ge [sflag:s12], $0x80  }
0xa9: {  	[sflag:s12] =	ssyncset.done $0x0  }
.Ltmp3:
0xaa: {  	[sflag:s12] =	ssyncadd.s32 $0xFFFFFF80;
	(pc) =	sbr.rel @p1 .LBB2_6-.Ltmp3, $4  }
0xab: {  	_ =	swait.ge [sflag:s13], $0x4000  }
0xac: {  	[sflag:s13] =	ssyncset.done $0x0  }
0xad: {  	[sflag:s13] =	ssyncadd.s32 $0xFFFFC000  }
0xae: {  	[spmem:s1] =	stream.indirect.scatter.add.f32 [tilespmem:s3], [sflag:$0x5], $0x80, s31, s29, $0x2000b8;
	[tilespmem:$0x1FF00] =	vst v63  }
0xaf: {  	s10 =	sadd.s32 s16, s17  }
0xb0: {  	[tilespmem:s25], [sflag:$0x8] =	stream.linear.gather [hbm4b:s10+s2], $0x80, $0x200038;
	[tilespmem:$0x1FF00] =	vst v63  }
0xb1: {  	_ =	swait.ge [sflag:s15], $0x4000  }
0xb2: {  	[sflag:s15] =	ssyncset.done $0x0  }
0xb3: {  	s5 =	sadd.s32 $0x30, s5;
	[sflag:s15] =	ssyncadd.s32 $0xFFFFC000  }
0xb4: {  	[tilespmem:s26], [sflag:$0xA] =	stream.linear.gather [hbm4b:s5+s2], $0x80, $0x200038;
	[tilespmem:$0x1FF00] =	vst v63  }
.Ltmp4:
0xb5: {  	_ = 	snop;
	(pc) =	sbr.rel .LBB2_4-.Ltmp4, $4  }
0xb6: {  	_ =	swait.ge [sflag:s28], $0x80  }
0xb7: {  	[sflag:s28] =	ssyncset.done $0x0  }
0xb8: {  	s16 =	sadd.s32 $0x30, s16;
	[sflag:s28] =	ssyncadd.s32 $0xFFFFFF80  }
0xb9: {  	[tilespmem:s22], [sflag:$0x1] =	stream.indirect.gather [hbm4b:s4+s29], $0x80, s8, s29, $0x2000b8;
	[tilespmem:$0x1FF00] =	vst v63  }
.LBB2_7:
0xba: {  	_ =	sfence.sel $0x180000  }
0xbb: {  	[bflag:$0x0] =	sbarrier.arrive $0xFFFF  }
0xbc: {  	_ =	strace $0x9000004A  }
0xbd: {  	s0 =	stileid.u32;
	[bflag:$0x2] =	sbarrier.arrive $0xFFFF  }
0xbe: {  	p0 =	sne.s32 s0, $0x0;
	s0 =	rddreg [dreg:$0x2]  }
0xbf: {  	s0 =	sadd.s32 @!p0 $0x100000, s0  }
0xc0: {  	[sflag:s0] =	ssyncadd.tile.s32 @!p0 $0x1;
	_ =	shalt  }
.Lfunc_end2:
_tile_overlayer_lowered:
.L_overlay_start_2:
0xc1: {  	(tag) =	ssettag $0x2  }
0xc2: {  	s0 =	rddreg [dreg:$0x0];
	s2 =	stileid.u32  }
0xc3: {  	s1 =	rddreg [dreg:$0x1];
	p0 =	sne.s32 s2, $0x0  }
0xc4: {  	s3 =	rddreg [dreg:$0x2];
	[bflag:$0x3] =	sbarrier.arrive $0xFFFF;
	s2 =	simm.s32 @!p0 $0x1C0D  }
0xc5: {  	[timem:s3], [sflag:s2] =	dma.local @!p0 [hbm:s0], s1  }
0xc6: {  	s0 =	simm.s32 @!p0 $0xD  }
0xc7: {  	_ =	swait.ge @!p0 [sflag:s0], s1  }
0xc8: {  	s1 =	ssub.s32 @!p0 $0x0, s1;
	[sflag:s0] =	ssyncset.done @!p0 $0x0  }
0xc9: {  	[sflag:s0] =	ssyncadd.s32 @!p0 s1  }
0xca: {  	[bflag:$0x3] =	sbarrier.arrive $0xFFFF  }
0xcb: {  	_ =	shalt  }

// kernel: kernel.14.cloned.1.call-start
scs
__scs_entry_jumppad:
0x0: {  	(pc) =	sbr.rel $0x88, $3  }
0x1: {  	(tag) =	ssettag $0x0;
	lr =	simm.s32 $0x1  }
0x2: {  	[smem:$0x3F9D] =	sst lr;
	_ =	strace $0xD0000000  }
0x3: {  	_ = 	snop  }
0x4: {  	_ = 	snop  }
0x5: {  	_ = 	snop  }
0x6: {  	_ = 	snop  }
0x7: {  	_ = 	snop  }
__scs_overlays_trampoline_lowered:
0x8: {  	[smem:$0x3FAC] =	sst s0  }
0x9: {  	[smem:$0x3FAD] =	sst s1  }
0xa: {  	[smem:$0x3FAE] =	sst s2  }
0xb: {  	[smem:$0x3FAF] =	sst s3  }
0xc: {  	[smem:$0x3FB0] =	sst s4  }
0xd: {  	[smem:$0x3FB1] =	sst s5  }
0xe: {  	[smem:$0x3FB2] =	sst s6  }
0xf: {  	[smem:$0x3FB3] =	sst s7  }
0x10: {  	[smem:$0x3FB4] =	sst s8  }
0x11: {  	[smem:$0x3FB5] =	sst s9;
	s0 =	simm.s32 @!p0 $0x0  }
0x12: {  	s1 =	sld [smem:$0x3F9B];
	s0 =	simm.s32 @p0 $0x1  }
0x13: {  	[smem:$0x3FB6] =	sst s0;
	s0 =	simm.s32 @!p1 $0x0  }
0x14: {  	s2 =	sld [smem:$0x3F9A];
	s0 =	simm.s32 @p1 $0x1  }
0x15: {  	[smem:$0x3FB7] =	sst s0;
	s0 =	simm.s32 @!p2 $0x0  }
0x16: {  	s3 =	sld [smem:$0x3FDB];
	s0 =	simm.s32 @p2 $0x1  }
0x17: {  	s4 =	simm.s32 $0x1BF5;
	[smem:$0x3FB9] =	sst s0  }
0x18: {  	s0 =	sld [smem:$0x3F9C];
	_ =	swait.ge [sflag:s4], $0x0  }
0x19: {  	s7 =	sld [smem:$0x3F9D]  }
0x1a: {  	s8 =	sadd.s32 $0xFFFFE003, lr  }
0x1b: {  	s9 =	sadd.s32 $0xFFFFFEF7, lr;
	s5 =	simm.s32 $0xFFFFFFFF;
	p2 =	slt.u32 s8, $0xFFFFF086  }
0x1c: {  	p1 =	slt.u32 s9, $0xF7A;
	s5 =	simm.s32 @!p2 $0x0  }
0x1d: {  	s5 =	simm.s32 @p1 $0x1;
	p0 =	seq.s32 s7, s2  }
0x1e: {  	s7 =	smul.u32 @!p0 $0xF7A, s2;
	p2 =	seq.s32 @!p0 s5, $0x0  }
0x1f: {  	s9 =	smul.u32 $0xF7A, s1;
	s8 =	simm.s32 @!p0 $0x1BF5;
	p2 =	por !p2, p0  }
0x20: {  	[sflag:s8] =	ssyncset.s32 @!p0 $0xFFFFF086;
	s6 =	sadd.s32 @!p0 s3, s7;
	s7 =	simm.s32 @!p0 $0x108  }
0x21: {  	s3 =	sadd.s32 s3, s9;
	s6 =	sadd.s32 @!p0 $0x88, s6;
	s7 =	simm.s32 @p2 $0x1082  }
0x22: {  	[simem:s7], [sflag:s8] =	dma.local @!p0 [hbm:s6], $0xF7A  }
0x23: {  	s9 =	sor.u32 $0xD0000000, s2;
	s6 =	simm.s32 $0x108;
	_ =	swait.ge @!p0 [sflag:s8], $0x0  }
0x24: {  	s3 =	sadd.s32 $0x88, s3;
	s6 =	simm.s32 @!p1 $0x1082;
	[sflag:s4] =	ssyncset.s32 $0xFFFFF086  }
0x25: {  	[simem:s6], [sflag:s4] =	dma.local [hbm:s3], $0xF7A  }
0x26: {  	[smem:$0x3F9D] =	sst s1;
	(tag) =	ssettag s2;
	_ =	strace s9  }
0x27: {  	s1 =	sld [smem:$0x3FAD]  }
0x28: {  	s2 =	sld [smem:$0x3FAE]  }
0x29: {  	s4 =	sld [smem:$0x3FB0]  }
0x2a: {  	p0 =	seq.s32 s5, $0x0;
	s5 =	sld [smem:$0x3FB1]  }
0x2b: {  	s6 =	sld [smem:$0x3FB2]  }
0x2c: {  	s7 =	sld [smem:$0x3FB3]  }
0x2d: {  	s3 =	simm.s32 $0x108;
	s8 =	sld [smem:$0x3FB4]  }
0x2e: {  	s3 =	simm.s32 @!p0 $0x1082;
	s9 =	sld [smem:$0x3FB5]  }
0x2f: {  	lr =	sadd.s32 s0, s3;
	s0 =	sld [smem:$0x3FAC]  }
0x30: {  	s3 =	sld [smem:$0x3FAF]  }
0x31: {  	[smem:$0x3FB8] =	sst s10  }
0x32: {  	s10 =	sld [smem:$0x3FB6];
	_ =	sdelay $0x3  }
0x33: {  	p0 =	seq.s32 s10, $0x1;
	s10 =	sld [smem:$0x3FB8];
	_ =	sdelay $0x3  }
0x34: {  	[smem:$0x3FB8] =	sst s10  }
0x35: {  	s10 =	sld [smem:$0x3FB7];
	_ =	sdelay $0x3  }
0x36: {  	p1 =	seq.s32 s10, $0x1;
	s10 =	sld [smem:$0x3FB8];
	_ =	sdelay $0x3  }
0x37: {  	[smem:$0x3FB8] =	sst s10  }
0x38: {  	s10 =	sld [smem:$0x3FB9]  }
0x39: {  	_ = 	snop;
	(pc) =	sbr.ind lr, $3  }
0x3a: {  	_ = 	snop  }
0x3b: {  	_ = 	snop  }
0x3c: {  	p2 =	seq.s32 s10, $0x1;
	s10 =	sld [smem:$0x3FB8]  }
0x3d: {  	_ =	shalt  }
0x3e: {  	_ =	shalt  }
0x3f: {  	_ =	shalt  }
0x40: {  	_ =	shalt  }
0x41: {  	_ =	shalt  }
0x42: {  	_ =	shalt  }
0x43: {  	_ =	shalt  }
0x44: {  	_ =	shalt  }
0x45: {  	_ =	shalt  }
0x46: {  	_ =	shalt  }
0x47: {  	_ =	shalt  }
0x48: {  	_ =	shalt  }
0x49: {  	_ =	shalt  }
0x4a: {  	_ =	shalt  }
0x4b: {  	_ =	shalt  }
0x4c: {  	_ =	shalt  }
0x4d: {  	_ =	shalt  }
0x4e: {  	_ =	shalt  }
0x4f: {  	_ =	shalt  }
0x50: {  	_ =	shalt  }
0x51: {  	_ =	shalt  }
0x52: {  	_ =	shalt  }
0x53: {  	_ =	shalt  }
0x54: {  	_ =	shalt  }
0x55: {  	_ =	shalt  }
0x56: {  	_ =	shalt  }
0x57: {  	_ =	shalt  }
0x58: {  	_ =	shalt  }
0x59: {  	_ =	shalt  }
0x5a: {  	_ =	shalt  }
0x5b: {  	_ =	shalt  }
0x5c: {  	_ =	shalt  }
0x5d: {  	_ =	shalt  }
0x5e: {  	_ =	shalt  }
0x5f: {  	_ =	shalt  }
0x60: {  	_ =	shalt  }
0x61: {  	_ =	shalt  }
0x62: {  	_ =	shalt  }
0x63: {  	_ =	shalt  }
0x64: {  	_ =	shalt  }
0x65: {  	_ =	shalt  }
0x66: {  	_ =	shalt  }
0x67: {  	_ =	shalt  }
0x68: {  	_ =	shalt  }
0x69: {  	_ =	shalt  }
0x6a: {  	_ =	shalt  }
0x6b: {  	_ =	shalt  }
0x6c: {  	_ =	shalt  }
0x6d: {  	_ =	shalt  }
0x6e: {  	_ =	shalt  }
0x6f: {  	_ =	shalt  }
0x70: {  	_ =	shalt  }
0x71: {  	_ =	shalt  }
0x72: {  	_ =	shalt  }
0x73: {  	_ =	shalt  }
0x74: {  	_ =	shalt  }
0x75: {  	_ =	shalt  }
0x76: {  	_ =	shalt  }
0x77: {  	_ =	shalt  }
0x78: {  	_ =	shalt  }
0x79: {  	_ =	shalt  }
0x7a: {  	_ =	shalt  }
0x7b: {  	_ =	shalt  }
0x7c: {  	_ =	shalt  }
0x7d: {  	_ =	shalt  }
0x7e: {  	_ =	shalt  }
0x7f: {  	_ =	shalt  }
0x80: {  	_ =	shalt  }
0x81: {  	_ =	shalt  }
0x82: {  	_ =	shalt  }
0x83: {  	_ =	shalt  }
0x84: {  	_ =	shalt  }
0x85: {  	_ =	shalt  }
0x86: {  	_ =	shalt  }
0x87: {  	_ =	shalt  }
.Lfunc_end0:
.L_simem_size_0:
called_computation.2_lowered:
.L_overlay_start_0:
0x88: {  	s2 =	sld [smem:$0x3FD9]  }
0x89: {  	s3 =	sld [smem:$0x3FFE];
	_ =	sdelay $0x1  }
0x8a: {  	s1 =	srdreg.scid  }
0x8b: {  	s0 =	sand.u32 $0x1, s1  }
0x8c: {  	s16 =	sshll.u32 s0, $0xA;
	s2 =	sadd.s32 s3, s2  }
0x8d: {  	s2 =	sadd.s32 s2, s16  }
0x8e: {  	[smem:$0x3FC4] =	sst s2  }
0x8f: {  	_ = 	snop  }
0x90: {  	(tm) =	ssettm $0x1  }
0x91: {  	s17 =	sld [smem:$0x3FFB];
	_ =	sdelay $0x3  }
0x92: {  	_ =	strace s17  }
0x93: {  	s2 =	sld [smem:$0x3FFC];
	_ =	sdelay $0x3  }
0x94: {  	_ =	strace s2  }
0x95: {  	s2 =	sld [smem:$0x3FFD];
	_ =	sdelay $0x3  }
0x96: {  	_ =	strace s2  }
0x97: {  	_ =	strace $0x8FFFFFFF  }
0x98: {  	s18 =	sld [smem:$0x3FDB];
	_ =	sdelay $0x1  }
0x99: {  	s19 =	simm.s32 $_scs_section_size  }
0x9a: {  	s4 =	simm.s32 $_size__tile_overlayer_lowered;
	s5 =	simm.s32 $_tile_overlayer_lowered  }
0x9b: {  	s22 =	simm.s32 $0x1BFF;
	s21 =	sshll.u32 s5, $0x1;
	s2 =	sadd.s32 s19, s18  }
0x9c: {  	s6 =	simm.s32 $0x0;
	s20 =	sshll.u32 s4, $0x1;
	s4 =	sadd.s32 s21, s2  }
0x9d: {  	[timem:s6], [sflag:s22] =	dma.local [hbm:s4], s20  }
0x9e: {  	_ =	swait.ge [sflag:s22], s20  }
0x9f: {  	s3 =	ssub.s32 $0x0, s20;
	[sflag:s22] =	ssyncset.done $0x0  }
0xa0: {  	[sflag:s22] =	ssyncadd.s32 s3;
	_ =	sdelay $0x1  }
0xa1: {  	s23 =	simm.s32 $0x1B8B  }
0xa2: {  	_ =	swait.ge [sflag:s23], $0x1  }
0xa3: {  	[sflag:s23] =	ssyncset.done $0x0  }
0xa4: {  	s25 =	simm.s32 $0x1B8E;
	s24 =	sld [smem:$0x3FFE];
	[sflag:s23] =	ssyncadd.s32 $0xFFFFFFFF  }
0xa5: {  	s26 =	simm.s32 $execute0_lowered;
	[smem:$0x3FD2] =	sst s25  }
0xa6: {  	s4 =	sshll.u32 s26, $0x1;
	_ =	strace $0x8000004F;
	[dreg:$0x1] =	wrdreg $0xFFFFFFFF  }
0xa7: {  	s28 =	simm.s32 $_size_execute0_lowered;
	s2 =	sadd.s32 s2, s4;
	[dreg:$0x0] =	wrdreg $0x0  }
0xa8: {  	s4 =	sshll.u32 s28, $0x1;
	[dreg:$0x2] =	wrdreg s2  }
0xa9: {  	[dreg:$0x3] =	wrdreg s4  }
0xaa: {  	[dreg:$0x4] =	wrdreg $0xC0  }
0xab: {  	_ =	task [dreg:s6], $0x5FFFF  }
0xac: {  	[dreg:$0x1] =	wrdreg $0xFFFFFFFF  }
0xad: {  	[dreg:$0x0] =	wrdreg $0x60  }
0xae: {  	[dreg:$0x2] =	wrdreg s24  }
0xaf: {  	[dreg:$0x3] =	wrdreg $0x0  }
0xb0: {  	[dreg:$0x4] =	wrdreg $0x9  }
0xb1: {  	_ =	task.clear_ibuf [dreg:s6], $0x5FFFF;
	_ =	strace $0x9000004F  }
0xb2: {  	s29 =	simm.s32 $0x9;
	_ =	strace $0x80000054  }
0xb3: {  	_ =	swait.ge [sflag:s29], $0x1  }
0xb4: {  	[sflag:s29] =	ssyncadd.s32 $0xFFFFFFFF  }
0xb5: {  	_ =	strace $0x90000054  }
0xb6: {  	_ =	sfence  }
0xb7: {  	s30 =	sld [smem:$0x0];
	_ =	sdelay $0x2  }
0xb8: {  	s31 =	sshll.u32 s1, $0xD;
	s1 =	sshrl.u32 s1, $0x2  }
0xb9: {  	s3 =	sand.u32 $0x4000, s31;
	s1 =	sadd.s32 s1, s30  }
0xba: {  	s0 =	sor.u32 s3, s0;
	s1 =	sshll.u32 s1, $0x11  }
0xbb: {  	s0 =	sor.u32 s1, s0  }
0xbc: {  	s0 =	sadd.s32 $0x8F2B, s0  }
0xbd: {  	[sflag:s0] =	ssyncadd.remote.s32 $0x1  }
0xbe: {  	_ =	sfence.sel $0xFFFF  }
0xbf: {  	[dreg:$0x0] =	wrdreg $0xFFFFFFFF;
	(pc) =	sbr.abs _section_cstart, $3  }
0xc0: {  	[dreg:$0x1] =	wrdreg $0xFFFFFFFF  }
0xc1: {  	_ =	task.clear_ibuf [dreg:s6], $0x2FFFF;
	_ =	strace $0x9FFFFFFF  }
0xc2: {  	(tm) =	ssettm $0x7FFFFFFF  }
0xc3: {  	_ =	shalt  }
tec
execute0_lowered:
.L_overlay_start_1:
0x0: {  	(tag) =	ssettag $0x1  }
0x1: {  	s0 =	rddreg [dreg:$0x0]  }
0x2: {  	s1 =	rddreg [dreg:$0x1];
	s2 =	simm.s32 $0x0;
	s3 =	srdreg.scid  }
0x3: {  	s11 =	stileid.u32;
	s28 =	simm.s32 $0x7;
	s29 =	simm.s32 $0x80  }
0x4: {  	s30 =	simm.s32 $0x1FD00;
	s31 =	simm.s32 $0x1FE00;
	s12 =	simm.s32 $0xB  }
0x5: {  	s13 =	simm.s32 $0x2;
	[smem:$0x7FF] =	sst s2;
	s4 =	sadd.s32 $0x3EE00, s0  }
0x6: {  	s5 =	sadd.s32 $0xD800, s0;
	s3 =	sand.u32 $0x1, s3;
	s6 =	smul.u32 $0x4F000, s11  }
0x7: {  	s7 =	sadd.s32 $0x3A00, s0;
	s9 =	sshll.u32 s11, $0x1;
	s20 =	smul.u32 $0x9C, s11  }
0x8: {  	s24 =	smul.u32 $0x2780, s11;
	_ =	strace $0x80000050;
	s8 =	ssub.s32 $0x2, s3  }
0x9: {  	s9 =	sor.u32 s3, s9;
	s22 =	smul.u32 $0x4E, s3;
	p0 =	seq.s32 s3, $0x1  }
0xa: {  	s3 =	simm.s32 $0xDCE00;
	s10 =	sshrl.u32 s8, $0x1;
	s6 =	sshrl.u32 s6, $0x2  }
0xb: {  	s14 =	smul.u32 $0x4E0, s9;
	s9 =	sshll.u32 s9, $0x4;
	s23 =	sadd.s32 s6, s1  }
0xc: {  	s3 =	simm.s32 @!p0 $0xB5600;
	s15 =	sadd.s32 $0x4000, s23;
	[dreg:$0x3] =	wrdreg s23  }
0xd: {  	p0 =	sgt.u32 s11, $0x1;
	s16 =	sadd.s32 $0x8000, s23;
	[dreg:$0x4] =	wrdreg s15  }
0xe: {  	s11 =	simm.s32 $0x1BC00;
	s17 =	sadd.s32 $0xC000, s23;
	[dreg:$0x5] =	wrdreg s16  }
0xf: {  	s8 =	ssub.s32 s8, s10;
	s18 =	sadd.s32 $0x10000, s23;
	[dreg:$0x6] =	wrdreg s17  }
0x10: {  	s9 =	sor.u32 $0x9C00, s9;
	s19 =	sadd.s32 s7, s14;
	[dreg:$0x7] =	wrdreg s18  }
0x11: {  	s0 =	sadd.s32 s3, s0;
	s6 =	sadd.s32 s5, s14;
	[dreg:$0x8] =	wrdreg s19  }
0x12: {  	s3 =	simm.s32 $0x17C00;
	s21 =	sadd.s32 s7, s9;
	[dreg:$0xa] =	wrdreg s6  }
0x13: {  	s9 =	sadd.s32 s5, s9;
	s8 =	smax.u32 s8, $0x1;
	[dreg:$0xb] =	wrdreg s21  }
0x14: {  	s0 =	sadd.s32 s0, s24;
	s14 =	simm.s32 $0x6;
	[dreg:$0xc] =	wrdreg s9  }
0x15: {  	s10 =	sadd.s32 $0x10, s19;
	s6 =	sadd.s32 s22, s20;
	[dreg:$0xd] =	wrdreg s8  }
0x16: {  	[dreg:$0xe] =	wrdreg s0;
	s22 =	simm.s32 $0x13C00;
	s0 =	simm.s32 $0x8  }
0x17: {  	s9 =	simm.s32 $0x9;
	s15 =	simm.s32 $0x4;
	s8 =	simm.s32 $0x0  }
.Ltmp0:
0x18: {  	[dreg:$0x9] =	wrdreg s10;
	s25 =	sshll.u32 s6, $0x4;
	(pc) =	sbr.rel .LBB2_1-.Ltmp0, $4  }
0x19: {  	s10 =	simm.s32 $0xD;
	s26 =	sadd.s32 s25, s7;
	s6 =	sadd.s32 $0x20, s25  }
0x1a: {  	s18 =	sadd.s32 s25, s5;
	s25 =	simm.s32 $0x1FC80;
	s17 =	sadd.s32 $0x40, s26  }
0x1b: {  	s19 =	sadd.s32 s6, s5;
	s20 =	sadd.s32 s6, s7;
	s21 =	sadd.s32 $0x30, s26  }
0x1c: {  	v0 =	vimm.f32 $0.0e+00;
	s26 =	simm.s32 $0x1FD80;
	s6 =	simm.s32 $0xA;
	s7 =	simm.s32 $0x1  }
.LBB2_6:
0x1d: {  	s5 =	simm.s32 $0xC  }
0x1e: {  	_ =	swait.ge [sflag:s5], $0x80  }
0x1f: {  	[sflag:s5] =	ssyncset.done $0x0  }
0x20: {  	s8 =	simm.s32 $0x3;
	[sflag:s5] =	ssyncadd.s32 $0xFFFFFF80  }
0x21: {  	_ =	swait.ge [sflag:s8], $0x4000  }
0x22: {  	[sflag:s8] =	ssyncset.done $0x0  }
0x23: {  	s10 =	simm.s32 $0x1FE80;
	[sflag:s8] =	ssyncadd.s32 $0xFFFFC000  }
0x24: {  	[spmem:s1] =	stream.indirect.scatter.add.f32 [tilespmem:s11], [sflag:$0x6], $0x80, s10, s29, $0x2000b8;
	[tilespmem:$0x1FF00] =	vst v63  }
0x25: {  	_ =	swait.ge [sflag:s15], $0x4000  }
0x26: {  	[sflag:s15] =	ssyncset.done $0x0  }
0x27: {  	s16 =	simm.s32 $0x5;
	[sflag:s15] =	ssyncadd.s32 $0xFFFFC000  }
0x28: {  	_ =	swait.ge [sflag:s16], $0x4000  }
0x29: {  	[sflag:s16] =	ssyncset.done $0x0  }
0x2a: {  	[sflag:s16] =	ssyncadd.s32 $0xFFFFC000  }
0x2b: {  	_ =	swait.ge [sflag:s14], $0x4000  }
0x2c: {  	s5 =	simm.s32 @!p0 $0x0;
	[sflag:s14] =	ssyncset.done $0x0  }
0x2d: {  	s10 =	simm.s32 @!p0 $0x1FC00;
	s16 =	rddreg [dreg:$0xb];
	[sflag:s14] =	ssyncadd.s32 $0xFFFFC000  }
0x2e: {  	[tilespmem:s10], [sflag:$0x7] =	stream.linear.gather @!p0 [hbm4b:s16+s5], $0x80, $0x200038;
	[tilespmem:$0x1FF00] =	vst v63  }
0x2f: {  	s23 =	rddreg [dreg:$0xc];
	s16 =	simm.s32 @!p0 $0x1FD80  }
0x30: {  	[tilespmem:s16], [sflag:$0xA] =	stream.linear.gather @!p0 [hbm4b:s23+s5], $0x80, $0x200038;
	[tilespmem:$0x1FF00] =	vst v63  }
0x31: {  	s5 =	simm.s32 @!p0 $0x7  }
0x32: {  	_ =	swait.ge @!p0 [sflag:s5], $0x80  }
0x33: {  	[sflag:s5] =	ssyncset.done @!p0 $0x0  }
0x34: {  	[sflag:s5] =	ssyncadd.s32 @!p0 $0xFFFFFF80;
	s5 =	simm.s32 @!p0 $0xA  }
0x35: {  	_ =	swait.ge @!p0 [sflag:s5], $0x80  }
0x36: {  	[sflag:s5] =	ssyncset.done @!p0 $0x0  }
0x37: {  	s23 =	simm.s32 @!p0 $0x13C00;
	[sflag:s5] =	ssyncadd.s32 @!p0 $0xFFFFFF80;
	s5 =	simm.s32 @!p0 $0x80  }
0x38: {  	[tilespmem:s23], [sflag:$0x1] =	stream.indirect.gather @!p0 [hbm4b:s4+s5], $0x80, s10, s5, $0x2000b8;
	[tilespmem:$0x1FF00] =	vst v63  }
0x39: {  	s10 =	simm.s32 @!p0 $0x1  }
0x3a: {  	_ =	swait.ge @!p0 [sflag:s10], $0x4000  }
0x3b: {  	[sflag:s10] =	ssyncset.done @!p0 $0x0  }
0x3c: {  	[sflag:s10] =	ssyncadd.s32 @!p0 $0xFFFFC000  }
0x3d: {  	[spmem:s1] =	stream.indirect.scatter.add.f32 @!p0 [tilespmem:s23], [sflag:$0x4], $0x80, s16, s5, $0x2000b8;
	[tilespmem:$0x1FF00] =	vst v63  }
0x3e: {  	s5 =	simm.s32 @!p0 $0x4  }
0x3f: {  	_ =	swait.ge @!p0 [sflag:s5], $0x4000  }
0x40: {  	[sflag:s5] =	ssyncset.done @!p0 $0x0  }
0x41: {  	[sflag:s5] =	ssyncadd.s32 @!p0 $0xFFFFC000  }
0x42: {  	_ =	strace $0x90000052  }
0x43: {  	_ =	strace $0x80000053  }
0x44: {  	s23 =	stileid.u32;
	[bflag:$0x0] =	sbarrier.arrive $0xFFFF  }
0x45: {  	s10 =	simm.s32 $0xD;
	s5 =	sshll.u32 s23, $0x6;
	s23 =	rddreg [dreg:$0x3]  }
0x46: {  	s5 =	sor.u32 $0x1C0D, s5;
	s8 =	rddreg [dreg:$0xe];
	s24 =	sshrl.u32 s23, $0x3  }
0x47: {  	[hbm:s8], [sflag:s5] =	dma.local [spmem:s24], $0x2780  }
0x48: {  	_ =	swait.ge [sflag:s10], $0x2780  }
0x49: {  	s8 =	rddreg [dreg:$0xf]  }
0x4a: {  	s24 =	rddreg [dreg:$0xd];
	s8 =	sadd.s32 $0x1, s8  }
0x4b: {  	p1 =	sne.s32 s8, s24  }
.Ltmp1:
0x4c: {  	_ = 	snop;
	(pc) =	sbr.rel @!p1 .LBB2_7-.Ltmp1, $4  }
0x4d: {  	_ = 	snop  }
0x4e: {  	[sflag:s10] =	ssyncset.done $0x0  }
0x4f: {  	[sflag:s10] =	ssyncadd.s32 $0xFFFFD880  }
0x50: {  	_ =	strace $0x90000053  }
.LBB2_1:
0x51: {  	[dreg:$0xf] =	wrdreg s8  }
0x52: {  	s5 =	simm.s32 $0x0;
	s16 =	simm.s32 $0x200;
	_ =	strace $0x80000051  }
.LBB2_2:
0x53: {  	p1 =	sne.s32 s16, $0xFE00;
	[tilespmem:s5+$0x13C70] =	vst v0  }
0x54: {  	[tilespmem:s5+$0x13C00] =	vst v0  }
0x55: {  	[tilespmem:s5+$0x13C10] =	vst v0  }
.Ltmp2:
0x56: {  	[tilespmem:s5+$0x13C20] =	vst v0;
	(pc) =	sbr.rel @p1 .LBB2_2-.Ltmp2, $4  }
0x57: {  	[tilespmem:s5+$0x13C30] =	vst v0  }
0x58: {  	[tilespmem:s5+$0x13C40] =	vst v0  }
0x59: {  	[tilespmem:s5+$0x13C50] =	vst v0  }
0x5a: {  	[tilespmem:s5+$0x13C60] =	vst v0;
	s5 =	sshra.s32 s16, $0x2;
	s16 =	sadd.s32 $0x200, s16  }
0x5b: {  	[tilespmem:s5+$0x13C70] =	vst v0  }
0x5c: {  	[tilespmem:s5+$0x13C00] =	vst v0  }
0x5d: {  	[tilespmem:s5+$0x13C10] =	vst v0  }
0x5e: {  	[tilespmem:s5+$0x13C20] =	vst v0  }
0x5f: {  	[tilespmem:s5+$0x13C30] =	vst v0  }
0x60: {  	[tilespmem:s5+$0x13C40] =	vst v0  }
0x61: {  	[tilespmem:s5+$0x13C50] =	vst v0  }
0x62: {  	[tilespmem:s5+$0x13C60] =	vst v0  }
0x63: {  	[spmem:s23] =	stream.linear.scatter [tilespmem:s22], [sflag:$0xD], $0x4000, $0x200038;
	[tilespmem:$0x1FF00] =	vst v63  }
0x64: {  	_ =	swait.ge [sflag:s10], $0x4000  }
0x65: {  	[sflag:s10] =	ssyncset.done $0x0  }
0x66: {  	s8 =	rddreg [dreg:$0x4];
	[sflag:s10] =	ssyncadd.s32 $0xFFFFC000  }
0x67: {  	[spmem:s8] =	stream.linear.scatter [tilespmem:s22], [sflag:$0xD], $0x4000, $0x200038;
	[tilespmem:$0x1FF00] =	vst v63  }
0x68: {  	_ =	swait.ge [sflag:s10], $0x4000  }
0x69: {  	[sflag:s10] =	ssyncset.done $0x0  }
0x6a: {  	s16 =	rddreg [dreg:$0x5];
	[sflag:s10] =	ssyncadd.s32 $0xFFFFC000  }
0x6b: {  	[spmem:s16] =	stream.linear.scatter [tilespmem:s22], [sflag:$0xD], $0x4000, $0x200038;
	[tilespmem:$0x1FF00] =	vst v63  }
0x6c: {  	_ =	swait.ge [sflag:s10], $0x4000  }
0x6d: {  	[sflag:s10] =	ssyncset.done $0x0  }
0x6e: {  	s23 =	rddreg [dreg:$0x6];
	[sflag:s10] =	ssyncadd.s32 $0xFFFFC000  }
0x6f: {  	[spmem:s23] =	stream.linear.scatter [tilespmem:s22], [sflag:$0xD], $0x4000, $0x200038;
	[tilespmem:$0x1FF00] =	vst v63  }
0x70: {  	_ =	swait.ge [sflag:s10], $0x4000  }
0x71: {  	[sflag:s10] =	ssyncset.done $0x0  }
0x72: {  	s24 =	rddreg [dreg:$0x7];
	[sflag:s10] =	ssyncadd.s32 $0xFFFFC000  }
0x73: {  	[spmem:s24] =	stream.linear.scatter [tilespmem:s22], [sflag:$0xD], $0x3C00, $0x200038;
	[tilespmem:$0x1FF00] =	vst v63  }
0x74: {  	_ =	swait.ge [sflag:s10], $0x3C00  }
0x75: {  	[sflag:s10] =	ssyncset.done $0x0  }
0x76: {  	[sflag:s10] =	ssyncadd.s32 $0xFFFFC400  }
0x77: {  	[bflag:$0x0] =	sbarrier.arrive $0xFFFF  }
0x78: {  	_ =	strace $0x90000051  }
0x79: {  	_ =	strace $0x80000052  }
0x7a: {  	s16 =	simm.s32 $0x0;
	s10 =	simm.s32 $0x1FC00;
	s8 =	rddreg [dreg:$0x8]  }
0x7b: {  	[tilespmem:s10], [sflag:$0x7] =	stream.linear.gather [hbm4b:s8+s16], $0x80, $0x200038;
	[tilespmem:$0x1FF00] =	vst v63  }
0x7c: {  	s23 =	rddreg [dreg:$0x9]  }
0x7d: {  	[tilespmem:s25], [sflag:$0x8] =	stream.linear.gather [hbm4b:s23+s16], $0x80, $0x200038;
	[tilespmem:$0x1FF00] =	vst v63  }
0x7e: {  	s24 =	rddreg [dreg:$0xa]  }
0x7f: {  	[tilespmem:s26], [sflag:$0xA] =	stream.linear.gather [hbm4b:s24+s16], $0x80, $0x200038;
	[tilespmem:$0x1FF00] =	vst v63  }
0x80: {  	_ =	swait.ge [sflag:s28], $0x80  }
0x81: {  	[sflag:s28] =	ssyncset.done $0x0  }
0x82: {  	s8 =	simm.s32 $0x1FC00;
	[sflag:s28] =	ssyncadd.s32 $0xFFFFFF80  }
0x83: {  	[tilespmem:s22], [sflag:$0x1] =	stream.indirect.gather [hbm4b:s4+s29], $0x80, s10, s29, $0x2000b8;
	[tilespmem:$0x1FF00] =	vst v63  }
.LBB2_4:
0x84: {  	p1 =	seq.s32 s16, $0x0  }
0x85: {  	s5 =	simm.s32 @!p1 $0xC  }
0x86: {  	_ =	swait.ge @!p1 [sflag:s5], $0x80  }
0x87: {  	[sflag:s5] =	ssyncset.done @!p1 $0x0  }
0x88: {  	[sflag:s5] =	ssyncadd.s32 @!p1 $0xFFFFFF80;
	s5 =	simm.s32 @!p1 $0x3  }
0x89: {  	_ =	swait.ge @!p1 [sflag:s5], $0x4000  }
0x8a: {  	s10 =	simm.s32 @!p1 $0x1FE80;
	[sflag:s5] =	ssyncset.done @!p1 $0x0  }
0x8b: {  	s23 =	simm.s32 @!p1 $0x1BC00;
	[sflag:s5] =	ssyncadd.s32 @!p1 $0xFFFFC000;
	s5 =	simm.s32 @!p1 $0x80  }
0x8c: {  	[spmem:s1] =	stream.indirect.scatter.add.f32 @!p1 [tilespmem:s23], [sflag:$0x6], $0x80, s10, s5, $0x2000b8;
	[tilespmem:$0x1FF00] =	vst v63  }
0x8d: {  	s23 =	sadd.s32 s16, s20;
	s10 =	simm.s32 @!p1 $0x5  }
0x8e: {  	[tilespmem:s30], [sflag:$0x9] =	stream.linear.gather [hbm4b:s23+s2], $0x80, $0x200038;
	[tilespmem:$0x1FF00] =	vst v63  }
0x8f: {  	_ =	swait.ge @!p1 [sflag:s10], $0x4000  }
0x90: {  	s5 =	sadd.s32 s16, s18;
	[sflag:s10] =	ssyncset.done @!p1 $0x0  }
0x91: {  	s24 =	sadd.s32 $0x10, s5;
	[sflag:s10] =	ssyncadd.s32 @!p1 $0xFFFFC000  }
0x92: {  	[tilespmem:s31], [sflag:$0xB] =	stream.linear.gather [hbm4b:s24+s2], $0x80, $0x200038;
	[tilespmem:$0x1FF00] =	vst v63  }
0x93: {  	_ =	swait.ge [sflag:s0], $0x80  }
0x94: {  	[sflag:s0] =	ssyncset.done $0x0  }
0x95: {  	[sflag:s0] =	ssyncadd.s32 $0xFFFFFF80  }
0x96: {  	[tilespmem:s3], [sflag:$0x2] =	stream.indirect.gather [hbm4b:s4+s29], $0x80, s25, s29, $0x2000b8;
	[tilespmem:$0x1FF00] =	vst v63  }
0x97: {  	_ =	swait.ge [sflag:s6], $0x80  }
0x98: {  	[sflag:s6] =	ssyncset.done $0x0  }
0x99: {  	[sflag:s6] =	ssyncadd.s32 $0xFFFFFF80  }
0x9a: {  	_ =	swait.ge [sflag:s7], $0x4000  }
0x9b: {  	p1 =	seq.s32 s16, $0x4B0;
	[sflag:s7] =	ssyncset.done $0x0  }
0x9c: {  	p2 =	seq.s32 @!p1 s16, $0x0;
	s10 =	sadd.s32 @!p1 s16, s21;
	[sflag:s7] =	ssyncadd.s32 $0xFFFFC000  }
0x9d: {  	[spmem:s1] =	stream.indirect.scatter.add.f32 [tilespmem:s22], [sflag:$0x4], $0x80, s26, s29, $0x2000b8;
	[tilespmem:$0x1FF00] =	vst v63  }
0x9e: {  	s23 =	simm.s32 @!p1 $0x0;
	s24 =	simm.s32 @!p1 $0x1FC00;
	p2 =	por p1, !p2  }
0x9f: {  	[tilespmem:s24], [sflag:$0x7] =	stream.linear.gather @!p1 [hbm4b:s10+s23], $0x80, $0x200038;
	[tilespmem:$0x1FF00] =	vst v63  }
0xa0: {  	_ =	swait.ge @p2 [sflag:s14], $0x4000  }
0xa1: {  	[sflag:s14] =	ssyncset.done @p2 $0x0  }
0xa2: {  	s23 =	sadd.s32 s16, s19;
	s24 =	simm.s32 $0x1FE80;
	[sflag:s14] =	ssyncadd.s32 @p2 $0xFFFFC000  }
0xa3: {  	[tilespmem:s24], [sflag:$0xC] =	stream.linear.gather [hbm4b:s23+s2], $0x80, $0x200038;
	[tilespmem:$0x1FF00] =	vst v63  }
0xa4: {  	_ =	swait.ge [sflag:s9], $0x80  }
0xa5: {  	[sflag:s9] =	ssyncset.done $0x0  }
0xa6: {  	[sflag:s9] =	ssyncadd.s32 $0xFFFFFF80  }
0xa7: {  	[tilespmem:s11], [sflag:$0x3] =	stream.indirect.gather [hbm4b:s4+s29], $0x80, s30, s29, $0x2000b8;
	[tilespmem:$0x1FF00] =	vst v63  }
0xa8: {  	_ =	swait.ge [sflag:s12], $0x80  }
0xa9: {  	[sflag:s12] =	ssyncset.done $0x0  }
.Ltmp3:
0xaa: {  	[sflag:s12] =	ssyncadd.s32 $0xFFFFFF80;
	(pc) =	sbr.rel @p1 .LBB2_6-.Ltmp3, $4  }
0xab: {  	_ =	swait.ge [sflag:s13], $0x4000  }
0xac: {  	[sflag:s13] =	ssyncset.done $0x0  }
0xad: {  	[sflag:s13] =	ssyncadd.s32 $0xFFFFC000  }
0xae: {  	[spmem:s1] =	stream.indirect.scatter.add.f32 [tilespmem:s3], [sflag:$0x5], $0x80, s31, s29, $0x2000b8;
	[tilespmem:$0x1FF00] =	vst v63  }
0xaf: {  	s10 =	sadd.s32 s16, s17  }
0xb0: {  	[tilespmem:s25], [sflag:$0x8] =	stream.linear.gather [hbm4b:s10+s2], $0x80, $0x200038;
	[tilespmem:$0x1FF00] =	vst v63  }
0xb1: {  	_ =	swait.ge [sflag:s15], $0x4000  }
0xb2: {  	[sflag:s15] =	ssyncset.done $0x0  }
0xb3: {  	s5 =	sadd.s32 $0x30, s5;
	[sflag:s15] =	ssyncadd.s32 $0xFFFFC000  }
0xb4: {  	[tilespmem:s26], [sflag:$0xA] =	stream.linear.gather [hbm4b:s5+s2], $0x80, $0x200038;
	[tilespmem:$0x1FF00] =	vst v63  }
.Ltmp4:
0xb5: {  	_ = 	snop;
	(pc) =	sbr.rel .LBB2_4-.Ltmp4, $4  }
0xb6: {  	_ =	swait.ge [sflag:s28], $0x80  }
0xb7: {  	[sflag:s28] =	ssyncset.done $0x0  }
0xb8: {  	s16 =	sadd.s32 $0x30, s16;
	[sflag:s28] =	ssyncadd.s32 $0xFFFFFF80  }
0xb9: {  	[tilespmem:s22], [sflag:$0x1] =	stream.indirect.gather [hbm4b:s4+s29], $0x80, s8, s29, $0x2000b8;
	[tilespmem:$0x1FF00] =	vst v63  }
.LBB2_7:
0xba: {  	_ =	sfence.sel $0x180000  }
0xbb: {  	[bflag:$0x0] =	sbarrier.arrive $0xFFFF  }
0xbc: {  	_ =	strace $0x90000050  }
0xbd: {  	s0 =	stileid.u32;
	[bflag:$0x2] =	sbarrier.arrive $0xFFFF  }
0xbe: {  	p0 =	sne.s32 s0, $0x0;
	s0 =	rddreg [dreg:$0x2]  }
0xbf: {  	s0 =	sadd.s32 @!p0 $0x100000, s0  }
0xc0: {  	[sflag:s0] =	ssyncadd.tile.s32 @!p0 $0x1;
	_ =	shalt  }
.Lfunc_end2:
_tile_overlayer_lowered:
.L_overlay_start_2:
0xc1: {  	(tag) =	ssettag $0x2  }
0xc2: {  	s0 =	rddreg [dreg:$0x0];
	s2 =	stileid.u32  }
0xc3: {  	s1 =	rddreg [dreg:$0x1];
	p0 =	sne.s32 s2, $0x0  }
0xc4: {  	s3 =	rddreg [dreg:$0x2];
	[bflag:$0x3] =	sbarrier.arrive $0xFFFF;
	s2 =	simm.s32 @!p0 $0x1C0D  }
0xc5: {  	[timem:s3], [sflag:s2] =	dma.local @!p0 [hbm:s0], s1  }
0xc6: {  	s0 =	simm.s32 @!p0 $0xD  }
0xc7: {  	_ =	swait.ge @!p0 [sflag:s0], s1  }
0xc8: {  	s1 =	ssub.s32 @!p0 $0x0, s1;
	[sflag:s0] =	ssyncset.done @!p0 $0x0  }
0xc9: {  	[sflag:s0] =	ssyncadd.s32 @!p0 s1  }
0xca: {  	[bflag:$0x3] =	sbarrier.arrive $0xFFFF  }
0xcb: {  	_ =	shalt  }

// kernel: kernel.8.cloned.1.call-start
scs
__scs_entry_jumppad:
0x0: {  	(pc) =	sbr.rel $0x88, $3  }
0x1: {  	(tag) =	ssettag $0x0;
	lr =	simm.s32 $0x1  }
0x2: {  	[smem:$0x3F9D] =	sst lr;
	_ =	strace $0xD0000000  }
0x3: {  	_ = 	snop  }
0x4: {  	_ = 	snop  }
0x5: {  	_ = 	snop  }
0x6: {  	_ = 	snop  }
0x7: {  	_ = 	snop  }
__scs_overlays_trampoline_lowered:
0x8: {  	[smem:$0x3FAC] =	sst s0  }
0x9: {  	[smem:$0x3FAD] =	sst s1  }
0xa: {  	[smem:$0x3FAE] =	sst s2  }
0xb: {  	[smem:$0x3FAF] =	sst s3  }
0xc: {  	[smem:$0x3FB0] =	sst s4  }
0xd: {  	[smem:$0x3FB1] =	sst s5  }
0xe: {  	[smem:$0x3FB2] =	sst s6  }
0xf: {  	[smem:$0x3FB3] =	sst s7  }
0x10: {  	[smem:$0x3FB4] =	sst s8  }
0x11: {  	[smem:$0x3FB5] =	sst s9;
	s0 =	simm.s32 @!p0 $0x0  }
0x12: {  	s1 =	sld [smem:$0x3F9B];
	s0 =	simm.s32 @p0 $0x1  }
0x13: {  	[smem:$0x3FB6] =	sst s0;
	s0 =	simm.s32 @!p1 $0x0  }
0x14: {  	s2 =	sld [smem:$0x3F9A];
	s0 =	simm.s32 @p1 $0x1  }
0x15: {  	[smem:$0x3FB7] =	sst s0;
	s0 =	simm.s32 @!p2 $0x0  }
0x16: {  	s3 =	sld [smem:$0x3FDB];
	s0 =	simm.s32 @p2 $0x1  }
0x17: {  	s4 =	simm.s32 $0x1BF5;
	[smem:$0x3FB9] =	sst s0  }
0x18: {  	s0 =	sld [smem:$0x3F9C];
	_ =	swait.ge [sflag:s4], $0x0  }
0x19: {  	s7 =	sld [smem:$0x3F9D]  }
0x1a: {  	s8 =	sadd.s32 $0xFFFFE003, lr  }
0x1b: {  	s9 =	sadd.s32 $0xFFFFFEF7, lr;
	s5 =	simm.s32 $0xFFFFFFFF;
	p2 =	slt.u32 s8, $0xFFFFF086  }
0x1c: {  	p1 =	slt.u32 s9, $0xF7A;
	s5 =	simm.s32 @!p2 $0x0  }
0x1d: {  	s5 =	simm.s32 @p1 $0x1;
	p0 =	seq.s32 s7, s2  }
0x1e: {  	s7 =	smul.u32 @!p0 $0xF7A, s2;
	p2 =	seq.s32 @!p0 s5, $0x0  }
0x1f: {  	s9 =	smul.u32 $0xF7A, s1;
	s8 =	simm.s32 @!p0 $0x1BF5;
	p2 =	por !p2, p0  }
0x20: {  	[sflag:s8] =	ssyncset.s32 @!p0 $0xFFFFF086;
	s6 =	sadd.s32 @!p0 s3, s7;
	s7 =	simm.s32 @!p0 $0x108  }
0x21: {  	s3 =	sadd.s32 s3, s9;
	s6 =	sadd.s32 @!p0 $0x88, s6;
	s7 =	simm.s32 @p2 $0x1082  }
0x22: {  	[simem:s7], [sflag:s8] =	dma.local @!p0 [hbm:s6], $0xF7A  }
0x23: {  	s9 =	sor.u32 $0xD0000000, s2;
	s6 =	simm.s32 $0x108;
	_ =	swait.ge @!p0 [sflag:s8], $0x0  }
0x24: {  	s3 =	sadd.s32 $0x88, s3;
	s6 =	simm.s32 @!p1 $0x1082;
	[sflag:s4] =	ssyncset.s32 $0xFFFFF086  }
0x25: {  	[simem:s6], [sflag:s4] =	dma.local [hbm:s3], $0xF7A  }
0x26: {  	[smem:$0x3F9D] =	sst s1;
	(tag) =	ssettag s2;
	_ =	strace s9  }
0x27: {  	s1 =	sld [smem:$0x3FAD]  }
0x28: {  	s2 =	sld [smem:$0x3FAE]  }
0x29: {  	s4 =	sld [smem:$0x3FB0]  }
0x2a: {  	p0 =	seq.s32 s5, $0x0;
	s5 =	sld [smem:$0x3FB1]  }
0x2b: {  	s6 =	sld [smem:$0x3FB2]  }
0x2c: {  	s7 =	sld [smem:$0x3FB3]  }
0x2d: {  	s3 =	simm.s32 $0x108;
	s8 =	sld [smem:$0x3FB4]  }
0x2e: {  	s3 =	simm.s32 @!p0 $0x1082;
	s9 =	sld [smem:$0x3FB5]  }
0x2f: {  	lr =	sadd.s32 s0, s3;
	s0 =	sld [smem:$0x3FAC]  }
0x30: {  	s3 =	sld [smem:$0x3FAF]  }
0x31: {  	[smem:$0x3FB8] =	sst s10  }
0x32: {  	s10 =	sld [smem:$0x3FB6];
	_ =	sdelay $0x3  }
0x33: {  	p0 =	seq.s32 s10, $0x1;
	s10 =	sld [smem:$0x3FB8];
	_ =	sdelay $0x3  }
0x34: {  	[smem:$0x3FB8] =	sst s10  }
0x35: {  	s10 =	sld [smem:$0x3FB7];
	_ =	sdelay $0x3  }
0x36: {  	p1 =	seq.s32 s10, $0x1;
	s10 =	sld [smem:$0x3FB8];
	_ =	sdelay $0x3  }
0x37: {  	[smem:$0x3FB8] =	sst s10  }
0x38: {  	s10 =	sld [smem:$0x3FB9]  }
0x39: {  	_ = 	snop;
	(pc) =	sbr.ind lr, $3  }
0x3a: {  	_ = 	snop  }
0x3b: {  	_ = 	snop  }
0x3c: {  	p2 =	seq.s32 s10, $0x1;
	s10 =	sld [smem:$0x3FB8]  }
0x3d: {  	_ =	shalt  }
0x3e: {  	_ =	shalt  }
0x3f: {  	_ =	shalt  }
0x40: {  	_ =	shalt  }
0x41: {  	_ =	shalt  }
0x42: {  	_ =	shalt  }
0x43: {  	_ =	shalt  }
0x44: {  	_ =	shalt  }
0x45: {  	_ =	shalt  }
0x46: {  	_ =	shalt  }
0x47: {  	_ =	shalt  }
0x48: {  	_ =	shalt  }
0x49: {  	_ =	shalt  }
0x4a: {  	_ =	shalt  }
0x4b: {  	_ =	shalt  }
0x4c: {  	_ =	shalt  }
0x4d: {  	_ =	shalt  }
0x4e: {  	_ =	shalt  }
0x4f: {  	_ =	shalt  }
0x50: {  	_ =	shalt  }
0x51: {  	_ =	shalt  }
0x52: {  	_ =	shalt  }
0x53: {  	_ =	shalt  }
0x54: {  	_ =	shalt  }
0x55: {  	_ =	shalt  }
0x56: {  	_ =	shalt  }
0x57: {  	_ =	shalt  }
0x58: {  	_ =	shalt  }
0x59: {  	_ =	shalt  }
0x5a: {  	_ =	shalt  }
0x5b: {  	_ =	shalt  }
0x5c: {  	_ =	shalt  }
0x5d: {  	_ =	shalt  }
0x5e: {  	_ =	shalt  }
0x5f: {  	_ =	shalt  }
0x60: {  	_ =	shalt  }
0x61: {  	_ =	shalt  }
0x62: {  	_ =	shalt  }
0x63: {  	_ =	shalt  }
0x64: {  	_ =	shalt  }
0x65: {  	_ =	shalt  }
0x66: {  	_ =	shalt  }
0x67: {  	_ =	shalt  }
0x68: {  	_ =	shalt  }
0x69: {  	_ =	shalt  }
0x6a: {  	_ =	shalt  }
0x6b: {  	_ =	shalt  }
0x6c: {  	_ =	shalt  }
0x6d: {  	_ =	shalt  }
0x6e: {  	_ =	shalt  }
0x6f: {  	_ =	shalt  }
0x70: {  	_ =	shalt  }
0x71: {  	_ =	shalt  }
0x72: {  	_ =	shalt  }
0x73: {  	_ =	shalt  }
0x74: {  	_ =	shalt  }
0x75: {  	_ =	shalt  }
0x76: {  	_ =	shalt  }
0x77: {  	_ =	shalt  }
0x78: {  	_ =	shalt  }
0x79: {  	_ =	shalt  }
0x7a: {  	_ =	shalt  }
0x7b: {  	_ =	shalt  }
0x7c: {  	_ =	shalt  }
0x7d: {  	_ =	shalt  }
0x7e: {  	_ =	shalt  }
0x7f: {  	_ =	shalt  }
0x80: {  	_ =	shalt  }
0x81: {  	_ =	shalt  }
0x82: {  	_ =	shalt  }
0x83: {  	_ =	shalt  }
0x84: {  	_ =	shalt  }
0x85: {  	_ =	shalt  }
0x86: {  	_ =	shalt  }
0x87: {  	_ =	shalt  }
.Lfunc_end0:
.L_simem_size_0:
called_computation_lowered:
.L_overlay_start_0:
0x88: {  	s2 =	sld [smem:$0x3FD9]  }
0x89: {  	s3 =	sld [smem:$0x3FFE];
	_ =	sdelay $0x1  }
0x8a: {  	s1 =	srdreg.scid  }
0x8b: {  	s0 =	sand.u32 $0x1, s1  }
0x8c: {  	s17 =	sshll.u32 s0, $0xA;
	s2 =	sadd.s32 s3, s2  }
0x8d: {  	s2 =	sadd.s32 s2, s17  }
0x8e: {  	[smem:$0x3FC4] =	sst s2  }
0x8f: {  	_ = 	snop  }
0x90: {  	s2 =	sld [smem:$0x3FD0];
	(tm) =	ssettm $0x1  }
0x91: {  	s18 =	sld [smem:$0x3FFB];
	_ =	sdelay $0x3  }
0x92: {  	_ =	strace s18  }
0x93: {  	s3 =	sld [smem:$0x3FFC];
	_ =	sdelay $0x3  }
0x94: {  	_ =	strace s3  }
0x95: {  	s3 =	sld [smem:$0x3FFD];
	_ =	sdelay $0x3  }
0x96: {  	_ =	strace s3  }
0x97: {  	_ =	strace $0x8FFFFFFF  }
0x98: {  	s19 =	sld [smem:$0x3FDB];
	_ =	sdelay $0x1  }
0x99: {  	s4 =	simm.s32 $_scs_section_size  }
0x9a: {  	s5 =	simm.s32 $_size__tile_overlayer_lowered;
	s6 =	simm.s32 $_tile_overlayer_lowered  }
0x9b: {  	s22 =	simm.s32 $0x1BFF;
	s21 =	sshll.u32 s6, $0x1;
	s3 =	sadd.s32 s4, s19  }
0x9c: {  	s7 =	simm.s32 $0x0;
	s20 =	sshll.u32 s5, $0x1;
	s5 =	sadd.s32 s21, s3  }
0x9d: {  	[timem:s7], [sflag:s22] =	dma.local [hbm:s5], s20  }
0x9e: {  	_ =	swait.ge [sflag:s22], s20  }
0x9f: {  	s4 =	ssub.s32 $0x0, s20;
	[sflag:s22] =	ssyncset.done $0x0  }
0xa0: {  	[sflag:s22] =	ssyncadd.s32 s4;
	_ =	sdelay $0x1  }
0xa1: {  	s23 =	simm.s32 $0x1B8B  }
0xa2: {  	_ =	swait.ge [sflag:s23], $0x1  }
0xa3: {  	[sflag:s23] =	ssyncset.done $0x0  }
0xa4: {  	s25 =	simm.s32 $0x1B8E;
	s24 =	sld [smem:$0x3FFE];
	[sflag:s23] =	ssyncadd.s32 $0xFFFFFFFF  }
0xa5: {  	s26 =	simm.s32 $execute0_lowered;
	[smem:$0x3FD2] =	sst s25  }
0xa6: {  	s5 =	sshll.u32 s26, $0x1;
	_ =	strace $0x80000046;
	[dreg:$0x1] =	wrdreg $0xFFFFFFFF  }
0xa7: {  	s28 =	simm.s32 $_size_execute0_lowered;
	s3 =	sadd.s32 s3, s5;
	[dreg:$0x0] =	wrdreg $0x0  }
0xa8: {  	s5 =	sshll.u32 s28, $0x1;
	[dreg:$0x2] =	wrdreg s3  }
0xa9: {  	[dreg:$0x3] =	wrdreg s5  }
0xaa: {  	[dreg:$0x4] =	wrdreg $0xC0  }
0xab: {  	_ =	task [dreg:s7], $0x5FFFF  }
0xac: {  	[dreg:$0x1] =	wrdreg $0xFFFFFFFF  }
0xad: {  	[dreg:$0x0] =	wrdreg $0x60  }
0xae: {  	[dreg:$0x2] =	wrdreg s24  }
0xaf: {  	[dreg:$0x3] =	wrdreg s2  }
0xb0: {  	[dreg:$0x4] =	wrdreg $0x9  }
0xb1: {  	_ =	task.clear_ibuf [dreg:s7], $0x5FFFF;
	_ =	strace $0x90000046  }
0xb2: {  	s29 =	simm.s32 $0x9;
	_ =	strace $0x80000048  }
0xb3: {  	_ =	swait.ge [sflag:s29], $0x1  }
0xb4: {  	[sflag:s29] =	ssyncadd.s32 $0xFFFFFFFF  }
0xb5: {  	_ =	strace $0x90000048  }
0xb6: {  	_ =	sfence  }
0xb7: {  	s30 =	sld [smem:$0x0];
	_ =	sdelay $0x2  }
0xb8: {  	s31 =	sshll.u32 s1, $0xD;
	s1 =	sshrl.u32 s1, $0x2  }
0xb9: {  	s3 =	sand.u32 $0x4000, s31;
	s1 =	sadd.s32 s1, s30  }
0xba: {  	s0 =	sor.u32 s3, s0;
	s1 =	sshll.u32 s1, $0x11  }
0xbb: {  	s0 =	sor.u32 s1, s0  }
0xbc: {  	s0 =	sadd.s32 $0x8F2B, s0  }
0xbd: {  	[sflag:s0] =	ssyncadd.remote.s32 $0x1  }
0xbe: {  	_ =	sfence.sel $0xFFFF  }
0xbf: {  	[dreg:$0x0] =	wrdreg $0xFFFFFFFF;
	(pc) =	sbr.abs _section_cstart, $3  }
0xc0: {  	[dreg:$0x1] =	wrdreg $0xFFFFFFFF  }
0xc1: {  	_ =	task.clear_ibuf [dreg:s7], $0x2FFFF;
	_ =	strace $0x9FFFFFFF  }
0xc2: {  	(tm) =	ssettm $0x7FFFFFFF  }
0xc3: {  	_ =	shalt  }
tec
execute0_lowered:
.L_overlay_start_1:
0x0: {  	(tag) =	ssettag $0x1  }
0x1: {  	s3 =	rddreg [dreg:$0x0]  }
0x2: {  	s5 =	rddreg [dreg:$0x1]  }
0x3: {  	s0 =	rddreg [dreg:$0x2];
	s4 =	srdreg.scid  }
0x4: {  	s1 =	stileid.u32;
	s2 =	simm.s32 $0x0;
	s10 =	simm.s32 $0x0  }
0x5: {  	s4 =	sand.u32 $0x1, s4;
	s6 =	sshll.u32 s1, $0x1;
	[smem:$0x7FF] =	sst s2  }
0x6: {  	s3 =	sadd.s32 $0xD800, s3;
	p0 =	sgt.u32 s1, $0x1;
	s6 =	sor.u32 s4, s6  }
0x7: {  	s4 =	ssub.s32 $0x2, s4;
	_ =	strace $0x80000047;
	s7 =	smul.u32 $0x4E0, s6  }
0x8: {  	s8 =	sshrl.u32 s4, $0x1;
	s9 =	sshll.u32 s6, $0x4;
	s6 =	smul.u32 $0x4F0, s6  }
0x9: {  	s8 =	ssub.s32 s4, s8;
	s31 =	sadd.s32 s9, s3;
	s9 =	simm.s32 $0x2  }
0xa: {  	s3 =	sadd.s32 s3, s7;
	s4 =	sadd.s32 $0x9C00, s31;
	s5 =	sadd.s32 s5, s6  }
0xb: {  	v0 =	vimm.f32 $0.0e+00;
	v1 =	vimm.f32 $1.000000000e+00;
	s6 =	smax.u32 s8, $0x1;
	s7 =	simm.s32 $0x2780;
	s8 =	simm.s32 $0x1  }
.LBB2_1:
0xc: {  	[tilespmem:s7], [sflag:$0x1] =	stream.linear.gather [hbm4b:s3+s2], $0x2700, $0x38;
	[tilespmem:$0x4F00] =	vst v63  }
0xd: {  	s11 =	simm.s32 @!p0 $0x0;
	s12 =	simm.s32 @!p0 $0x4E80  }
0xe: {  	[tilespmem:s12], [sflag:$0x1] =	stream.linear.gather @!p0 [hbm4b:s4+s11], $0x80, $0x38;
	[tilespmem:$0x4F00] =	vst v63  }
0xf: {  	s11 =	simm.s32 $0x40;
	s12 =	simm.s32 $0x0  }
.LBB2_2:
0x10: {  	p1 =	sne.s32 s11, $0x9DC0;
	[tilespmem:s12+$0x0] =	vst v0;
	s12 =	smov.u32 s11;
	s11 =	sadd.s32 $0x40, s11  }
.Ltmp0:
0x11: {  	(pc) =	sbr.rel @p1 .LBB2_2-.Ltmp0, $2  }
0x12: {  	_ =	sdelay $0x2  }
0x13: {  	s12 =	sshra.s32 s12, $0x2  }
0x14: {  	[tilespmem:s12+$0x0] =	vst v0;
	s12 =	simm.s32 @!p0 $0x278  }
0x15: {  	_ =	swait.ge [sflag:s8], $0x2700;
	s12 =	simm.s32 @p0 $0x270  }
0x16: {  	[sflag:s8] =	ssyncset.done $0x0;
	p1 =	sne.s32 s12, $0x1  }
.Ltmp1:
0x17: {  	s11 =	simm.s32 @!p0 $0x1;
	[sflag:s8] =	ssyncadd.s32 $0xFFFFD900;
	(pc) =	sbr.rel @!p1 .LBB2_5-.Ltmp1, $4  }
0x18: {  	_ =	swait.ge @!p0 [sflag:s11], $0x80  }
0x19: {  	[sflag:s11] =	ssyncset.done @!p0 $0x0  }
0x1a: {  	[sflag:s11] =	ssyncadd.s32 @!p0 $0xFFFFFF80;
	s11 =	simm.s32 $0x2780  }
0x1b: {  	s12 =	sadd.s32 $0xFFFFFFFF, s12;
	v2 =	vld [tilespmem:s11+$0x0]  }
.LBB2_4:
0x1c: {  	p1 =	sne.s32 s12, $0x1;
	_ =	sdelay $0x3  }
.Ltmp2:
0x1d: {  	(pc) =	sbr.rel @p1 .LBB2_4-.Ltmp2, $3  }
0x1e: {  	_ =	sdelay $0x1  }
0x1f: {  	s11 =	sadd.s32 $0x10, s11;
	[tilespmem:v2+s2+$0x0] =	vst.idx.add.f32.msk $0xffff, v1  }
0x20: {  	s12 =	sadd.s32 $0xFFFFFFFF, s12;
	v2 =	vld [tilespmem:s11+$0x0]  }
.LBB2_5:
0x21: {  	_ =	sdelay $0x5  }
0x22: {  	s10 =	sadd.s32 $0x1, s10  }
0x23: {  	p1 =	sne.s32 s10, s6  }
.Ltmp3:
0x24: {  	[tilespmem:v2+s2+$0x0] =	vst.idx.add.f32.msk $0xffff, v1;
	(pc) =	sbr.rel @p1 .LBB2_1-.Ltmp3, $4  }
0x25: {  	[hbm4b:s5+s2] =	stream.linear.scatter [tilespmem:s2], [sflag:$0x2], $0x2780, $0x38;
	[tilespmem:$0x4F00] =	vst v63  }
0x26: {  	_ =	swait.ge [sflag:s9], $0x2780  }
0x27: {  	[sflag:s9] =	ssyncset.done $0x0  }
0x28: {  	[sflag:s9] =	ssyncadd.s32 $0xFFFFD880  }
0x29: {  	_ =	sfence.sel $0x180000  }
0x2a: {  	[bflag:$0x0] =	sbarrier.arrive $0xFFFF  }
0x2b: {  	p0 =	sne.s32 s1, $0x0;
	_ =	strace $0x90000047  }
0x2c: {  	s0 =	sadd.s32 @!p0 $0x100000, s0;
	[bflag:$0x2] =	sbarrier.arrive $0xFFFF  }
0x2d: {  	[sflag:s0] =	ssyncadd.tile.s32 @!p0 $0x1;
	_ =	shalt  }
.Lfunc_end2:
_tile_overlayer_lowered:
.L_overlay_start_2:
0x2e: {  	(tag) =	ssettag $0x2  }
0x2f: {  	s0 =	rddreg [dreg:$0x0];
	s2 =	stileid.u32  }
0x30: {  	s1 =	rddreg [dreg:$0x1];
	p0 =	sne.s32 s2, $0x0  }
0x31: {  	s3 =	rddreg [dreg:$0x2];
	[bflag:$0x3] =	sbarrier.arrive $0xFFFF;
	s2 =	simm.s32 @!p0 $0x1C02  }
0x32: {  	[timem:s3], [sflag:s2] =	dma.local @!p0 [hbm:s0], s1  }
0x33: {  	s0 =	simm.s32 @!p0 $0x2  }
0x34: {  	_ =	swait.ge @!p0 [sflag:s0], s1  }
0x35: {  	s1 =	ssub.s32 @!p0 $0x0, s1;
	[sflag:s0] =	ssyncset.done @!p0 $0x0  }
0x36: {  	[sflag:s0] =	ssyncadd.s32 @!p0 s1  }
0x37: {  	[bflag:$0x3] =	sbarrier.arrive $0xFFFF  }
0x38: {  	_ =	shalt  }

</sc_bundles>
